<compile_context>
chip_gen: v7x
topology: tpu7x:2x2x1
jax: 0.10.2.dev20260603
libtpu: 0.0.44.dev20260713+nightly
codegen_flags: <defaults>
</compile_context>

<pallas_src>
import functools

import jax
import jax.numpy as jnp
from jax import lax
from jax.experimental import pallas as pl
from jax.experimental.pallas import tpu as pltpu
from jax.experimental.pallas import tpu_sc as plsc

EMB = 32
LB = 128
NBUF = 2


@functools.lru_cache(maxsize=None)
def _build(nb_total, na, nrel):
    info = plsc.get_sparse_core_info()
    nw = info.num_cores * info.num_subcores
    ntb = nb_total // LB
    ngroups = na * ntb
    gpw = ngroups // nw
    assert gpw % NBUF == 0
    mesh = plsc.VectorSubcoreMesh(core_axis_name="c", subcore_axis_name="s")

    @functools.partial(
        pl.kernel,
        mesh=mesh,
        compiler_params=pltpu.CompilerParams(use_tc_tiling_on_sc=False,
                                             needs_layout_passes=False),
        out_type=jax.ShapeDtypeStruct((na, 8, ntb, 8, LB), jnp.float32),
        scratch_types=[
            pltpu.VMEM((EMB, nrel), jnp.float32),
            [pltpu.VMEM((LB,), jnp.int32) for _ in range(NBUF)],
            [pltpu.VMEM((LB,), jnp.int32) for _ in range(NBUF)],
            [pltpu.VMEM((LB, EMB), jnp.float32) for _ in range(NBUF)],
            [pltpu.VMEM((8, 8, LB), jnp.float32) for _ in range(NBUF)],
            [pltpu.SemaphoreType.DMA for _ in range(NBUF)],
            [pltpu.SemaphoreType.DMA for _ in range(NBUF)],
            [pltpu.SemaphoreType.DMA for _ in range(NBUF)],
        ],
    )
    def k(rel_idx_hbm, ent_idx_hbm, rel_tab_t, ent_tab, out_hbm,
          relt, idxr, idxe, ee, tb3, semi, semg, semo):
        wid = lax.axis_index("s") * info.num_cores + lax.axis_index("c")
        g_base = wid * gpw
        iota = lax.iota(jnp.int32, 16)
        row_vecs = [iota + (16 * kk) for kk in range(LB // 16)]

        pltpu.sync_copy(rel_tab_t, relt)

        def start_idx(g, b):
            f0 = pl.multiple_of((g_base + g) * LB, LB)
            pltpu.async_copy(rel_idx_hbm.at[pl.ds(f0, LB)], idxr[b], semi[b])
            pltpu.async_copy(ent_idx_hbm.at[pl.ds(f0, LB)], idxe[b], semi[b])

        def wait_idx(b):
            pltpu.make_async_copy(rel_idx_hbm.at[pl.ds(0, LB)], idxr[b],
                                  semi[b]).wait()
            pltpu.make_async_copy(ent_idx_hbm.at[pl.ds(0, LB)], idxe[b],
                                  semi[b]).wait()

        def start_gather(b):
            pltpu.async_copy(ent_tab.at[idxe[b]], ee[b], semg[b])

        def wait_gather(b):
            pltpu.make_async_copy(ent_tab.at[idxe[b]], ee[b], semg[b]).wait()

        def out_slice(g):
            gid = g_base + g
            return out_hbm.at[gid // ntb, :, lax.rem(gid, ntb)]

        def start_out(g, b):
            pltpu.async_copy(tb3[b], out_slice(g), semo[b])

        def wait_out(b):
            pltpu.make_async_copy(tb3[b], out_hbm.at[0, :, 0], semo[b]).wait()

        def transpose(b):
            r_vecs = [idxr[b][pl.ds(kk * 16, 16)] for kk in range(LB // 16)]

            @plsc.parallel_loop(0, EMB, 1, unroll=4)
            def _(c):
                cdiv = c // 8
                cmod = lax.rem(c, 8)
                c_vec = jnp.broadcast_to(c, (16,))
                for kk in range(LB // 16):
                    v = plsc.load_gather(relt, [c_vec, r_vecs[kk]])
                    tb3[b][cdiv, cmod, pl.ds(kk * 16, 16)] = v
                cdiv2 = (c + EMB) // 8
                cmod2 = lax.rem(c + EMB, 8)
                for kk in range(LB // 16):
                    v = plsc.load_gather(ee[b], [row_vecs[kk], c_vec])
                    tb3[b][cdiv2, cmod2, pl.ds(kk * 16, 16)] = v

        for b in range(NBUF):
            start_idx(b, b)
        for b in range(NBUF - 1):
            wait_idx(b)
            start_gather(b)

        def pair(h, carry):
            for b in range(NBUF):
                g = h * NBUF + b
                wait_gather(b)

                @pl.when(g + NBUF < gpw)
                def _():
                    start_idx(g + NBUF, b)

                @pl.when(g + NBUF - 1 < gpw)
                def _():
                    bn = (b + NBUF - 1) % NBUF
                    wait_idx(bn)
                    start_gather(bn)

                @pl.when(h >= 1)
                def _():
                    wait_out(b)

                transpose(b)
                start_out(g, b)
            return carry

        lax.fori_loop(0, gpw // NBUF, pair, 0)
        for b in range(NBUF):
            wait_out(b)

    return k


def kernel(next_relations, next_entities, relation_table, entity_table):
    b, a = next_relations.shape
    rel_idx = next_relations.T.reshape(b * a).astype(jnp.int32)
    ent_idx = (next_entities.T.reshape(b * a) * 4).astype(jnp.int32)
    out5 = _build(b, a, relation_table.shape[0])(
        rel_idx, ent_idx, relation_table.T,
        jnp.pad(entity_table, ((0, 0), (0, 96))).reshape(4 * entity_table.shape[0], EMB))
    return out5.transpose(2, 4, 0, 1, 3).reshape(b, a, 2 * EMB)

# --- scband reference (transcript-rebuilt; emitter-appended) ---
"""Pipeline reference for scband-judge-12919261626736 (READ-ONLY COPY).

The authoritative reference and input builder live on the scoring server;
editing this copy changes nothing except your own understanding.
"""

import jax, jax.numpy as jnp
import numpy as np

REL_VOCAB = 1000
ENT_VOCAB = 1000000
EMB = 32
B = 4096
A = 200


def _glorot(key, shape):
    fan_in, fan_out = shape[0], shape[1]
    limit = np.sqrt(6.0 / (fan_in + fan_out))
    return jax.random.uniform(key, shape, dtype=jnp.float32, minval=-limit, maxval=limit)


def setup_inputs(seed: int = 0) -> dict:
    key = jax.random.key(seed)
    k1, k2, k3, k4 = jax.random.split(key, 4)
    next_relations = jax.random.randint(k1, (B, A), 0, REL_VOCAB, dtype=jnp.int64 if jax.config.jax_enable_x64 else jnp.int32)
    next_entities = jax.random.randint(k2, (B, A), 0, ENT_VOCAB, dtype=jnp.int64 if jax.config.jax_enable_x64 else jnp.int32)
    relation_table = _glorot(k3, (REL_VOCAB, EMB))
    entity_table = _glorot(k4, (ENT_VOCAB, EMB))
    return {
        "next_relations": next_relations,
        "next_entities": next_entities,
        "relation_table": relation_table,
        "entity_table": entity_table,
    }


def reference(next_relations, next_entities, relation_table, entity_table):
    # Judge.action_encoder_judge with use_entity_embeddings=True:
    # relation embedding lookup + entity embedding lookup, concat on last axis.
    relation_embedding = jnp.take(relation_table, next_relations, axis=0)
    entity_embedding = jnp.take(entity_table, next_entities, axis=0)
    action_embedding = jnp.concatenate([relation_embedding, entity_embedding], axis=-1)
    return action_embedding

if __name__ == "__main__":
    import jax
    _d = setup_inputs()
    print(jax.jit(kernel)(*tuple(_d.values())))

</pallas_src>

<mosaic_0001>
#map = affine_map<(d0, d1) -> (0)>
#map1 = affine_map<(d0, d1) -> (0, 0)>
#map2 = affine_map<(d0, d1) -> (0, 0, 0, 0, 0)>
module attributes {stable_mosaic.version = 14 : i64} {
  func.func @k(%arg0: i32, %arg1: i32, %arg2: memref<819200xi32, #tpu.memory_space<hbm>>, %arg3: memref<819200xi32, #tpu.memory_space<hbm>>, %arg4: memref<32x1000xf32, #tpu.memory_space<hbm>>, %arg5: memref<4000000x32xf32, #tpu.memory_space<hbm>>, %arg6: memref<200x8x32x8x128xf32, #tpu.memory_space<hbm>>, %arg7: memref<32x1000xf32, #tpu.memory_space<vmem>>, %arg8: memref<128xi32, #tpu.memory_space<vmem>>, %arg9: memref<128xi32, #tpu.memory_space<vmem>>, %arg10: memref<128xi32, #tpu.memory_space<vmem>>, %arg11: memref<128xi32, #tpu.memory_space<vmem>>, %arg12: memref<128x32xf32, #tpu.memory_space<vmem>>, %arg13: memref<128x32xf32, #tpu.memory_space<vmem>>, %arg14: memref<8x8x128xf32, #tpu.memory_space<vmem>>, %arg15: memref<8x8x128xf32, #tpu.memory_space<vmem>>, %arg16: memref<!tpu.dma_semaphore, #tpu.memory_space<semaphore_mem>>, %arg17: memref<!tpu.dma_semaphore, #tpu.memory_space<semaphore_mem>>, %arg18: memref<!tpu.dma_semaphore, #tpu.memory_space<semaphore_mem>>, %arg19: memref<!tpu.dma_semaphore, #tpu.memory_space<semaphore_mem>>, %arg20: memref<!tpu.dma_semaphore, #tpu.memory_space<semaphore_mem>>, %arg21: memref<!tpu.dma_semaphore, #tpu.memory_space<semaphore_mem>>) attributes {dimension_semantics = [#tpu.dimension_semantics<core_parallel>, #tpu.dimension_semantics<subcore_parallel>], iteration_bounds = array<i64: 2, 16>, scalar_prefetch = 0 : i64, scratch_operands = 15 : i64, tpu.core_type = #tpu.core_type<sc_vector_subcore>, window_params = [{transform_indices = #map}, {transform_indices = #map}, {transform_indices = #map1}, {transform_indices = #map1}, {transform_indices = #map2}]} {
    %mul3A = arith.constant 2 : i32
    %mul3A_0 = arith.muli %arg1, %mul3A : i32
    %add3A = arith.addi %mul3A_0, %arg0 : i32
    %mul3A_1 = arith.constant 200 : i32
    %mul3A_2 = arith.muli %add3A, %mul3A_1 : i32
    %iota3A = tpu.iota {dimensions = array<i32: 0>} : vector<16xi32>
    %add3A_3 = arith.constant 0 : i32
    %add3A_4 = vector.broadcast %add3A_3 : i32 to vector<16xi32>
    %add3A_5 = arith.addi %iota3A, %add3A_4 : vector<16xi32>
    %add3A_6 = arith.constant 16 : i32
    %add3A_7 = vector.broadcast %add3A_6 : i32 to vector<16xi32>
    %add3A_8 = arith.addi %iota3A, %add3A_7 : vector<16xi32>
    %add3A_9 = arith.constant 32 : i32
    %add3A_10 = vector.broadcast %add3A_9 : i32 to vector<16xi32>
    %add3A_11 = arith.addi %iota3A, %add3A_10 : vector<16xi32>
    %add3A_12 = arith.constant 48 : i32
    %add3A_13 = vector.broadcast %add3A_12 : i32 to vector<16xi32>
    %add3A_14 = arith.addi %iota3A, %add3A_13 : vector<16xi32>
    %add3A_15 = arith.constant 64 : i32
    %add3A_16 = vector.broadcast %add3A_15 : i32 to vector<16xi32>
    %add3A_17 = arith.addi %iota3A, %add3A_16 : vector<16xi32>
    %add3A_18 = arith.constant 80 : i32
    %add3A_19 = vector.broadcast %add3A_18 : i32 to vector<16xi32>
    %add3A_20 = arith.addi %iota3A, %add3A_19 : vector<16xi32>
    %add3A_21 = arith.constant 96 : i32
    %add3A_22 = vector.broadcast %add3A_21 : i32 to vector<16xi32>
    %add3A_23 = arith.addi %iota3A, %add3A_22 : vector<16xi32>
    %add3A_24 = arith.constant 112 : i32
    %add3A_25 = vector.broadcast %add3A_24 : i32 to vector<16xi32>
    %add3A_26 = arith.addi %iota3A, %add3A_25 : vector<16xi32>
    "tpu.region"() ({
      %run_scoped3A = tpu.sem_alloc : memref<!tpu.dma_semaphore, #tpu.memory_space<semaphore_mem>>
      tpu.enqueue_dma source(%arg4 : memref<32x1000xf32, #tpu.memory_space<hbm>>) target(%arg7 : memref<32x1000xf32, #tpu.memory_space<vmem>>) target_semaphore(%run_scoped3A : memref<!tpu.dma_semaphore, #tpu.memory_space<semaphore_mem>>)
      tpu.wait_dma2 semaphore(%run_scoped3A : memref<!tpu.dma_semaphore, #tpu.memory_space<semaphore_mem>>) src(%arg4 : memref<32x1000xf32, #tpu.memory_space<hbm>>) dst(%arg7 : memref<32x1000xf32, #tpu.memory_space<vmem>>)
      tpu.yield
    }) : () -> ()
    %add3A_27 = arith.constant 0 : i32
    %add3A_28 = arith.addi %mul3A_2, %add3A_27 : i32
    %mul3A_29 = arith.constant 128 : i32
    %mul3A_30 = arith.muli %add3A_28, %mul3A_29 : i32
    %multiple_of3A = tpu.assume_multiple %mul3A_30, 128 : i32
    %dma_start3A = tpu.memref_slice %arg2[%multiple_of3A] : memref<819200xi32, #tpu.memory_space<hbm>> -> memref<128xi32, #tpu.memory_space<hbm>>
    %dma_start3A_31 = tpu.memref_slice %arg2[%multiple_of3A] : memref<819200xi32, #tpu.memory_space<hbm>> -> memref<128xi32, #tpu.memory_space<hbm>>
    tpu.enqueue_dma source(%dma_start3A_31 : memref<128xi32, #tpu.memory_space<hbm>>) target(%arg8 : memref<128xi32, #tpu.memory_space<vmem>>) target_semaphore(%arg16 : memref<!tpu.dma_semaphore, #tpu.memory_space<semaphore_mem>>)
    %dma_start3A_32 = tpu.memref_slice %arg3[%multiple_of3A] : memref<819200xi32, #tpu.memory_space<hbm>> -> memref<128xi32, #tpu.memory_space<hbm>>
    %dma_start3A_33 = tpu.memref_slice %arg3[%multiple_of3A] : memref<819200xi32, #tpu.memory_space<hbm>> -> memref<128xi32, #tpu.memory_space<hbm>>
    tpu.enqueue_dma source(%dma_start3A_33 : memref<128xi32, #tpu.memory_space<hbm>>) target(%arg10 : memref<128xi32, #tpu.memory_space<vmem>>) target_semaphore(%arg16 : memref<!tpu.dma_semaphore, #tpu.memory_space<semaphore_mem>>)
    %add3A_34 = arith.constant 1 : i32
    %add3A_35 = arith.addi %mul3A_2, %add3A_34 : i32
    %mul3A_36 = arith.constant 128 : i32
    %mul3A_37 = arith.muli %add3A_35, %mul3A_36 : i32
    %multiple_of3A_38 = tpu.assume_multiple %mul3A_37, 128 : i32
    %dma_start3A_39 = tpu.memref_slice %arg2[%multiple_of3A_38] : memref<819200xi32, #tpu.memory_space<hbm>> -> memref<128xi32, #tpu.memory_space<hbm>>
    %dma_start3A_40 = tpu.memref_slice %arg2[%multiple_of3A_38] : memref<819200xi32, #tpu.memory_space<hbm>> -> memref<128xi32, #tpu.memory_space<hbm>>
    tpu.enqueue_dma source(%dma_start3A_40 : memref<128xi32, #tpu.memory_space<hbm>>) target(%arg9 : memref<128xi32, #tpu.memory_space<vmem>>) target_semaphore(%arg17 : memref<!tpu.dma_semaphore, #tpu.memory_space<semaphore_mem>>)
    %dma_start3A_41 = tpu.memref_slice %arg3[%multiple_of3A_38] : memref<819200xi32, #tpu.memory_space<hbm>> -> memref<128xi32, #tpu.memory_space<hbm>>
    %dma_start3A_42 = tpu.memref_slice %arg3[%multiple_of3A_38] : memref<819200xi32, #tpu.memory_space<hbm>> -> memref<128xi32, #tpu.memory_space<hbm>>
    tpu.enqueue_dma source(%dma_start3A_42 : memref<128xi32, #tpu.memory_space<hbm>>) target(%arg11 : memref<128xi32, #tpu.memory_space<vmem>>) target_semaphore(%arg17 : memref<!tpu.dma_semaphore, #tpu.memory_space<semaphore_mem>>)
    %dma_wait3A = arith.constant 0 : i32
    %dma_wait3A_43 = tpu.memref_slice %arg2[%dma_wait3A] : memref<819200xi32, #tpu.memory_space<hbm>> -> memref<128xi32, #tpu.memory_space<hbm>>
    %dma_wait3A_44 = arith.constant 0 : i32
    %dma_wait3A_45 = tpu.memref_slice %arg2[%dma_wait3A_44] : memref<819200xi32, #tpu.memory_space<hbm>> -> memref<128xi32, #tpu.memory_space<hbm>>
    tpu.wait_dma2 semaphore(%arg16 : memref<!tpu.dma_semaphore, #tpu.memory_space<semaphore_mem>>) src(%dma_wait3A_45 : memref<128xi32, #tpu.memory_space<hbm>>) dst(%arg8 : memref<128xi32, #tpu.memory_space<vmem>>)
    %dma_wait3A_46 = arith.constant 0 : i32
    %dma_wait3A_47 = tpu.memref_slice %arg3[%dma_wait3A_46] : memref<819200xi32, #tpu.memory_space<hbm>> -> memref<128xi32, #tpu.memory_space<hbm>>
    %dma_wait3A_48 = arith.constant 0 : i32
    %dma_wait3A_49 = tpu.memref_slice %arg3[%dma_wait3A_48] : memref<819200xi32, #tpu.memory_space<hbm>> -> memref<128xi32, #tpu.memory_space<hbm>>
    tpu.wait_dma2 semaphore(%arg16 : memref<!tpu.dma_semaphore, #tpu.memory_space<semaphore_mem>>) src(%dma_wait3A_49 : memref<128xi32, #tpu.memory_space<hbm>>) dst(%arg10 : memref<128xi32, #tpu.memory_space<vmem>>)
    %dma_start3A_50 = arith.constant 0 : i32
    %dma_start3A_51 = arith.constant 0 : i32
    %dma_start3A_52 = tpu.memref_slice %arg5[%dma_start3A_50, %dma_start3A_51] : memref<4000000x32xf32, #tpu.memory_space<hbm>> -> memref<4000000x32xf32, #tpu.memory_space<hbm>>
    tpu.enqueue_indirect_dma source(%dma_start3A_52 : memref<4000000x32xf32, #tpu.memory_space<hbm>>) target(%arg12 : memref<128x32xf32, #tpu.memory_space<vmem>>) offsets(%arg10 : memref<128xi32, #tpu.memory_space<vmem>>) semaphore(%arg18 : memref<!tpu.dma_semaphore, #tpu.memory_space<semaphore_mem>>)
    %scan3A = arith.constant 0 : i32
    %scan3A_53 = arith.constant 0 : i32
    %scan3A_54 = arith.constant 100 : i32
    %scan3A_55 = arith.addi %scan3A_53, %scan3A_54 : i32
    %scan3A_56 = arith.constant 1 : i32
    scf.for %scan3A_82 = %scan3A_53 to %scan3A_55 step %scan3A_56  : i32 {
      %mul3A_83 = arith.constant 2 : i32
      %mul3A_84 = arith.muli %scan3A_82, %mul3A_83 : i32
      %add3A_85 = arith.constant 0 : i32
      %add3A_86 = arith.addi %mul3A_84, %add3A_85 : i32
      %dma_wait3A_87 = arith.constant 0 : i32
      %dma_wait3A_88 = arith.constant 0 : i32
      %dma_wait3A_89 = tpu.memref_slice %arg5[%dma_wait3A_87, %dma_wait3A_88] : memref<4000000x32xf32, #tpu.memory_space<hbm>> -> memref<4000000x32xf32, #tpu.memory_space<hbm>>
      tpu.wait_indirect_dma semaphore(%arg18 : memref<!tpu.dma_semaphore, #tpu.memory_space<semaphore_mem>>) src(%dma_wait3A_89 : memref<4000000x32xf32, #tpu.memory_space<hbm>>) dst(%arg12 : memref<128x32xf32, #tpu.memory_space<vmem>>)
      %add3A_90 = arith.constant 2 : i32
      %add3A_91 = arith.addi %add3A_86, %add3A_90 : i32
      %lt3A = arith.constant 200 : i32
      %lt3A_92 = arith.cmpi slt, %add3A_91, %lt3A : i32
      %convert_element_type3A = arith.extui %lt3A_92 : i1 to i32
      %cond3A = arith.constant 0 : i32
      %cond3A_93 = arith.cmpi ne, %convert_element_type3A, %cond3A : i32
      scf.if %cond3A_93 {
        %add3A_237 = arith.constant 2 : i32
        %add3A_238 = arith.addi %add3A_86, %add3A_237 : i32
        %add3A_239 = arith.addi %mul3A_2, %add3A_238 : i32
        %mul3A_240 = arith.constant 128 : i32
        %mul3A_241 = arith.muli %add3A_239, %mul3A_240 : i32
        %multiple_of3A_242 = tpu.assume_multiple %mul3A_241, 128 : i32
        %dma_start3A_243 = tpu.memref_slice %arg2[%multiple_of3A_242] : memref<819200xi32, #tpu.memory_space<hbm>> -> memref<128xi32, #tpu.memory_space<hbm>>
        %dma_start3A_244 = tpu.memref_slice %arg2[%multiple_of3A_242] : memref<819200xi32, #tpu.memory_space<hbm>> -> memref<128xi32, #tpu.memory_space<hbm>>
        tpu.enqueue_dma source(%dma_start3A_244 : memref<128xi32, #tpu.memory_space<hbm>>) target(%arg8 : memref<128xi32, #tpu.memory_space<vmem>>) target_semaphore(%arg16 : memref<!tpu.dma_semaphore, #tpu.memory_space<semaphore_mem>>)
        %dma_start3A_245 = tpu.memref_slice %arg3[%multiple_of3A_242] : memref<819200xi32, #tpu.memory_space<hbm>> -> memref<128xi32, #tpu.memory_space<hbm>>
        %dma_start3A_246 = tpu.memref_slice %arg3[%multiple_of3A_242] : memref<819200xi32, #tpu.memory_space<hbm>> -> memref<128xi32, #tpu.memory_space<hbm>>
        tpu.enqueue_dma source(%dma_start3A_246 : memref<128xi32, #tpu.memory_space<hbm>>) target(%arg10 : memref<128xi32, #tpu.memory_space<vmem>>) target_semaphore(%arg16 : memref<!tpu.dma_semaphore, #tpu.memory_space<semaphore_mem>>)
      } else {
      }
      %add3A_94 = arith.constant 2 : i32
      %add3A_95 = arith.addi %add3A_86, %add3A_94 : i32
      %sub3A = arith.constant 1 : i32
      %sub3A_96 = arith.subi %add3A_95, %sub3A : i32
      %lt3A_97 = arith.constant 200 : i32
      %lt3A_98 = arith.cmpi slt, %sub3A_96, %lt3A_97 : i32
      %convert_element_type3A_99 = arith.extui %lt3A_98 : i1 to i32
      %cond3A_100 = arith.constant 0 : i32
      %cond3A_101 = arith.cmpi ne, %convert_element_type3A_99, %cond3A_100 : i32
      scf.if %cond3A_101 {
        %dma_wait3A_237 = arith.constant 0 : i32
        %dma_wait3A_238 = tpu.memref_slice %arg2[%dma_wait3A_237] : memref<819200xi32, #tpu.memory_space<hbm>> -> memref<128xi32, #tpu.memory_space<hbm>>
        %dma_wait3A_239 = arith.constant 0 : i32
        %dma_wait3A_240 = tpu.memref_slice %arg2[%dma_wait3A_239] : memref<819200xi32, #tpu.memory_space<hbm>> -> memref<128xi32, #tpu.memory_space<hbm>>
        tpu.wait_dma2 semaphore(%arg17 : memref<!tpu.dma_semaphore, #tpu.memory_space<semaphore_mem>>) src(%dma_wait3A_240 : memref<128xi32, #tpu.memory_space<hbm>>) dst(%arg9 : memref<128xi32, #tpu.memory_space<vmem>>)
        %dma_wait3A_241 = arith.constant 0 : i32
        %dma_wait3A_242 = tpu.memref_slice %arg3[%dma_wait3A_241] : memref<819200xi32, #tpu.memory_space<hbm>> -> memref<128xi32, #tpu.memory_space<hbm>>
        %dma_wait3A_243 = arith.constant 0 : i32
        %dma_wait3A_244 = tpu.memref_slice %arg3[%dma_wait3A_243] : memref<819200xi32, #tpu.memory_space<hbm>> -> memref<128xi32, #tpu.memory_space<hbm>>
        tpu.wait_dma2 semaphore(%arg17 : memref<!tpu.dma_semaphore, #tpu.memory_space<semaphore_mem>>) src(%dma_wait3A_244 : memref<128xi32, #tpu.memory_space<hbm>>) dst(%arg11 : memref<128xi32, #tpu.memory_space<vmem>>)
        %dma_start3A_245 = arith.constant 0 : i32
        %dma_start3A_246 = arith.constant 0 : i32
        %dma_start3A_247 = tpu.memref_slice %arg5[%dma_start3A_245, %dma_start3A_246] : memref<4000000x32xf32, #tpu.memory_space<hbm>> -> memref<4000000x32xf32, #tpu.memory_space<hbm>>
        tpu.enqueue_indirect_dma source(%dma_start3A_247 : memref<4000000x32xf32, #tpu.memory_space<hbm>>) target(%arg13 : memref<128x32xf32, #tpu.memory_space<vmem>>) offsets(%arg11 : memref<128xi32, #tpu.memory_space<vmem>>) semaphore(%arg19 : memref<!tpu.dma_semaphore, #tpu.memory_space<semaphore_mem>>)
      } else {
      }
      %ge3A = arith.constant 1 : i32
      %ge3A_102 = arith.cmpi sge, %scan3A_82, %ge3A : i32
      %convert_element_type3A_103 = arith.extui %ge3A_102 : i1 to i32
      %cond3A_104 = arith.constant 0 : i32
      %cond3A_105 = arith.cmpi ne, %convert_element_type3A_103, %cond3A_104 : i32
      scf.if %cond3A_105 {
        %dma_wait3A_237 = arith.constant 0 : i32
        %dma_wait3A_238 = arith.constant 0 : i32
        %dma_wait3A_239 = arith.constant 0 : i32
        %dma_wait3A_240 = arith.constant 0 : i32
        %dma_wait3A_241 = arith.constant 0 : i32
        %dma_wait3A_242 = tpu.memref_slice %arg6[%dma_wait3A_237, %dma_wait3A_239, %dma_wait3A_238, %dma_wait3A_240, %dma_wait3A_241] : memref<200x8x32x8x128xf32, #tpu.memory_space<hbm>> -> memref<1x8x1x8x128xf32, #tpu.memory_space<hbm>>
        %dma_wait3A_243 = tpu.memref_squeeze %dma_wait3A_242 : memref<1x8x1x8x128xf32, #tpu.memory_space<hbm>> -> memref<8x8x128xf32, #tpu.memory_space<hbm>>
        %dma_wait3A_244 = arith.constant 0 : i32
        %dma_wait3A_245 = arith.constant 0 : i32
        %dma_wait3A_246 = arith.constant 0 : i32
        %dma_wait3A_247 = tpu.memref_slice %arg6[%dma_wait3A_237, %dma_wait3A_244, %dma_wait3A_238, %dma_wait3A_245, %dma_wait3A_246] : memref<200x8x32x8x128xf32, #tpu.memory_space<hbm>> -> memref<1x8x1x8x128xf32, #tpu.memory_space<hbm>>
        %dma_wait3A_248 = tpu.memref_squeeze %dma_wait3A_247 : memref<1x8x1x8x128xf32, #tpu.memory_space<hbm>> -> memref<8x8x128xf32, #tpu.memory_space<hbm>>
        tpu.wait_dma2 semaphore(%arg20 : memref<!tpu.dma_semaphore, #tpu.memory_space<semaphore_mem>>) src(%arg14 : memref<8x8x128xf32, #tpu.memory_space<vmem>>) dst(%dma_wait3A_248 : memref<8x8x128xf32, #tpu.memory_space<hbm>>)
      } else {
      }
      %get3A = arith.constant 0 : index
      %get3A_106 = tpu.vector_load %arg8[%get3A] {strides = array<i32>} : memref<128xi32, #tpu.memory_space<vmem>>, vector<16xi32>,
      %get3A_107 = arith.constant 16 : index
      %get3A_108 = tpu.vector_load %arg8[%get3A_107] {strides = array<i32>} : memref<128xi32, #tpu.memory_space<vmem>>, vector<16xi32>,
      %get3A_109 = arith.constant 32 : index
      %get3A_110 = tpu.vector_load %arg8[%get3A_109] {strides = array<i32>} : memref<128xi32, #tpu.memory_space<vmem>>, vector<16xi32>,
      %get3A_111 = arith.constant 48 : index
      %get3A_112 = tpu.vector_load %arg8[%get3A_111] {strides = array<i32>} : memref<128xi32, #tpu.memory_space<vmem>>, vector<16xi32>,
      %get3A_113 = arith.constant 64 : index
      %get3A_114 = tpu.vector_load %arg8[%get3A_113] {strides = array<i32>} : memref<128xi32, #tpu.memory_space<vmem>>, vector<16xi32>,
      %get3A_115 = arith.constant 80 : index
      %get3A_116 = tpu.vector_load %arg8[%get3A_115] {strides = array<i32>} : memref<128xi32, #tpu.memory_space<vmem>>, vector<16xi32>,
      %get3A_117 = arith.constant 96 : index
      %get3A_118 = tpu.vector_load %arg8[%get3A_117] {strides = array<i32>} : memref<128xi32, #tpu.memory_space<vmem>>, vector<16xi32>,
      %get3A_119 = arith.constant 112 : index
      %get3A_120 = tpu.vector_load %arg8[%get3A_119] {strides = array<i32>} : memref<128xi32, #tpu.memory_space<vmem>>, vector<16xi32>,
      %parallel_loop3A = arith.constant 0 : i32
      %parallel_loop3A_121 = arith.constant 32 : i32
      %parallel_loop3A_122 = arith.constant 1 : i32
      scf.for %parallel_loop3A_237 = %parallel_loop3A to %parallel_loop3A_121 step %parallel_loop3A_122  : i32 {
        %parallel_loop3A_238 = arith.constant 8 : i32
        %parallel_loop3A_239 = arith.divsi %parallel_loop3A_237, %parallel_loop3A_238 : i32
        %parallel_loop3A_240 = arith.constant 0 : i32
        %parallel_loop3A_241 = arith.cmpi sgt, %parallel_loop3A_237, %parallel_loop3A_240 : i32
        %parallel_loop3A_242 = arith.extui %parallel_loop3A_241 : i1 to i32
        %parallel_loop3A_243 = arith.constant 0 : i32
        %parallel_loop3A_244 = arith.cmpi slt, %parallel_loop3A_237, %parallel_loop3A_243 : i32
        %parallel_loop3A_245 = arith.extui %parallel_loop3A_244 : i1 to i32
        %parallel_loop3A_246 = arith.subi %parallel_loop3A_242, %parallel_loop3A_245 : i32
        %parallel_loop3A_247 = arith.constant 0 : i32
        %parallel_loop3A_248 = arith.cmpi sgt, %parallel_loop3A_238, %parallel_loop3A_247 : i32
        %parallel_loop3A_249 = arith.extui %parallel_loop3A_248 : i1 to i32
        %parallel_loop3A_250 = arith.constant 0 : i32
        %parallel_loop3A_251 = arith.cmpi slt, %parallel_loop3A_238, %parallel_loop3A_250 : i32
        %parallel_loop3A_252 = arith.extui %parallel_loop3A_251 : i1 to i32
        %parallel_loop3A_253 = arith.subi %parallel_loop3A_249, %parallel_loop3A_252 : i32
        %parallel_loop3A_254 = arith.cmpi ne, %parallel_loop3A_246, %parallel_loop3A_253 : i32
        %parallel_loop3A_255 = arith.remsi %parallel_loop3A_237, %parallel_loop3A_238 : i32
        %parallel_loop3A_256 = arith.constant 0 : i32
        %parallel_loop3A_257 = arith.cmpi ne, %parallel_loop3A_255, %parallel_loop3A_256 : i32
        %parallel_loop3A_258 = arith.andi %parallel_loop3A_254, %parallel_loop3A_257 : i1
        %parallel_loop3A_259 = arith.constant 1 : i32
        %parallel_loop3A_260 = arith.subi %parallel_loop3A_239, %parallel_loop3A_259 : i32
        %parallel_loop3A_261 = arith.select %parallel_loop3A_258, %parallel_loop3A_260, %parallel_loop3A_239 : i32
        %parallel_loop3A_262 = arith.constant 8 : i32
        %parallel_loop3A_263 = arith.remsi %parallel_loop3A_237, %parallel_loop3A_262 : i32
        %parallel_loop3A_264 = vector.broadcast %parallel_loop3A_237 : i32 to vector<16xi32>
        %parallel_loop3A_265 = tpu.vector_load_idx %arg7[%parallel_loop3A_264, %get3A_106] : memref<32x1000xf32, #tpu.memory_space<vmem>>[vector<16xi32>, vector<16xi32>], vector<16xf32>,
        %parallel_loop3A_266 = arith.index_cast %parallel_loop3A_261 : i32 to index
        %parallel_loop3A_267 = arith.index_cast %parallel_loop3A_263 : i32 to index
        %parallel_loop3A_268 = arith.constant 0 : index
        %parallel_loop3A_269 = tpu.vector_load %arg14[%parallel_loop3A_266, %parallel_loop3A_267, %parallel_loop3A_268] {strides = array<i32>} : memref<8x8x128xf32, #tpu.memory_space<vmem>>, vector<16xf32>,
        tpu.vector_store %arg14[%parallel_loop3A_266, %parallel_loop3A_267, %parallel_loop3A_268], %parallel_loop3A_265 {strides = array<i32>} : memref<8x8x128xf32, #tpu.memory_space<vmem>>, vector<16xf32>,
        %parallel_loop3A_270 = tpu.vector_load_idx %arg7[%parallel_loop3A_264, %get3A_108] : memref<32x1000xf32, #tpu.memory_space<vmem>>[vector<16xi32>, vector<16xi32>], vector<16xf32>,
        %parallel_loop3A_271 = arith.index_cast %parallel_loop3A_261 : i32 to index
        %parallel_loop3A_272 = arith.index_cast %parallel_loop3A_263 : i32 to index
        %parallel_loop3A_273 = arith.constant 16 : index
        %parallel_loop3A_274 = tpu.vector_load %arg14[%parallel_loop3A_271, %parallel_loop3A_272, %parallel_loop3A_273] {strides = array<i32>} : memref<8x8x128xf32, #tpu.memory_space<vmem>>, vector<16xf32>,
        tpu.vector_store %arg14[%parallel_loop3A_271, %parallel_loop3A_272, %parallel_loop3A_273], %parallel_loop3A_270 {strides = array<i32>} : memref<8x8x128xf32, #tpu.memory_space<vmem>>, vector<16xf32>,
        %parallel_loop3A_275 = tpu.vector_load_idx %arg7[%parallel_loop3A_264, %get3A_110] : memref<32x1000xf32, #tpu.memory_space<vmem>>[vector<16xi32>, vector<16xi32>], vector<16xf32>,
        %parallel_loop3A_276 = arith.index_cast %parallel_loop3A_261 : i32 to index
        %parallel_loop3A_277 = arith.index_cast %parallel_loop3A_263 : i32 to index
        %parallel_loop3A_278 = arith.constant 32 : index
        %parallel_loop3A_279 = tpu.vector_load %arg14[%parallel_loop3A_276, %parallel_loop3A_277, %parallel_loop3A_278] {strides = array<i32>} : memref<8x8x128xf32, #tpu.memory_space<vmem>>, vector<16xf32>,
        tpu.vector_store %arg14[%parallel_loop3A_276, %parallel_loop3A_277, %parallel_loop3A_278], %parallel_loop3A_275 {strides = array<i32>} : memref<8x8x128xf32, #tpu.memory_space<vmem>>, vector<16xf32>,
        %parallel_loop3A_280 = tpu.vector_load_idx %arg7[%parallel_loop3A_264, %get3A_112] : memref<32x1000xf32, #tpu.memory_space<vmem>>[vector<16xi32>, vector<16xi32>], vector<16xf32>,
        %parallel_loop3A_281 = arith.index_cast %parallel_loop3A_261 : i32 to index
        %parallel_loop3A_282 = arith.index_cast %parallel_loop3A_263 : i32 to index
        %parallel_loop3A_283 = arith.constant 48 : index
        %parallel_loop3A_284 = tpu.vector_load %arg14[%parallel_loop3A_281, %parallel_loop3A_282, %parallel_loop3A_283] {strides = array<i32>} : memref<8x8x128xf32, #tpu.memory_space<vmem>>, vector<16xf32>,
        tpu.vector_store %arg14[%parallel_loop3A_281, %parallel_loop3A_282, %parallel_loop3A_283], %parallel_loop3A_280 {strides = array<i32>} : memref<8x8x128xf32, #tpu.memory_space<vmem>>, vector<16xf32>,
        %parallel_loop3A_285 = tpu.vector_load_idx %arg7[%parallel_loop3A_264, %get3A_114] : memref<32x1000xf32, #tpu.memory_space<vmem>>[vector<16xi32>, vector<16xi32>], vector<16xf32>,
        %parallel_loop3A_286 = arith.index_cast %parallel_loop3A_261 : i32 to index
        %parallel_loop3A_287 = arith.index_cast %parallel_loop3A_263 : i32 to index
        %parallel_loop3A_288 = arith.constant 64 : index
        %parallel_loop3A_289 = tpu.vector_load %arg14[%parallel_loop3A_286, %parallel_loop3A_287, %parallel_loop3A_288] {strides = array<i32>} : memref<8x8x128xf32, #tpu.memory_space<vmem>>, vector<16xf32>,
        tpu.vector_store %arg14[%parallel_loop3A_286, %parallel_loop3A_287, %parallel_loop3A_288], %parallel_loop3A_285 {strides = array<i32>} : memref<8x8x128xf32, #tpu.memory_space<vmem>>, vector<16xf32>,
        %parallel_loop3A_290 = tpu.vector_load_idx %arg7[%parallel_loop3A_264, %get3A_116] : memref<32x1000xf32, #tpu.memory_space<vmem>>[vector<16xi32>, vector<16xi32>], vector<16xf32>,
        %parallel_loop3A_291 = arith.index_cast %parallel_loop3A_261 : i32 to index
        %parallel_loop3A_292 = arith.index_cast %parallel_loop3A_263 : i32 to index
        %parallel_loop3A_293 = arith.constant 80 : index
        %parallel_loop3A_294 = tpu.vector_load %arg14[%parallel_loop3A_291, %parallel_loop3A_292, %parallel_loop3A_293] {strides = array<i32>} : memref<8x8x128xf32, #tpu.memory_space<vmem>>, vector<16xf32>,
        tpu.vector_store %arg14[%parallel_loop3A_291, %parallel_loop3A_292, %parallel_loop3A_293], %parallel_loop3A_290 {strides = array<i32>} : memref<8x8x128xf32, #tpu.memory_space<vmem>>, vector<16xf32>,
        %parallel_loop3A_295 = tpu.vector_load_idx %arg7[%parallel_loop3A_264, %get3A_118] : memref<32x1000xf32, #tpu.memory_space<vmem>>[vector<16xi32>, vector<16xi32>], vector<16xf32>,
        %parallel_loop3A_296 = arith.index_cast %parallel_loop3A_261 : i32 to index
        %parallel_loop3A_297 = arith.index_cast %parallel_loop3A_263 : i32 to index
        %parallel_loop3A_298 = arith.constant 96 : index
        %parallel_loop3A_299 = tpu.vector_load %arg14[%parallel_loop3A_296, %parallel_loop3A_297, %parallel_loop3A_298] {strides = array<i32>} : memref<8x8x128xf32, #tpu.memory_space<vmem>>, vector<16xf32>,
        tpu.vector_store %arg14[%parallel_loop3A_296, %parallel_loop3A_297, %parallel_loop3A_298], %parallel_loop3A_295 {strides = array<i32>} : memref<8x8x128xf32, #tpu.memory_space<vmem>>, vector<16xf32>,
        %parallel_loop3A_300 = tpu.vector_load_idx %arg7[%parallel_loop3A_264, %get3A_120] : memref<32x1000xf32, #tpu.memory_space<vmem>>[vector<16xi32>, vector<16xi32>], vector<16xf32>,
        %parallel_loop3A_301 = arith.index_cast %parallel_loop3A_261 : i32 to index
        %parallel_loop3A_302 = arith.index_cast %parallel_loop3A_263 : i32 to index
        %parallel_loop3A_303 = arith.constant 112 : index
        %parallel_loop3A_304 = tpu.vector_load %arg14[%parallel_loop3A_301, %parallel_loop3A_302, %parallel_loop3A_303] {strides = array<i32>} : memref<8x8x128xf32, #tpu.memory_space<vmem>>, vector<16xf32>,
        tpu.vector_store %arg14[%parallel_loop3A_301, %parallel_loop3A_302, %parallel_loop3A_303], %parallel_loop3A_300 {strides = array<i32>} : memref<8x8x128xf32, #tpu.memory_space<vmem>>, vector<16xf32>,
        %parallel_loop3A_305 = arith.constant 32 : i32
        %parallel_loop3A_306 = arith.addi %parallel_loop3A_237, %parallel_loop3A_305 : i32
        %parallel_loop3A_307 = arith.constant 8 : i32
        %parallel_loop3A_308 = arith.divsi %parallel_loop3A_306, %parallel_loop3A_307 : i32
        %parallel_loop3A_309 = arith.constant 0 : i32
        %parallel_loop3A_310 = arith.cmpi sgt, %parallel_loop3A_306, %parallel_loop3A_309 : i32
        %parallel_loop3A_311 = arith.extui %parallel_loop3A_310 : i1 to i32
        %parallel_loop3A_312 = arith.constant 0 : i32
        %parallel_loop3A_313 = arith.cmpi slt, %parallel_loop3A_306, %parallel_loop3A_312 : i32
        %parallel_loop3A_314 = arith.extui %parallel_loop3A_313 : i1 to i32
        %parallel_loop3A_315 = arith.subi %parallel_loop3A_311, %parallel_loop3A_314 : i32
        %parallel_loop3A_316 = arith.constant 0 : i32
        %parallel_loop3A_317 = arith.cmpi sgt, %parallel_loop3A_307, %parallel_loop3A_316 : i32
        %parallel_loop3A_318 = arith.extui %parallel_loop3A_317 : i1 to i32
        %parallel_loop3A_319 = arith.constant 0 : i32
        %parallel_loop3A_320 = arith.cmpi slt, %parallel_loop3A_307, %parallel_loop3A_319 : i32
        %parallel_loop3A_321 = arith.extui %parallel_loop3A_320 : i1 to i32
        %parallel_loop3A_322 = arith.subi %parallel_loop3A_318, %parallel_loop3A_321 : i32
        %parallel_loop3A_323 = arith.cmpi ne, %parallel_loop3A_315, %parallel_loop3A_322 : i32
        %parallel_loop3A_324 = arith.remsi %parallel_loop3A_306, %parallel_loop3A_307 : i32
        %parallel_loop3A_325 = arith.constant 0 : i32
        %parallel_loop3A_326 = arith.cmpi ne, %parallel_loop3A_324, %parallel_loop3A_325 : i32
        %parallel_loop3A_327 = arith.andi %parallel_loop3A_323, %parallel_loop3A_326 : i1
        %parallel_loop3A_328 = arith.constant 1 : i32
        %parallel_loop3A_329 = arith.subi %parallel_loop3A_308, %parallel_loop3A_328 : i32
        %parallel_loop3A_330 = arith.select %parallel_loop3A_327, %parallel_loop3A_329, %parallel_loop3A_308 : i32
        %parallel_loop3A_331 = arith.constant 32 : i32
        %parallel_loop3A_332 = arith.addi %parallel_loop3A_237, %parallel_loop3A_331 : i32
        %parallel_loop3A_333 = arith.constant 8 : i32
        %parallel_loop3A_334 = arith.remsi %parallel_loop3A_332, %parallel_loop3A_333 : i32
        %parallel_loop3A_335 = tpu.vector_load_idx %arg12[%add3A_5, %parallel_loop3A_264] : memref<128x32xf32, #tpu.memory_space<vmem>>[vector<16xi32>, vector<16xi32>], vector<16xf32>,
        %parallel_loop3A_336 = arith.index_cast %parallel_loop3A_330 : i32 to index
        %parallel_loop3A_337 = arith.index_cast %parallel_loop3A_334 : i32 to index
        %parallel_loop3A_338 = arith.constant 0 : index
        %parallel_loop3A_339 = tpu.vector_load %arg14[%parallel_loop3A_336, %parallel_loop3A_337, %parallel_loop3A_338] {strides = array<i32>} : memref<8x8x128xf32, #tpu.memory_space<vmem>>, vector<16xf32>,
        tpu.vector_store %arg14[%parallel_loop3A_336, %parallel_loop3A_337, %parallel_loop3A_338], %parallel_loop3A_335 {strides = array<i32>} : memref<8x8x128xf32, #tpu.memory_space<vmem>>, vector<16xf32>,
        %parallel_loop3A_340 = tpu.vector_load_idx %arg12[%add3A_8, %parallel_loop3A_264] : memref<128x32xf32, #tpu.memory_space<vmem>>[vector<16xi32>, vector<16xi32>], vector<16xf32>,
        %parallel_loop3A_341 = arith.index_cast %parallel_loop3A_330 : i32 to index
        %parallel_loop3A_342 = arith.index_cast %parallel_loop3A_334 : i32 to index
        %parallel_loop3A_343 = arith.constant 16 : index
        %parallel_loop3A_344 = tpu.vector_load %arg14[%parallel_loop3A_341, %parallel_loop3A_342, %parallel_loop3A_343] {strides = array<i32>} : memref<8x8x128xf32, #tpu.memory_space<vmem>>, vector<16xf32>,
        tpu.vector_store %arg14[%parallel_loop3A_341, %parallel_loop3A_342, %parallel_loop3A_343], %parallel_loop3A_340 {strides = array<i32>} : memref<8x8x128xf32, #tpu.memory_space<vmem>>, vector<16xf32>,
        %parallel_loop3A_345 = tpu.vector_load_idx %arg12[%add3A_11, %parallel_loop3A_264] : memref<128x32xf32, #tpu.memory_space<vmem>>[vector<16xi32>, vector<16xi32>], vector<16xf32>,
        %parallel_loop3A_346 = arith.index_cast %parallel_loop3A_330 : i32 to index
        %parallel_loop3A_347 = arith.index_cast %parallel_loop3A_334 : i32 to index
        %parallel_loop3A_348 = arith.constant 32 : index
        %parallel_loop3A_349 = tpu.vector_load %arg14[%parallel_loop3A_346, %parallel_loop3A_347, %parallel_loop3A_348] {strides = array<i32>} : memref<8x8x128xf32, #tpu.memory_space<vmem>>, vector<16xf32>,
        tpu.vector_store %arg14[%parallel_loop3A_346, %parallel_loop3A_347, %parallel_loop3A_348], %parallel_loop3A_345 {strides = array<i32>} : memref<8x8x128xf32, #tpu.memory_space<vmem>>, vector<16xf32>,
        %parallel_loop3A_350 = tpu.vector_load_idx %arg12[%add3A_14, %parallel_loop3A_264] : memref<128x32xf32, #tpu.memory_space<vmem>>[vector<16xi32>, vector<16xi32>], vector<16xf32>,
        %parallel_loop3A_351 = arith.index_cast %parallel_loop3A_330 : i32 to index
        %parallel_loop3A_352 = arith.index_cast %parallel_loop3A_334 : i32 to index
        %parallel_loop3A_353 = arith.constant 48 : index
        %parallel_loop3A_354 = tpu.vector_load %arg14[%parallel_loop3A_351, %parallel_loop3A_352, %parallel_loop3A_353] {strides = array<i32>} : memref<8x8x128xf32, #tpu.memory_space<vmem>>, vector<16xf32>,
        tpu.vector_store %arg14[%parallel_loop3A_351, %parallel_loop3A_352, %parallel_loop3A_353], %parallel_loop3A_350 {strides = array<i32>} : memref<8x8x128xf32, #tpu.memory_space<vmem>>, vector<16xf32>,
        %parallel_loop3A_355 = tpu.vector_load_idx %arg12[%add3A_17, %parallel_loop3A_264] : memref<128x32xf32, #tpu.memory_space<vmem>>[vector<16xi32>, vector<16xi32>], vector<16xf32>,
        %parallel_loop3A_356 = arith.index_cast %parallel_loop3A_330 : i32 to index
        %parallel_loop3A_357 = arith.index_cast %parallel_loop3A_334 : i32 to index
        %parallel_loop3A_358 = arith.constant 64 : index
        %parallel_loop3A_359 = tpu.vector_load %arg14[%parallel_loop3A_356, %parallel_loop3A_357, %parallel_loop3A_358] {strides = array<i32>} : memref<8x8x128xf32, #tpu.memory_space<vmem>>, vector<16xf32>,
        tpu.vector_store %arg14[%parallel_loop3A_356, %parallel_loop3A_357, %parallel_loop3A_358], %parallel_loop3A_355 {strides = array<i32>} : memref<8x8x128xf32, #tpu.memory_space<vmem>>, vector<16xf32>,
        %parallel_loop3A_360 = tpu.vector_load_idx %arg12[%add3A_20, %parallel_loop3A_264] : memref<128x32xf32, #tpu.memory_space<vmem>>[vector<16xi32>, vector<16xi32>], vector<16xf32>,
        %parallel_loop3A_361 = arith.index_cast %parallel_loop3A_330 : i32 to index
        %parallel_loop3A_362 = arith.index_cast %parallel_loop3A_334 : i32 to index
        %parallel_loop3A_363 = arith.constant 80 : index
        %parallel_loop3A_364 = tpu.vector_load %arg14[%parallel_loop3A_361, %parallel_loop3A_362, %parallel_loop3A_363] {strides = array<i32>} : memref<8x8x128xf32, #tpu.memory_space<vmem>>, vector<16xf32>,
        tpu.vector_store %arg14[%parallel_loop3A_361, %parallel_loop3A_362, %parallel_loop3A_363], %parallel_loop3A_360 {strides = array<i32>} : memref<8x8x128xf32, #tpu.memory_space<vmem>>, vector<16xf32>,
        %parallel_loop3A_365 = tpu.vector_load_idx %arg12[%add3A_23, %parallel_loop3A_264] : memref<128x32xf32, #tpu.memory_space<vmem>>[vector<16xi32>, vector<16xi32>], vector<16xf32>,
        %parallel_loop3A_366 = arith.index_cast %parallel_loop3A_330 : i32 to index
        %parallel_loop3A_367 = arith.index_cast %parallel_loop3A_334 : i32 to index
        %parallel_loop3A_368 = arith.constant 96 : index
        %parallel_loop3A_369 = tpu.vector_load %arg14[%parallel_loop3A_366, %parallel_loop3A_367, %parallel_loop3A_368] {strides = array<i32>} : memref<8x8x128xf32, #tpu.memory_space<vmem>>, vector<16xf32>,
        tpu.vector_store %arg14[%parallel_loop3A_366, %parallel_loop3A_367, %parallel_loop3A_368], %parallel_loop3A_365 {strides = array<i32>} : memref<8x8x128xf32, #tpu.memory_space<vmem>>, vector<16xf32>,
        %parallel_loop3A_370 = tpu.vector_load_idx %arg12[%add3A_26, %parallel_loop3A_264] : memref<128x32xf32, #tpu.memory_space<vmem>>[vector<16xi32>, vector<16xi32>], vector<16xf32>,
        %parallel_loop3A_371 = arith.index_cast %parallel_loop3A_330 : i32 to index
        %parallel_loop3A_372 = arith.index_cast %parallel_loop3A_334 : i32 to index
        %parallel_loop3A_373 = arith.constant 112 : index
        %parallel_loop3A_374 = tpu.vector_load %arg14[%parallel_loop3A_371, %parallel_loop3A_372, %parallel_loop3A_373] {strides = array<i32>} : memref<8x8x128xf32, #tpu.memory_space<vmem>>, vector<16xf32>,
        tpu.vector_store %arg14[%parallel_loop3A_371, %parallel_loop3A_372, %parallel_loop3A_373], %parallel_loop3A_370 {strides = array<i32>} : memref<8x8x128xf32, #tpu.memory_space<vmem>>, vector<16xf32>,
      } {sc.loop_unroll_factor = 4 : i64, sc.parallel_access}
      %add3A_123 = arith.addi %mul3A_2, %add3A_86 : i32
      %jit3A = arith.constant 32 : i32
      %div3A = arith.divsi %add3A_123, %jit3A : i32
      %sign3A = arith.constant 0 : i32
      %sign3A_124 = arith.cmpi sgt, %add3A_123, %sign3A : i32
      %sign3A_125 = arith.extui %sign3A_124 : i1 to i32
      %sign3A_126 = arith.constant 0 : i32
      %sign3A_127 = arith.cmpi slt, %add3A_123, %sign3A_126 : i32
      %sign3A_128 = arith.extui %sign3A_127 : i1 to i32
      %sign3A_129 = arith.subi %sign3A_125, %sign3A_128 : i32
      %sign3A_130 = arith.constant 0 : i32
      %sign3A_131 = arith.cmpi sgt, %jit3A, %sign3A_130 : i32
      %sign3A_132 = arith.extui %sign3A_131 : i1 to i32
      %sign3A_133 = arith.constant 0 : i32
      %sign3A_134 = arith.cmpi slt, %jit3A, %sign3A_133 : i32
      %sign3A_135 = arith.extui %sign3A_134 : i1 to i32
      %sign3A_136 = arith.subi %sign3A_132, %sign3A_135 : i32
      %ne3A = arith.cmpi ne, %sign3A_129, %sign3A_136 : i32
      %rem3A = arith.remsi %add3A_123, %jit3A : i32
      %ne3A_137 = arith.constant 0 : i32
      %ne3A_138 = arith.cmpi ne, %rem3A, %ne3A_137 : i32
      %and3A = arith.andi %ne3A, %ne3A_138 : i1
      %sub3A_139 = arith.constant 1 : i32
      %sub3A_140 = arith.subi %div3A, %sub3A_139 : i32
      %select_n3A = arith.select %and3A, %sub3A_140, %div3A : i32
      %rem3A_141 = arith.constant 32 : i32
      %rem3A_142 = arith.remsi %add3A_123, %rem3A_141 : i32
      %dma_start3A_143 = arith.constant 0 : i32
      %dma_start3A_144 = arith.constant 0 : i32
      %dma_start3A_145 = arith.constant 0 : i32
      %dma_start3A_146 = tpu.memref_slice %arg6[%select_n3A, %dma_start3A_143, %rem3A_142, %dma_start3A_144, %dma_start3A_145] : memref<200x8x32x8x128xf32, #tpu.memory_space<hbm>> -> memref<1x8x1x8x128xf32, #tpu.memory_space<hbm>>
      %dma_start3A_147 = tpu.memref_squeeze %dma_start3A_146 : memref<1x8x1x8x128xf32, #tpu.memory_space<hbm>> -> memref<8x8x128xf32, #tpu.memory_space<hbm>>
      %dma_start3A_148 = arith.constant 0 : i32
      %dma_start3A_149 = arith.constant 0 : i32
      %dma_start3A_150 = arith.constant 0 : i32
      %dma_start3A_151 = tpu.memref_slice %arg6[%select_n3A, %dma_start3A_148, %rem3A_142, %dma_start3A_149, %dma_start3A_150] : memref<200x8x32x8x128xf32, #tpu.memory_space<hbm>> -> memref<1x8x1x8x128xf32, #tpu.memory_space<hbm>>
      %dma_start3A_152 = tpu.memref_squeeze %dma_start3A_151 : memref<1x8x1x8x128xf32, #tpu.memory_space<hbm>> -> memref<8x8x128xf32, #tpu.memory_space<hbm>>
      tpu.enqueue_dma source(%arg14 : memref<8x8x128xf32, #tpu.memory_space<vmem>>) target(%dma_start3A_152 : memref<8x8x128xf32, #tpu.memory_space<hbm>>) target_semaphore(%arg20 : memref<!tpu.dma_semaphore, #tpu.memory_space<semaphore_mem>>)
      %mul3A_153 = arith.constant 2 : i32
      %mul3A_154 = arith.muli %scan3A_82, %mul3A_153 : i32
      %add3A_155 = arith.constant 1 : i32
      %add3A_156 = arith.addi %mul3A_154, %add3A_155 : i32
      %dma_wait3A_157 = arith.constant 0 : i32
      %dma_wait3A_158 = arith.constant 0 : i32
      %dma_wait3A_159 = tpu.memref_slice %arg5[%dma_wait3A_157, %dma_wait3A_158] : memref<4000000x32xf32, #tpu.memory_space<hbm>> -> memref<4000000x32xf32, #tpu.memory_space<hbm>>
      tpu.wait_indirect_dma semaphore(%arg19 : memref<!tpu.dma_semaphore, #tpu.memory_space<semaphore_mem>>) src(%dma_wait3A_159 : memref<4000000x32xf32, #tpu.memory_space<hbm>>) dst(%arg13 : memref<128x32xf32, #tpu.memory_space<vmem>>)
      %add3A_160 = arith.constant 2 : i32
      %add3A_161 = arith.addi %add3A_156, %add3A_160 : i32
      %lt3A_162 = arith.constant 200 : i32
      %lt3A_163 = arith.cmpi slt, %add3A_161, %lt3A_162 : i32
      %convert_element_type3A_164 = arith.extui %lt3A_163 : i1 to i32
      %cond3A_165 = arith.constant 0 : i32
      %cond3A_166 = arith.cmpi ne, %convert_element_type3A_164, %cond3A_165 : i32
      scf.if %cond3A_166 {
        %add3A_237 = arith.constant 2 : i32
        %add3A_238 = arith.addi %add3A_156, %add3A_237 : i32
        %add3A_239 = arith.addi %mul3A_2, %add3A_238 : i32
        %mul3A_240 = arith.constant 128 : i32
        %mul3A_241 = arith.muli %add3A_239, %mul3A_240 : i32
        %multiple_of3A_242 = tpu.assume_multiple %mul3A_241, 128 : i32
        %dma_start3A_243 = tpu.memref_slice %arg2[%multiple_of3A_242] : memref<819200xi32, #tpu.memory_space<hbm>> -> memref<128xi32, #tpu.memory_space<hbm>>
        %dma_start3A_244 = tpu.memref_slice %arg2[%multiple_of3A_242] : memref<819200xi32, #tpu.memory_space<hbm>> -> memref<128xi32, #tpu.memory_space<hbm>>
        tpu.enqueue_dma source(%dma_start3A_244 : memref<128xi32, #tpu.memory_space<hbm>>) target(%arg9 : memref<128xi32, #tpu.memory_space<vmem>>) target_semaphore(%arg17 : memref<!tpu.dma_semaphore, #tpu.memory_space<semaphore_mem>>)
        %dma_start3A_245 = tpu.memref_slice %arg3[%multiple_of3A_242] : memref<819200xi32, #tpu.memory_space<hbm>> -> memref<128xi32, #tpu.memory_space<hbm>>
        %dma_start3A_246 = tpu.memref_slice %arg3[%multiple_of3A_242] : memref<819200xi32, #tpu.memory_space<hbm>> -> memref<128xi32, #tpu.memory_space<hbm>>
        tpu.enqueue_dma source(%dma_start3A_246 : memref<128xi32, #tpu.memory_space<hbm>>) target(%arg11 : memref<128xi32, #tpu.memory_space<vmem>>) target_semaphore(%arg17 : memref<!tpu.dma_semaphore, #tpu.memory_space<semaphore_mem>>)
      } else {
      }
      %add3A_167 = arith.constant 2 : i32
      %add3A_168 = arith.addi %add3A_156, %add3A_167 : i32
      %sub3A_169 = arith.constant 1 : i32
      %sub3A_170 = arith.subi %add3A_168, %sub3A_169 : i32
      %lt3A_171 = arith.constant 200 : i32
      %lt3A_172 = arith.cmpi slt, %sub3A_170, %lt3A_171 : i32
      %convert_element_type3A_173 = arith.extui %lt3A_172 : i1 to i32
      %cond3A_174 = arith.constant 0 : i32
      %cond3A_175 = arith.cmpi ne, %convert_element_type3A_173, %cond3A_174 : i32
      scf.if %cond3A_175 {
        %dma_wait3A_237 = arith.constant 0 : i32
        %dma_wait3A_238 = tpu.memref_slice %arg2[%dma_wait3A_237] : memref<819200xi32, #tpu.memory_space<hbm>> -> memref<128xi32, #tpu.memory_space<hbm>>
        %dma_wait3A_239 = arith.constant 0 : i32
        %dma_wait3A_240 = tpu.memref_slice %arg2[%dma_wait3A_239] : memref<819200xi32, #tpu.memory_space<hbm>> -> memref<128xi32, #tpu.memory_space<hbm>>
        tpu.wait_dma2 semaphore(%arg16 : memref<!tpu.dma_semaphore, #tpu.memory_space<semaphore_mem>>) src(%dma_wait3A_240 : memref<128xi32, #tpu.memory_space<hbm>>) dst(%arg8 : memref<128xi32, #tpu.memory_space<vmem>>)
        %dma_wait3A_241 = arith.constant 0 : i32
        %dma_wait3A_242 = tpu.memref_slice %arg3[%dma_wait3A_241] : memref<819200xi32, #tpu.memory_space<hbm>> -> memref<128xi32, #tpu.memory_space<hbm>>
        %dma_wait3A_243 = arith.constant 0 : i32
        %dma_wait3A_244 = tpu.memref_slice %arg3[%dma_wait3A_243] : memref<819200xi32, #tpu.memory_space<hbm>> -> memref<128xi32, #tpu.memory_space<hbm>>
        tpu.wait_dma2 semaphore(%arg16 : memref<!tpu.dma_semaphore, #tpu.memory_space<semaphore_mem>>) src(%dma_wait3A_244 : memref<128xi32, #tpu.memory_space<hbm>>) dst(%arg10 : memref<128xi32, #tpu.memory_space<vmem>>)
        %dma_start3A_245 = arith.constant 0 : i32
        %dma_start3A_246 = arith.constant 0 : i32
        %dma_start3A_247 = tpu.memref_slice %arg5[%dma_start3A_245, %dma_start3A_246] : memref<4000000x32xf32, #tpu.memory_space<hbm>> -> memref<4000000x32xf32, #tpu.memory_space<hbm>>
        tpu.enqueue_indirect_dma source(%dma_start3A_247 : memref<4000000x32xf32, #tpu.memory_space<hbm>>) target(%arg12 : memref<128x32xf32, #tpu.memory_space<vmem>>) offsets(%arg10 : memref<128xi32, #tpu.memory_space<vmem>>) semaphore(%arg18 : memref<!tpu.dma_semaphore, #tpu.memory_space<semaphore_mem>>)
      } else {
      }
      %ge3A_176 = arith.constant 1 : i32
      %ge3A_177 = arith.cmpi sge, %scan3A_82, %ge3A_176 : i32
      %convert_element_type3A_178 = arith.extui %ge3A_177 : i1 to i32
      %cond3A_179 = arith.constant 0 : i32
      %cond3A_180 = arith.cmpi ne, %convert_element_type3A_178, %cond3A_179 : i32
      scf.if %cond3A_180 {
        %dma_wait3A_237 = arith.constant 0 : i32
        %dma_wait3A_238 = arith.constant 0 : i32
        %dma_wait3A_239 = arith.constant 0 : i32
        %dma_wait3A_240 = arith.constant 0 : i32
        %dma_wait3A_241 = arith.constant 0 : i32
        %dma_wait3A_242 = tpu.memref_slice %arg6[%dma_wait3A_237, %dma_wait3A_239, %dma_wait3A_238, %dma_wait3A_240, %dma_wait3A_241] : memref<200x8x32x8x128xf32, #tpu.memory_space<hbm>> -> memref<1x8x1x8x128xf32, #tpu.memory_space<hbm>>
        %dma_wait3A_243 = tpu.memref_squeeze %dma_wait3A_242 : memref<1x8x1x8x128xf32, #tpu.memory_space<hbm>> -> memref<8x8x128xf32, #tpu.memory_space<hbm>>
        %dma_wait3A_244 = arith.constant 0 : i32
        %dma_wait3A_245 = arith.constant 0 : i32
        %dma_wait3A_246 = arith.constant 0 : i32
        %dma_wait3A_247 = tpu.memref_slice %arg6[%dma_wait3A_237, %dma_wait3A_244, %dma_wait3A_238, %dma_wait3A_245, %dma_wait3A_246] : memref<200x8x32x8x128xf32, #tpu.memory_space<hbm>> -> memref<1x8x1x8x128xf32, #tpu.memory_space<hbm>>
        %dma_wait3A_248 = tpu.memref_squeeze %dma_wait3A_247 : memref<1x8x1x8x128xf32, #tpu.memory_space<hbm>> -> memref<8x8x128xf32, #tpu.memory_space<hbm>>
        tpu.wait_dma2 semaphore(%arg21 : memref<!tpu.dma_semaphore, #tpu.memory_space<semaphore_mem>>) src(%arg15 : memref<8x8x128xf32, #tpu.memory_space<vmem>>) dst(%dma_wait3A_248 : memref<8x8x128xf32, #tpu.memory_space<hbm>>)
      } else {
      }
      %get3A_181 = arith.constant 0 : index
      %get3A_182 = tpu.vector_load %arg9[%get3A_181] {strides = array<i32>} : memref<128xi32, #tpu.memory_space<vmem>>, vector<16xi32>,
      %get3A_183 = arith.constant 16 : index
      %get3A_184 = tpu.vector_load %arg9[%get3A_183] {strides = array<i32>} : memref<128xi32, #tpu.memory_space<vmem>>, vector<16xi32>,
      %get3A_185 = arith.constant 32 : index
      %get3A_186 = tpu.vector_load %arg9[%get3A_185] {strides = array<i32>} : memref<128xi32, #tpu.memory_space<vmem>>, vector<16xi32>,
      %get3A_187 = arith.constant 48 : index
      %get3A_188 = tpu.vector_load %arg9[%get3A_187] {strides = array<i32>} : memref<128xi32, #tpu.memory_space<vmem>>, vector<16xi32>,
      %get3A_189 = arith.constant 64 : index
      %get3A_190 = tpu.vector_load %arg9[%get3A_189] {strides = array<i32>} : memref<128xi32, #tpu.memory_space<vmem>>, vector<16xi32>,
      %get3A_191 = arith.constant 80 : index
      %get3A_192 = tpu.vector_load %arg9[%get3A_191] {strides = array<i32>} : memref<128xi32, #tpu.memory_space<vmem>>, vector<16xi32>,
      %get3A_193 = arith.constant 96 : index
      %get3A_194 = tpu.vector_load %arg9[%get3A_193] {strides = array<i32>} : memref<128xi32, #tpu.memory_space<vmem>>, vector<16xi32>,
      %get3A_195 = arith.constant 112 : index
      %get3A_196 = tpu.vector_load %arg9[%get3A_195] {strides = array<i32>} : memref<128xi32, #tpu.memory_space<vmem>>, vector<16xi32>,
      %parallel_loop3A_197 = arith.constant 0 : i32
      %parallel_loop3A_198 = arith.constant 32 : i32
      %parallel_loop3A_199 = arith.constant 1 : i32
      scf.for %parallel_loop3A_237 = %parallel_loop3A_197 to %parallel_loop3A_198 step %parallel_loop3A_199  : i32 {
        %parallel_loop3A_238 = arith.constant 8 : i32
        %parallel_loop3A_239 = arith.divsi %parallel_loop3A_237, %parallel_loop3A_238 : i32
        %parallel_loop3A_240 = arith.constant 0 : i32
        %parallel_loop3A_241 = arith.cmpi sgt, %parallel_loop3A_237, %parallel_loop3A_240 : i32
        %parallel_loop3A_242 = arith.extui %parallel_loop3A_241 : i1 to i32
        %parallel_loop3A_243 = arith.constant 0 : i32
        %parallel_loop3A_244 = arith.cmpi slt, %parallel_loop3A_237, %parallel_loop3A_243 : i32
        %parallel_loop3A_245 = arith.extui %parallel_loop3A_244 : i1 to i32
        %parallel_loop3A_246 = arith.subi %parallel_loop3A_242, %parallel_loop3A_245 : i32
        %parallel_loop3A_247 = arith.constant 0 : i32
        %parallel_loop3A_248 = arith.cmpi sgt, %parallel_loop3A_238, %parallel_loop3A_247 : i32
        %parallel_loop3A_249 = arith.extui %parallel_loop3A_248 : i1 to i32
        %parallel_loop3A_250 = arith.constant 0 : i32
        %parallel_loop3A_251 = arith.cmpi slt, %parallel_loop3A_238, %parallel_loop3A_250 : i32
        %parallel_loop3A_252 = arith.extui %parallel_loop3A_251 : i1 to i32
        %parallel_loop3A_253 = arith.subi %parallel_loop3A_249, %parallel_loop3A_252 : i32
        %parallel_loop3A_254 = arith.cmpi ne, %parallel_loop3A_246, %parallel_loop3A_253 : i32
        %parallel_loop3A_255 = arith.remsi %parallel_loop3A_237, %parallel_loop3A_238 : i32
        %parallel_loop3A_256 = arith.constant 0 : i32
        %parallel_loop3A_257 = arith.cmpi ne, %parallel_loop3A_255, %parallel_loop3A_256 : i32
        %parallel_loop3A_258 = arith.andi %parallel_loop3A_254, %parallel_loop3A_257 : i1
        %parallel_loop3A_259 = arith.constant 1 : i32
        %parallel_loop3A_260 = arith.subi %parallel_loop3A_239, %parallel_loop3A_259 : i32
        %parallel_loop3A_261 = arith.select %parallel_loop3A_258, %parallel_loop3A_260, %parallel_loop3A_239 : i32
        %parallel_loop3A_262 = arith.constant 8 : i32
        %parallel_loop3A_263 = arith.remsi %parallel_loop3A_237, %parallel_loop3A_262 : i32
        %parallel_loop3A_264 = vector.broadcast %parallel_loop3A_237 : i32 to vector<16xi32>
        %parallel_loop3A_265 = tpu.vector_load_idx %arg7[%parallel_loop3A_264, %get3A_182] : memref<32x1000xf32, #tpu.memory_space<vmem>>[vector<16xi32>, vector<16xi32>], vector<16xf32>,
        %parallel_loop3A_266 = arith.index_cast %parallel_loop3A_261 : i32 to index
        %parallel_loop3A_267 = arith.index_cast %parallel_loop3A_263 : i32 to index
        %parallel_loop3A_268 = arith.constant 0 : index
        %parallel_loop3A_269 = tpu.vector_load %arg15[%parallel_loop3A_266, %parallel_loop3A_267, %parallel_loop3A_268] {strides = array<i32>} : memref<8x8x128xf32, #tpu.memory_space<vmem>>, vector<16xf32>,
        tpu.vector_store %arg15[%parallel_loop3A_266, %parallel_loop3A_267, %parallel_loop3A_268], %parallel_loop3A_265 {strides = array<i32>} : memref<8x8x128xf32, #tpu.memory_space<vmem>>, vector<16xf32>,
        %parallel_loop3A_270 = tpu.vector_load_idx %arg7[%parallel_loop3A_264, %get3A_184] : memref<32x1000xf32, #tpu.memory_space<vmem>>[vector<16xi32>, vector<16xi32>], vector<16xf32>,
        %parallel_loop3A_271 = arith.index_cast %parallel_loop3A_261 : i32 to index
        %parallel_loop3A_272 = arith.index_cast %parallel_loop3A_263 : i32 to index
        %parallel_loop3A_273 = arith.constant 16 : index
        %parallel_loop3A_274 = tpu.vector_load %arg15[%parallel_loop3A_271, %parallel_loop3A_272, %parallel_loop3A_273] {strides = array<i32>} : memref<8x8x128xf32, #tpu.memory_space<vmem>>, vector<16xf32>,
        tpu.vector_store %arg15[%parallel_loop3A_271, %parallel_loop3A_272, %parallel_loop3A_273], %parallel_loop3A_270 {strides = array<i32>} : memref<8x8x128xf32, #tpu.memory_space<vmem>>, vector<16xf32>,
        %parallel_loop3A_275 = tpu.vector_load_idx %arg7[%parallel_loop3A_264, %get3A_186] : memref<32x1000xf32, #tpu.memory_space<vmem>>[vector<16xi32>, vector<16xi32>], vector<16xf32>,
        %parallel_loop3A_276 = arith.index_cast %parallel_loop3A_261 : i32 to index
        %parallel_loop3A_277 = arith.index_cast %parallel_loop3A_263 : i32 to index
        %parallel_loop3A_278 = arith.constant 32 : index
        %parallel_loop3A_279 = tpu.vector_load %arg15[%parallel_loop3A_276, %parallel_loop3A_277, %parallel_loop3A_278] {strides = array<i32>} : memref<8x8x128xf32, #tpu.memory_space<vmem>>, vector<16xf32>,
        tpu.vector_store %arg15[%parallel_loop3A_276, %parallel_loop3A_277, %parallel_loop3A_278], %parallel_loop3A_275 {strides = array<i32>} : memref<8x8x128xf32, #tpu.memory_space<vmem>>, vector<16xf32>,
        %parallel_loop3A_280 = tpu.vector_load_idx %arg7[%parallel_loop3A_264, %get3A_188] : memref<32x1000xf32, #tpu.memory_space<vmem>>[vector<16xi32>, vector<16xi32>], vector<16xf32>,
        %parallel_loop3A_281 = arith.index_cast %parallel_loop3A_261 : i32 to index
        %parallel_loop3A_282 = arith.index_cast %parallel_loop3A_263 : i32 to index
        %parallel_loop3A_283 = arith.constant 48 : index
        %parallel_loop3A_284 = tpu.vector_load %arg15[%parallel_loop3A_281, %parallel_loop3A_282, %parallel_loop3A_283] {strides = array<i32>} : memref<8x8x128xf32, #tpu.memory_space<vmem>>, vector<16xf32>,
        tpu.vector_store %arg15[%parallel_loop3A_281, %parallel_loop3A_282, %parallel_loop3A_283], %parallel_loop3A_280 {strides = array<i32>} : memref<8x8x128xf32, #tpu.memory_space<vmem>>, vector<16xf32>,
        %parallel_loop3A_285 = tpu.vector_load_idx %arg7[%parallel_loop3A_264, %get3A_190] : memref<32x1000xf32, #tpu.memory_space<vmem>>[vector<16xi32>, vector<16xi32>], vector<16xf32>,
        %parallel_loop3A_286 = arith.index_cast %parallel_loop3A_261 : i32 to index
        %parallel_loop3A_287 = arith.index_cast %parallel_loop3A_263 : i32 to index
        %parallel_loop3A_288 = arith.constant 64 : index
        %parallel_loop3A_289 = tpu.vector_load %arg15[%parallel_loop3A_286, %parallel_loop3A_287, %parallel_loop3A_288] {strides = array<i32>} : memref<8x8x128xf32, #tpu.memory_space<vmem>>, vector<16xf32>,
        tpu.vector_store %arg15[%parallel_loop3A_286, %parallel_loop3A_287, %parallel_loop3A_288], %parallel_loop3A_285 {strides = array<i32>} : memref<8x8x128xf32, #tpu.memory_space<vmem>>, vector<16xf32>,
        %parallel_loop3A_290 = tpu.vector_load_idx %arg7[%parallel_loop3A_264, %get3A_192] : memref<32x1000xf32, #tpu.memory_space<vmem>>[vector<16xi32>, vector<16xi32>], vector<16xf32>,
        %parallel_loop3A_291 = arith.index_cast %parallel_loop3A_261 : i32 to index
        %parallel_loop3A_292 = arith.index_cast %parallel_loop3A_263 : i32 to index
        %parallel_loop3A_293 = arith.constant 80 : index
        %parallel_loop3A_294 = tpu.vector_load %arg15[%parallel_loop3A_291, %parallel_loop3A_292, %parallel_loop3A_293] {strides = array<i32>} : memref<8x8x128xf32, #tpu.memory_space<vmem>>, vector<16xf32>,
        tpu.vector_store %arg15[%parallel_loop3A_291, %parallel_loop3A_292, %parallel_loop3A_293], %parallel_loop3A_290 {strides = array<i32>} : memref<8x8x128xf32, #tpu.memory_space<vmem>>, vector<16xf32>,
        %parallel_loop3A_295 = tpu.vector_load_idx %arg7[%parallel_loop3A_264, %get3A_194] : memref<32x1000xf32, #tpu.memory_space<vmem>>[vector<16xi32>, vector<16xi32>], vector<16xf32>,
        %parallel_loop3A_296 = arith.index_cast %parallel_loop3A_261 : i32 to index
        %parallel_loop3A_297 = arith.index_cast %parallel_loop3A_263 : i32 to index
        %parallel_loop3A_298 = arith.constant 96 : index
        %parallel_loop3A_299 = tpu.vector_load %arg15[%parallel_loop3A_296, %parallel_loop3A_297, %parallel_loop3A_298] {strides = array<i32>} : memref<8x8x128xf32, #tpu.memory_space<vmem>>, vector<16xf32>,
        tpu.vector_store %arg15[%parallel_loop3A_296, %parallel_loop3A_297, %parallel_loop3A_298], %parallel_loop3A_295 {strides = array<i32>} : memref<8x8x128xf32, #tpu.memory_space<vmem>>, vector<16xf32>,
        %parallel_loop3A_300 = tpu.vector_load_idx %arg7[%parallel_loop3A_264, %get3A_196] : memref<32x1000xf32, #tpu.memory_space<vmem>>[vector<16xi32>, vector<16xi32>], vector<16xf32>,
        %parallel_loop3A_301 = arith.index_cast %parallel_loop3A_261 : i32 to index
        %parallel_loop3A_302 = arith.index_cast %parallel_loop3A_263 : i32 to index
        %parallel_loop3A_303 = arith.constant 112 : index
        %parallel_loop3A_304 = tpu.vector_load %arg15[%parallel_loop3A_301, %parallel_loop3A_302, %parallel_loop3A_303] {strides = array<i32>} : memref<8x8x128xf32, #tpu.memory_space<vmem>>, vector<16xf32>,
        tpu.vector_store %arg15[%parallel_loop3A_301, %parallel_loop3A_302, %parallel_loop3A_303], %parallel_loop3A_300 {strides = array<i32>} : memref<8x8x128xf32, #tpu.memory_space<vmem>>, vector<16xf32>,
        %parallel_loop3A_305 = arith.constant 32 : i32
        %parallel_loop3A_306 = arith.addi %parallel_loop3A_237, %parallel_loop3A_305 : i32
        %parallel_loop3A_307 = arith.constant 8 : i32
        %parallel_loop3A_308 = arith.divsi %parallel_loop3A_306, %parallel_loop3A_307 : i32
        %parallel_loop3A_309 = arith.constant 0 : i32
        %parallel_loop3A_310 = arith.cmpi sgt, %parallel_loop3A_306, %parallel_loop3A_309 : i32
        %parallel_loop3A_311 = arith.extui %parallel_loop3A_310 : i1 to i32
        %parallel_loop3A_312 = arith.constant 0 : i32
        %parallel_loop3A_313 = arith.cmpi slt, %parallel_loop3A_306, %parallel_loop3A_312 : i32
        %parallel_loop3A_314 = arith.extui %parallel_loop3A_313 : i1 to i32
        %parallel_loop3A_315 = arith.subi %parallel_loop3A_311, %parallel_loop3A_314 : i32
        %parallel_loop3A_316 = arith.constant 0 : i32
        %parallel_loop3A_317 = arith.cmpi sgt, %parallel_loop3A_307, %parallel_loop3A_316 : i32
        %parallel_loop3A_318 = arith.extui %parallel_loop3A_317 : i1 to i32
        %parallel_loop3A_319 = arith.constant 0 : i32
        %parallel_loop3A_320 = arith.cmpi slt, %parallel_loop3A_307, %parallel_loop3A_319 : i32
        %parallel_loop3A_321 = arith.extui %parallel_loop3A_320 : i1 to i32
        %parallel_loop3A_322 = arith.subi %parallel_loop3A_318, %parallel_loop3A_321 : i32
        %parallel_loop3A_323 = arith.cmpi ne, %parallel_loop3A_315, %parallel_loop3A_322 : i32
        %parallel_loop3A_324 = arith.remsi %parallel_loop3A_306, %parallel_loop3A_307 : i32
        %parallel_loop3A_325 = arith.constant 0 : i32
        %parallel_loop3A_326 = arith.cmpi ne, %parallel_loop3A_324, %parallel_loop3A_325 : i32
        %parallel_loop3A_327 = arith.andi %parallel_loop3A_323, %parallel_loop3A_326 : i1
        %parallel_loop3A_328 = arith.constant 1 : i32
        %parallel_loop3A_329 = arith.subi %parallel_loop3A_308, %parallel_loop3A_328 : i32
        %parallel_loop3A_330 = arith.select %parallel_loop3A_327, %parallel_loop3A_329, %parallel_loop3A_308 : i32
        %parallel_loop3A_331 = arith.constant 32 : i32
        %parallel_loop3A_332 = arith.addi %parallel_loop3A_237, %parallel_loop3A_331 : i32
        %parallel_loop3A_333 = arith.constant 8 : i32
        %parallel_loop3A_334 = arith.remsi %parallel_loop3A_332, %parallel_loop3A_333 : i32
        %parallel_loop3A_335 = tpu.vector_load_idx %arg13[%add3A_5, %parallel_loop3A_264] : memref<128x32xf32, #tpu.memory_space<vmem>>[vector<16xi32>, vector<16xi32>], vector<16xf32>,
        %parallel_loop3A_336 = arith.index_cast %parallel_loop3A_330 : i32 to index
        %parallel_loop3A_337 = arith.index_cast %parallel_loop3A_334 : i32 to index
        %parallel_loop3A_338 = arith.constant 0 : index
        %parallel_loop3A_339 = tpu.vector_load %arg15[%parallel_loop3A_336, %parallel_loop3A_337, %parallel_loop3A_338] {strides = array<i32>} : memref<8x8x128xf32, #tpu.memory_space<vmem>>, vector<16xf32>,
        tpu.vector_store %arg15[%parallel_loop3A_336, %parallel_loop3A_337, %parallel_loop3A_338], %parallel_loop3A_335 {strides = array<i32>} : memref<8x8x128xf32, #tpu.memory_space<vmem>>, vector<16xf32>,
        %parallel_loop3A_340 = tpu.vector_load_idx %arg13[%add3A_8, %parallel_loop3A_264] : memref<128x32xf32, #tpu.memory_space<vmem>>[vector<16xi32>, vector<16xi32>], vector<16xf32>,
        %parallel_loop3A_341 = arith.index_cast %parallel_loop3A_330 : i32 to index
        %parallel_loop3A_342 = arith.index_cast %parallel_loop3A_334 : i32 to index
        %parallel_loop3A_343 = arith.constant 16 : index
        %parallel_loop3A_344 = tpu.vector_load %arg15[%parallel_loop3A_341, %parallel_loop3A_342, %parallel_loop3A_343] {strides = array<i32>} : memref<8x8x128xf32, #tpu.memory_space<vmem>>, vector<16xf32>,
        tpu.vector_store %arg15[%parallel_loop3A_341, %parallel_loop3A_342, %parallel_loop3A_343], %parallel_loop3A_340 {strides = array<i32>} : memref<8x8x128xf32, #tpu.memory_space<vmem>>, vector<16xf32>,
        %parallel_loop3A_345 = tpu.vector_load_idx %arg13[%add3A_11, %parallel_loop3A_264] : memref<128x32xf32, #tpu.memory_space<vmem>>[vector<16xi32>, vector<16xi32>], vector<16xf32>,
        %parallel_loop3A_346 = arith.index_cast %parallel_loop3A_330 : i32 to index
        %parallel_loop3A_347 = arith.index_cast %parallel_loop3A_334 : i32 to index
        %parallel_loop3A_348 = arith.constant 32 : index
        %parallel_loop3A_349 = tpu.vector_load %arg15[%parallel_loop3A_346, %parallel_loop3A_347, %parallel_loop3A_348] {strides = array<i32>} : memref<8x8x128xf32, #tpu.memory_space<vmem>>, vector<16xf32>,
        tpu.vector_store %arg15[%parallel_loop3A_346, %parallel_loop3A_347, %parallel_loop3A_348], %parallel_loop3A_345 {strides = array<i32>} : memref<8x8x128xf32, #tpu.memory_space<vmem>>, vector<16xf32>,
        %parallel_loop3A_350 = tpu.vector_load_idx %arg13[%add3A_14, %parallel_loop3A_264] : memref<128x32xf32, #tpu.memory_space<vmem>>[vector<16xi32>, vector<16xi32>], vector<16xf32>,
        %parallel_loop3A_351 = arith.index_cast %parallel_loop3A_330 : i32 to index
        %parallel_loop3A_352 = arith.index_cast %parallel_loop3A_334 : i32 to index
        %parallel_loop3A_353 = arith.constant 48 : index
        %parallel_loop3A_354 = tpu.vector_load %arg15[%parallel_loop3A_351, %parallel_loop3A_352, %parallel_loop3A_353] {strides = array<i32>} : memref<8x8x128xf32, #tpu.memory_space<vmem>>, vector<16xf32>,
        tpu.vector_store %arg15[%parallel_loop3A_351, %parallel_loop3A_352, %parallel_loop3A_353], %parallel_loop3A_350 {strides = array<i32>} : memref<8x8x128xf32, #tpu.memory_space<vmem>>, vector<16xf32>,
        %parallel_loop3A_355 = tpu.vector_load_idx %arg13[%add3A_17, %parallel_loop3A_264] : memref<128x32xf32, #tpu.memory_space<vmem>>[vector<16xi32>, vector<16xi32>], vector<16xf32>,
        %parallel_loop3A_356 = arith.index_cast %parallel_loop3A_330 : i32 to index
        %parallel_loop3A_357 = arith.index_cast %parallel_loop3A_334 : i32 to index
        %parallel_loop3A_358 = arith.constant 64 : index
        %parallel_loop3A_359 = tpu.vector_load %arg15[%parallel_loop3A_356, %parallel_loop3A_357, %parallel_loop3A_358] {strides = array<i32>} : memref<8x8x128xf32, #tpu.memory_space<vmem>>, vector<16xf32>,
        tpu.vector_store %arg15[%parallel_loop3A_356, %parallel_loop3A_357, %parallel_loop3A_358], %parallel_loop3A_355 {strides = array<i32>} : memref<8x8x128xf32, #tpu.memory_space<vmem>>, vector<16xf32>,
        %parallel_loop3A_360 = tpu.vector_load_idx %arg13[%add3A_20, %parallel_loop3A_264] : memref<128x32xf32, #tpu.memory_space<vmem>>[vector<16xi32>, vector<16xi32>], vector<16xf32>,
        %parallel_loop3A_361 = arith.index_cast %parallel_loop3A_330 : i32 to index
        %parallel_loop3A_362 = arith.index_cast %parallel_loop3A_334 : i32 to index
        %parallel_loop3A_363 = arith.constant 80 : index
        %parallel_loop3A_364 = tpu.vector_load %arg15[%parallel_loop3A_361, %parallel_loop3A_362, %parallel_loop3A_363] {strides = array<i32>} : memref<8x8x128xf32, #tpu.memory_space<vmem>>, vector<16xf32>,
        tpu.vector_store %arg15[%parallel_loop3A_361, %parallel_loop3A_362, %parallel_loop3A_363], %parallel_loop3A_360 {strides = array<i32>} : memref<8x8x128xf32, #tpu.memory_space<vmem>>, vector<16xf32>,
        %parallel_loop3A_365 = tpu.vector_load_idx %arg13[%add3A_23, %parallel_loop3A_264] : memref<128x32xf32, #tpu.memory_space<vmem>>[vector<16xi32>, vector<16xi32>], vector<16xf32>,
        %parallel_loop3A_366 = arith.index_cast %parallel_loop3A_330 : i32 to index
        %parallel_loop3A_367 = arith.index_cast %parallel_loop3A_334 : i32 to index
        %parallel_loop3A_368 = arith.constant 96 : index
        %parallel_loop3A_369 = tpu.vector_load %arg15[%parallel_loop3A_366, %parallel_loop3A_367, %parallel_loop3A_368] {strides = array<i32>} : memref<8x8x128xf32, #tpu.memory_space<vmem>>, vector<16xf32>,
        tpu.vector_store %arg15[%parallel_loop3A_366, %parallel_loop3A_367, %parallel_loop3A_368], %parallel_loop3A_365 {strides = array<i32>} : memref<8x8x128xf32, #tpu.memory_space<vmem>>, vector<16xf32>,
        %parallel_loop3A_370 = tpu.vector_load_idx %arg13[%add3A_26, %parallel_loop3A_264] : memref<128x32xf32, #tpu.memory_space<vmem>>[vector<16xi32>, vector<16xi32>], vector<16xf32>,
        %parallel_loop3A_371 = arith.index_cast %parallel_loop3A_330 : i32 to index
        %parallel_loop3A_372 = arith.index_cast %parallel_loop3A_334 : i32 to index
        %parallel_loop3A_373 = arith.constant 112 : index
        %parallel_loop3A_374 = tpu.vector_load %arg15[%parallel_loop3A_371, %parallel_loop3A_372, %parallel_loop3A_373] {strides = array<i32>} : memref<8x8x128xf32, #tpu.memory_space<vmem>>, vector<16xf32>,
        tpu.vector_store %arg15[%parallel_loop3A_371, %parallel_loop3A_372, %parallel_loop3A_373], %parallel_loop3A_370 {strides = array<i32>} : memref<8x8x128xf32, #tpu.memory_space<vmem>>, vector<16xf32>,
      } {sc.loop_unroll_factor = 4 : i64, sc.parallel_access}
      %add3A_200 = arith.addi %mul3A_2, %add3A_156 : i32
      %jit3A_201 = arith.constant 32 : i32
      %div3A_202 = arith.divsi %add3A_200, %jit3A_201 : i32
      %sign3A_203 = arith.constant 0 : i32
      %sign3A_204 = arith.cmpi sgt, %add3A_200, %sign3A_203 : i32
      %sign3A_205 = arith.extui %sign3A_204 : i1 to i32
      %sign3A_206 = arith.constant 0 : i32
      %sign3A_207 = arith.cmpi slt, %add3A_200, %sign3A_206 : i32
      %sign3A_208 = arith.extui %sign3A_207 : i1 to i32
      %sign3A_209 = arith.subi %sign3A_205, %sign3A_208 : i32
      %sign3A_210 = arith.constant 0 : i32
      %sign3A_211 = arith.cmpi sgt, %jit3A_201, %sign3A_210 : i32
      %sign3A_212 = arith.extui %sign3A_211 : i1 to i32
      %sign3A_213 = arith.constant 0 : i32
      %sign3A_214 = arith.cmpi slt, %jit3A_201, %sign3A_213 : i32
      %sign3A_215 = arith.extui %sign3A_214 : i1 to i32
      %sign3A_216 = arith.subi %sign3A_212, %sign3A_215 : i32
      %ne3A_217 = arith.cmpi ne, %sign3A_209, %sign3A_216 : i32
      %rem3A_218 = arith.remsi %add3A_200, %jit3A_201 : i32
      %ne3A_219 = arith.constant 0 : i32
      %ne3A_220 = arith.cmpi ne, %rem3A_218, %ne3A_219 : i32
      %and3A_221 = arith.andi %ne3A_217, %ne3A_220 : i1
      %sub3A_222 = arith.constant 1 : i32
      %sub3A_223 = arith.subi %div3A_202, %sub3A_222 : i32
      %select_n3A_224 = arith.select %and3A_221, %sub3A_223, %div3A_202 : i32
      %rem3A_225 = arith.constant 32 : i32
      %rem3A_226 = arith.remsi %add3A_200, %rem3A_225 : i32
      %dma_start3A_227 = arith.constant 0 : i32
      %dma_start3A_228 = arith.constant 0 : i32
      %dma_start3A_229 = arith.constant 0 : i32
      %dma_start3A_230 = tpu.memref_slice %arg6[%select_n3A_224, %dma_start3A_227, %rem3A_226, %dma_start3A_228, %dma_start3A_229] : memref<200x8x32x8x128xf32, #tpu.memory_space<hbm>> -> memref<1x8x1x8x128xf32, #tpu.memory_space<hbm>>
      %dma_start3A_231 = tpu.memref_squeeze %dma_start3A_230 : memref<1x8x1x8x128xf32, #tpu.memory_space<hbm>> -> memref<8x8x128xf32, #tpu.memory_space<hbm>>
      %dma_start3A_232 = arith.constant 0 : i32
      %dma_start3A_233 = arith.constant 0 : i32
      %dma_start3A_234 = arith.constant 0 : i32
      %dma_start3A_235 = tpu.memref_slice %arg6[%select_n3A_224, %dma_start3A_232, %rem3A_226, %dma_start3A_233, %dma_start3A_234] : memref<200x8x32x8x128xf32, #tpu.memory_space<hbm>> -> memref<1x8x1x8x128xf32, #tpu.memory_space<hbm>>
      %dma_start3A_236 = tpu.memref_squeeze %dma_start3A_235 : memref<1x8x1x8x128xf32, #tpu.memory_space<hbm>> -> memref<8x8x128xf32, #tpu.memory_space<hbm>>
      tpu.enqueue_dma source(%arg15 : memref<8x8x128xf32, #tpu.memory_space<vmem>>) target(%dma_start3A_236 : memref<8x8x128xf32, #tpu.memory_space<hbm>>) target_semaphore(%arg21 : memref<!tpu.dma_semaphore, #tpu.memory_space<semaphore_mem>>)
    }
    %scan3A_57 = arith.constant 100 : i32
    %dma_wait3A_58 = arith.constant 0 : i32
    %dma_wait3A_59 = arith.constant 0 : i32
    %dma_wait3A_60 = arith.constant 0 : i32
    %dma_wait3A_61 = arith.constant 0 : i32
    %dma_wait3A_62 = arith.constant 0 : i32
    %dma_wait3A_63 = tpu.memref_slice %arg6[%dma_wait3A_58, %dma_wait3A_60, %dma_wait3A_59, %dma_wait3A_61, %dma_wait3A_62] : memref<200x8x32x8x128xf32, #tpu.memory_space<hbm>> -> memref<1x8x1x8x128xf32, #tpu.memory_space<hbm>>
    %dma_wait3A_64 = tpu.memref_squeeze %dma_wait3A_63 : memref<1x8x1x8x128xf32, #tpu.memory_space<hbm>> -> memref<8x8x128xf32, #tpu.memory_space<hbm>>
    %dma_wait3A_65 = arith.constant 0 : i32
    %dma_wait3A_66 = arith.constant 0 : i32
    %dma_wait3A_67 = arith.constant 0 : i32
    %dma_wait3A_68 = tpu.memref_slice %arg6[%dma_wait3A_58, %dma_wait3A_65, %dma_wait3A_59, %dma_wait3A_66, %dma_wait3A_67] : memref<200x8x32x8x128xf32, #tpu.memory_space<hbm>> -> memref<1x8x1x8x128xf32, #tpu.memory_space<hbm>>
    %dma_wait3A_69 = tpu.memref_squeeze %dma_wait3A_68 : memref<1x8x1x8x128xf32, #tpu.memory_space<hbm>> -> memref<8x8x128xf32, #tpu.memory_space<hbm>>
    tpu.wait_dma2 semaphore(%arg20 : memref<!tpu.dma_semaphore, #tpu.memory_space<semaphore_mem>>) src(%arg14 : memref<8x8x128xf32, #tpu.memory_space<vmem>>) dst(%dma_wait3A_69 : memref<8x8x128xf32, #tpu.memory_space<hbm>>)
    %dma_wait3A_70 = arith.constant 0 : i32
    %dma_wait3A_71 = arith.constant 0 : i32
    %dma_wait3A_72 = arith.constant 0 : i32
    %dma_wait3A_73 = arith.constant 0 : i32
    %dma_wait3A_74 = arith.constant 0 : i32
    %dma_wait3A_75 = tpu.memref_slice %arg6[%dma_wait3A_70, %dma_wait3A_72, %dma_wait3A_71, %dma_wait3A_73, %dma_wait3A_74] : memref<200x8x32x8x128xf32, #tpu.memory_space<hbm>> -> memref<1x8x1x8x128xf32, #tpu.memory_space<hbm>>
    %dma_wait3A_76 = tpu.memref_squeeze %dma_wait3A_75 : memref<1x8x1x8x128xf32, #tpu.memory_space<hbm>> -> memref<8x8x128xf32, #tpu.memory_space<hbm>>
    %dma_wait3A_77 = arith.constant 0 : i32
    %dma_wait3A_78 = arith.constant 0 : i32
    %dma_wait3A_79 = arith.constant 0 : i32
    %dma_wait3A_80 = tpu.memref_slice %arg6[%dma_wait3A_70, %dma_wait3A_77, %dma_wait3A_71, %dma_wait3A_78, %dma_wait3A_79] : memref<200x8x32x8x128xf32, #tpu.memory_space<hbm>> -> memref<1x8x1x8x128xf32, #tpu.memory_space<hbm>>
    %dma_wait3A_81 = tpu.memref_squeeze %dma_wait3A_80 : memref<1x8x1x8x128xf32, #tpu.memory_space<hbm>> -> memref<8x8x128xf32, #tpu.memory_space<hbm>>
    tpu.wait_dma2 semaphore(%arg21 : memref<!tpu.dma_semaphore, #tpu.memory_space<semaphore_mem>>) src(%arg15 : memref<8x8x128xf32, #tpu.memory_space<vmem>>) dst(%dma_wait3A_81 : memref<8x8x128xf32, #tpu.memory_space<hbm>>)
    return
  }
}

</mosaic_0001>

<sc_bundles>
// kernel: kernel.3.cloned.1.call-start
scs
__scs_entry_jumppad:
0x0: {  	(pc) =	sbr.rel $0x88, $3  }
0x1: {  	(tag) =	ssettag $0x0;
	lr =	simm.s32 $0x1  }
0x2: {  	[smem:$0x3F9D] =	sst lr;
	_ =	strace $0xD0000000  }
0x3: {  	_ = 	snop  }
0x4: {  	_ = 	snop  }
0x5: {  	_ = 	snop  }
0x6: {  	_ = 	snop  }
0x7: {  	_ = 	snop  }
__scs_overlays_trampoline_lowered:
0x8: {  	[smem:$0x3FAC] =	sst s0  }
0x9: {  	[smem:$0x3FAD] =	sst s1  }
0xa: {  	[smem:$0x3FAE] =	sst s2  }
0xb: {  	[smem:$0x3FAF] =	sst s3  }
0xc: {  	[smem:$0x3FB0] =	sst s4  }
0xd: {  	[smem:$0x3FB1] =	sst s5  }
0xe: {  	[smem:$0x3FB2] =	sst s6  }
0xf: {  	[smem:$0x3FB3] =	sst s7  }
0x10: {  	[smem:$0x3FB4] =	sst s8  }
0x11: {  	[smem:$0x3FB5] =	sst s9;
	s0 =	simm.s32 @!p0 $0x0  }
0x12: {  	s1 =	sld [smem:$0x3F9B];
	s0 =	simm.s32 @p0 $0x1  }
0x13: {  	[smem:$0x3FB6] =	sst s0;
	s0 =	simm.s32 @!p1 $0x0  }
0x14: {  	s2 =	sld [smem:$0x3F9A];
	s0 =	simm.s32 @p1 $0x1  }
0x15: {  	[smem:$0x3FB7] =	sst s0;
	s0 =	simm.s32 @!p2 $0x0  }
0x16: {  	s3 =	sld [smem:$0x3FDB];
	s0 =	simm.s32 @p2 $0x1  }
0x17: {  	s4 =	simm.s32 $0x1BF5;
	[smem:$0x3FB9] =	sst s0  }
0x18: {  	s0 =	sld [smem:$0x3F9C];
	_ =	swait.ge [sflag:s4], $0x0  }
0x19: {  	s7 =	sld [smem:$0x3F9D]  }
0x1a: {  	s8 =	sadd.s32 $0xFFFFE003, lr  }
0x1b: {  	s9 =	sadd.s32 $0xFFFFFEF7, lr;
	s5 =	simm.s32 $0xFFFFFFFF;
	p2 =	slt.u32 s8, $0xFFFFF086  }
0x1c: {  	p1 =	slt.u32 s9, $0xF7A;
	s5 =	simm.s32 @!p2 $0x0  }
0x1d: {  	s5 =	simm.s32 @p1 $0x1;
	p0 =	seq.s32 s7, s2  }
0x1e: {  	s7 =	smul.u32 @!p0 $0xF7A, s2;
	p2 =	seq.s32 @!p0 s5, $0x0  }
0x1f: {  	s9 =	smul.u32 $0xF7A, s1;
	s8 =	simm.s32 @!p0 $0x1BF5;
	p2 =	por !p2, p0  }
0x20: {  	[sflag:s8] =	ssyncset.s32 @!p0 $0xFFFFF086;
	s6 =	sadd.s32 @!p0 s3, s7;
	s7 =	simm.s32 @!p0 $0x108  }
0x21: {  	s3 =	sadd.s32 s3, s9;
	s6 =	sadd.s32 @!p0 $0x88, s6;
	s7 =	simm.s32 @p2 $0x1082  }
0x22: {  	[simem:s7], [sflag:s8] =	dma.local @!p0 [hbm:s6], $0xF7A  }
0x23: {  	s9 =	sor.u32 $0xD0000000, s2;
	s6 =	simm.s32 $0x108;
	_ =	swait.ge @!p0 [sflag:s8], $0x0  }
0x24: {  	s3 =	sadd.s32 $0x88, s3;
	s6 =	simm.s32 @!p1 $0x1082;
	[sflag:s4] =	ssyncset.s32 $0xFFFFF086  }
0x25: {  	[simem:s6], [sflag:s4] =	dma.local [hbm:s3], $0xF7A  }
0x26: {  	[smem:$0x3F9D] =	sst s1;
	(tag) =	ssettag s2;
	_ =	strace s9  }
0x27: {  	s1 =	sld [smem:$0x3FAD]  }
0x28: {  	s2 =	sld [smem:$0x3FAE]  }
0x29: {  	s4 =	sld [smem:$0x3FB0]  }
0x2a: {  	p0 =	seq.s32 s5, $0x0;
	s5 =	sld [smem:$0x3FB1]  }
0x2b: {  	s6 =	sld [smem:$0x3FB2]  }
0x2c: {  	s7 =	sld [smem:$0x3FB3]  }
0x2d: {  	s3 =	simm.s32 $0x108;
	s8 =	sld [smem:$0x3FB4]  }
0x2e: {  	s3 =	simm.s32 @!p0 $0x1082;
	s9 =	sld [smem:$0x3FB5]  }
0x2f: {  	lr =	sadd.s32 s0, s3;
	s0 =	sld [smem:$0x3FAC]  }
0x30: {  	s3 =	sld [smem:$0x3FAF]  }
0x31: {  	[smem:$0x3FB8] =	sst s10  }
0x32: {  	s10 =	sld [smem:$0x3FB6];
	_ =	sdelay $0x3  }
0x33: {  	p0 =	seq.s32 s10, $0x1;
	s10 =	sld [smem:$0x3FB8];
	_ =	sdelay $0x3  }
0x34: {  	[smem:$0x3FB8] =	sst s10  }
0x35: {  	s10 =	sld [smem:$0x3FB7];
	_ =	sdelay $0x3  }
0x36: {  	p1 =	seq.s32 s10, $0x1;
	s10 =	sld [smem:$0x3FB8];
	_ =	sdelay $0x3  }
0x37: {  	[smem:$0x3FB8] =	sst s10  }
0x38: {  	s10 =	sld [smem:$0x3FB9]  }
0x39: {  	_ = 	snop;
	(pc) =	sbr.ind lr, $3  }
0x3a: {  	_ = 	snop  }
0x3b: {  	_ = 	snop  }
0x3c: {  	p2 =	seq.s32 s10, $0x1;
	s10 =	sld [smem:$0x3FB8]  }
0x3d: {  	_ =	shalt  }
0x3e: {  	_ =	shalt  }
0x3f: {  	_ =	shalt  }
0x40: {  	_ =	shalt  }
0x41: {  	_ =	shalt  }
0x42: {  	_ =	shalt  }
0x43: {  	_ =	shalt  }
0x44: {  	_ =	shalt  }
0x45: {  	_ =	shalt  }
0x46: {  	_ =	shalt  }
0x47: {  	_ =	shalt  }
0x48: {  	_ =	shalt  }
0x49: {  	_ =	shalt  }
0x4a: {  	_ =	shalt  }
0x4b: {  	_ =	shalt  }
0x4c: {  	_ =	shalt  }
0x4d: {  	_ =	shalt  }
0x4e: {  	_ =	shalt  }
0x4f: {  	_ =	shalt  }
0x50: {  	_ =	shalt  }
0x51: {  	_ =	shalt  }
0x52: {  	_ =	shalt  }
0x53: {  	_ =	shalt  }
0x54: {  	_ =	shalt  }
0x55: {  	_ =	shalt  }
0x56: {  	_ =	shalt  }
0x57: {  	_ =	shalt  }
0x58: {  	_ =	shalt  }
0x59: {  	_ =	shalt  }
0x5a: {  	_ =	shalt  }
0x5b: {  	_ =	shalt  }
0x5c: {  	_ =	shalt  }
0x5d: {  	_ =	shalt  }
0x5e: {  	_ =	shalt  }
0x5f: {  	_ =	shalt  }
0x60: {  	_ =	shalt  }
0x61: {  	_ =	shalt  }
0x62: {  	_ =	shalt  }
0x63: {  	_ =	shalt  }
0x64: {  	_ =	shalt  }
0x65: {  	_ =	shalt  }
0x66: {  	_ =	shalt  }
0x67: {  	_ =	shalt  }
0x68: {  	_ =	shalt  }
0x69: {  	_ =	shalt  }
0x6a: {  	_ =	shalt  }
0x6b: {  	_ =	shalt  }
0x6c: {  	_ =	shalt  }
0x6d: {  	_ =	shalt  }
0x6e: {  	_ =	shalt  }
0x6f: {  	_ =	shalt  }
0x70: {  	_ =	shalt  }
0x71: {  	_ =	shalt  }
0x72: {  	_ =	shalt  }
0x73: {  	_ =	shalt  }
0x74: {  	_ =	shalt  }
0x75: {  	_ =	shalt  }
0x76: {  	_ =	shalt  }
0x77: {  	_ =	shalt  }
0x78: {  	_ =	shalt  }
0x79: {  	_ =	shalt  }
0x7a: {  	_ =	shalt  }
0x7b: {  	_ =	shalt  }
0x7c: {  	_ =	shalt  }
0x7d: {  	_ =	shalt  }
0x7e: {  	_ =	shalt  }
0x7f: {  	_ =	shalt  }
0x80: {  	_ =	shalt  }
0x81: {  	_ =	shalt  }
0x82: {  	_ =	shalt  }
0x83: {  	_ =	shalt  }
0x84: {  	_ =	shalt  }
0x85: {  	_ =	shalt  }
0x86: {  	_ =	shalt  }
0x87: {  	_ =	shalt  }
.Lfunc_end0:
.L_simem_size_0:
called_computation.1_lowered:
.L_overlay_start_0:
0x88: {  	s2 =	sld [smem:$0x3FD9]  }
0x89: {  	s3 =	sld [smem:$0x3FFE];
	_ =	sdelay $0x1  }
0x8a: {  	s1 =	srdreg.scid  }
0x8b: {  	s0 =	sand.u32 $0x1, s1  }
0x8c: {  	s17 =	sshll.u32 s0, $0xA;
	s2 =	sadd.s32 s3, s2  }
0x8d: {  	s2 =	sadd.s32 s2, s17  }
0x8e: {  	[smem:$0x3FC4] =	sst s2  }
0x8f: {  	_ = 	snop  }
0x90: {  	s2 =	sld [smem:$0x3FD0];
	(tm) =	ssettm $0x1  }
0x91: {  	s18 =	sld [smem:$0x3FFB];
	_ =	sdelay $0x3  }
0x92: {  	_ =	strace s18  }
0x93: {  	s3 =	sld [smem:$0x3FFC];
	_ =	sdelay $0x3  }
0x94: {  	_ =	strace s3  }
0x95: {  	s3 =	sld [smem:$0x3FFD];
	_ =	sdelay $0x3  }
0x96: {  	_ =	strace s3  }
0x97: {  	_ =	strace $0x8FFFFFFF  }
0x98: {  	s19 =	sld [smem:$0x3FDB];
	_ =	sdelay $0x1  }
0x99: {  	s4 =	simm.s32 $_scs_section_size  }
0x9a: {  	s5 =	simm.s32 $_size__tile_overlayer_lowered;
	s6 =	simm.s32 $_tile_overlayer_lowered  }
0x9b: {  	s22 =	simm.s32 $0x1BFF;
	s21 =	sshll.u32 s6, $0x1;
	s3 =	sadd.s32 s4, s19  }
0x9c: {  	s7 =	simm.s32 $0x0;
	s20 =	sshll.u32 s5, $0x1;
	s5 =	sadd.s32 s21, s3  }
0x9d: {  	[timem:s7], [sflag:s22] =	dma.local [hbm:s5], s20  }
0x9e: {  	_ =	swait.ge [sflag:s22], s20  }
0x9f: {  	s4 =	ssub.s32 $0x0, s20;
	[sflag:s22] =	ssyncset.done $0x0  }
0xa0: {  	[sflag:s22] =	ssyncadd.s32 s4;
	_ =	sdelay $0x1  }
0xa1: {  	s23 =	simm.s32 $0x1B8B  }
0xa2: {  	_ =	swait.ge [sflag:s23], $0x1  }
0xa3: {  	[sflag:s23] =	ssyncset.done $0x0  }
0xa4: {  	s25 =	simm.s32 $0x1B8E;
	s24 =	sld [smem:$0x3FFE];
	[sflag:s23] =	ssyncadd.s32 $0xFFFFFFFF  }
0xa5: {  	s26 =	simm.s32 $execute0_lowered;
	[smem:$0x3FD2] =	sst s25  }
0xa6: {  	s5 =	sshll.u32 s26, $0x1;
	_ =	strace $0x80000049;
	[dreg:$0x1] =	wrdreg $0xFFFFFFFF  }
0xa7: {  	s28 =	simm.s32 $_size_execute0_lowered;
	s3 =	sadd.s32 s3, s5;
	[dreg:$0x0] =	wrdreg $0x0  }
0xa8: {  	s5 =	sshll.u32 s28, $0x1;
	[dreg:$0x2] =	wrdreg s3  }
0xa9: {  	[dreg:$0x3] =	wrdreg s5  }
0xaa: {  	[dreg:$0x4] =	wrdreg $0xC0  }
0xab: {  	_ =	task [dreg:s7], $0x5FFFF  }
0xac: {  	[dreg:$0x1] =	wrdreg $0xFFFFFFFF  }
0xad: {  	[dreg:$0x0] =	wrdreg $0x60  }
0xae: {  	[dreg:$0x2] =	wrdreg s24  }
0xaf: {  	[dreg:$0x3] =	wrdreg s2  }
0xb0: {  	[dreg:$0x4] =	wrdreg $0x9  }
0xb1: {  	_ =	task.clear_ibuf [dreg:s7], $0x5FFFF;
	_ =	strace $0x90000049  }
0xb2: {  	s29 =	simm.s32 $0x9;
	_ =	strace $0x8000004B  }
0xb3: {  	_ =	swait.ge [sflag:s29], $0x1  }
0xb4: {  	[sflag:s29] =	ssyncadd.s32 $0xFFFFFFFF  }
0xb5: {  	_ =	strace $0x9000004B  }
0xb6: {  	_ =	sfence  }
0xb7: {  	s30 =	sld [smem:$0x0];
	_ =	sdelay $0x2  }
0xb8: {  	s31 =	sshll.u32 s1, $0xD;
	s1 =	sshrl.u32 s1, $0x2  }
0xb9: {  	s3 =	sand.u32 $0x4000, s31;
	s1 =	sadd.s32 s1, s30  }
0xba: {  	s0 =	sor.u32 s3, s0;
	s1 =	sshll.u32 s1, $0x11  }
0xbb: {  	s0 =	sor.u32 s1, s0  }
0xbc: {  	s0 =	sadd.s32 $0x8F2B, s0  }
0xbd: {  	[sflag:s0] =	ssyncadd.remote.s32 $0x1  }
0xbe: {  	_ =	sfence.sel $0xFFFF  }
0xbf: {  	[dreg:$0x0] =	wrdreg $0xFFFFFFFF;
	(pc) =	sbr.abs _section_cstart, $3  }
0xc0: {  	[dreg:$0x1] =	wrdreg $0xFFFFFFFF  }
0xc1: {  	_ =	task.clear_ibuf [dreg:s7], $0x2FFFF;
	_ =	strace $0x9FFFFFFF  }
0xc2: {  	(tm) =	ssettm $0x7FFFFFFF  }
0xc3: {  	_ =	shalt  }
tec
execute0_lowered:
.L_overlay_start_1:
0x0: {  	(tag) =	ssettag $0x1  }
0x1: {  	s0 =	rddreg [dreg:$0x0]  }
0x2: {  	s1 =	rddreg [dreg:$0x1]  }
0x3: {  	s3 =	simm.s32 $0x0;
	s2 =	srdreg.scid;
	s5 =	stileid.u32  }
0x4: {  	s20 =	simm.s32 $0x7E80;
	s28 =	simm.s32 $0x400;
	s29 =	simm.s32 $0x8000  }
0x5: {  	s31 =	simm.s32 $0x4;
	s17 =	simm.s32 $0x6;
	[smem:$0x7FF] =	sst s3  }
0x6: {  	s4 =	sadd.s32 $0xF5C200, s0;
	s6 =	sshll.u32 s5, $0x1;
	s5 =	sadd.s32 $0xF43200, s0  }
0x7: {  	s2 =	sand.u32 $0x1, s2;
	s21 =	sadd.s32 $0xF75200, s0;
	s7 =	sadd.s32 $0xF76200, s0  }
0x8: {  	_ =	strace $0x8000004A;
	s8 =	ssub.s32 $0x2, s2;
	s2 =	sor.u32 s2, s6  }
0x9: {  	[dreg:$0x3] =	wrdreg s21;
	s22 =	sshrl.u32 s8, $0x1;
	s9 =	smul.u32 $0xC80, s2  }
0xa: {  	s23 =	ssub.s32 s8, s22;
	s8 =	smul.u32 $0xC8, s2;
	s22 =	simm.s32 $0x80  }
0xb: {  	v0 =	vlaneseq.u32;
	s24 =	sadd.s32 s4, s9;
	s25 =	sadd.s32 s5, s9;
	s26 =	sor.u32 $0x10, s9  }
0xc: {  	v0 =	vmul.u32 $0x20, v0;
	s0 =	smax.u32 s23, $0x1;
	s23 =	simm.s32 $0x7F00;
	[dreg:$0x4] =	wrdreg s24  }
0xd: {  	[dreg:$0x5] =	wrdreg s25;
	s30 =	sadd.s32 s4, s26;
	s2 =	sadd.s32 s5, s26  }
0xe: {  	v1 =	vor.u32 $0x200, v0;
	s13 =	sor.u32 $0x2, s8;
	s14 =	sor.u32 $0x3, s8;
	[dreg:$0x8] =	wrdreg s0  }
0xf: {  	v2 =	vor.u32 $0x400, v0;
	v3 =	vor.u32 $0x600, v0;
	v4 =	vor.u32 $0x800, v0;
	s24 =	simm.s32 $0x3;
	s25 =	simm.s32 $0x2;
	[dreg:$0x6] =	wrdreg s30  }
0x10: {  	v5 =	vor.u32 $0xA00, v0;
	v6 =	vor.u32 $0xC00, v0;
	v7 =	vor.u32 $0xE00, v0;
	s26 =	simm.s32 $0x8F00;
	[dreg:$0x7] =	wrdreg s2;
	s2 =	simm.s32 $0x0  }
.LBB2_1:
0x11: {  	[dreg:$0x9] =	wrdreg s2  }
0x12: {  	s0 =	rddreg [dreg:$0x3];
	s11 =	simm.s32 $0x7  }
0x13: {  	[tilespmem:s3], [sflag:$0x7] =	stream.linear.gather [hbm4b:s0+s3], $0x7D00, $0x38;
	[tilespmem:$0xDF00] =	vst v63  }
0x14: {  	_ =	swait.ge [sflag:s11], $0x7D00  }
0x15: {  	[sflag:s11] =	ssyncset.done $0x0  }
0x16: {  	s15 =	simm.s32 $0x7D00;
	s12 =	rddreg [dreg:$0x4];
	[sflag:s11] =	ssyncadd.s32 $0xFFFF8300  }
0x17: {  	[tilespmem:s15], [sflag:$0x1] =	stream.linear.gather [hbm4b:s12+s3], $0x80, $0x38;
	[tilespmem:$0xDF00] =	vst v63  }
0x18: {  	s18 =	simm.s32 $0x7E00;
	s16 =	rddreg [dreg:$0x5]  }
0x19: {  	[tilespmem:s18], [sflag:$0x1] =	stream.linear.gather [hbm4b:s16+s3], $0x80, $0x38;
	[tilespmem:$0xDF00] =	vst v63  }
0x1a: {  	s6 =	simm.s32 $0x7D80;
	s19 =	rddreg [dreg:$0x6]  }
0x1b: {  	[tilespmem:s6], [sflag:$0x2] =	stream.linear.gather [hbm4b:s19+s3], $0x80, $0x38;
	[tilespmem:$0xDF00] =	vst v63  }
0x1c: {  	s30 =	simm.s32 $0x1;
	s21 =	rddreg [dreg:$0x7]  }
0x1d: {  	[tilespmem:s20], [sflag:$0x2] =	stream.linear.gather [hbm4b:s21+s3], $0x80, $0x38;
	[tilespmem:$0xDF00] =	vst v63  }
0x1e: {  	_ =	swait.ge [sflag:s30], $0x80  }
0x1f: {  	[sflag:s30] =	ssyncset.done $0x0  }
0x20: {  	[sflag:s30] =	ssyncadd.s32 $0xFFFFFF80  }
0x21: {  	_ =	swait.ge [sflag:s30], $0x80  }
0x22: {  	[sflag:s30] =	ssyncset.done $0x0  }
0x23: {  	[sflag:s30] =	ssyncadd.s32 $0xFFFFFF80  }
0x24: {  	[tilespmem:s23], [sflag:$0x3] =	stream.indirect.gather [hbm4b:s7+s22], $0x20, s18, s22, $0xb8;
	[tilespmem:$0xDF00] =	vst v63  }
0x25: {  	s18 =	simm.s32 $0x0  }
.LBB2_2:
0x26: {  	s9 =	sshll.u32 s18, $0x1;
	p0 =	seq.s32 s18, $0x63  }
0x27: {  	s0 =	sadd.s32 @!p0 s9, s13  }
0x28: {  	_ =	swait.ge [sflag:s24], $0x1000;
	s0 =	sshll.u32 @!p0 s0, $0x4  }
0x29: {  	[sflag:s24] =	ssyncset.done $0x0;
	s6 =	simm.s32 @!p0 $0x0;
	s0 =	sand.u32 @!p0 $0x1FFFFFE0, s0  }
0x2a: {  	s10 =	simm.s32 @!p0 $0x7D00;
	[sflag:s24] =	ssyncadd.s32 $0xFFFFF000;
	s2 =	sadd.s32 @!p0 s4, s0  }
0x2b: {  	[tilespmem:s10], [sflag:$0x1] =	stream.linear.gather @!p0 [hbm4b:s2+s6], $0x80, $0x38;
	[tilespmem:$0xDF00] =	vst v63  }
0x2c: {  	s0 =	sadd.s32 @!p0 s5, s0;
	s2 =	simm.s32 @!p0 $0x7E00  }
0x2d: {  	[tilespmem:s2], [sflag:$0x1] =	stream.linear.gather @!p0 [hbm4b:s0+s6], $0x80, $0x38;
	[tilespmem:$0xDF00] =	vst v63  }
0x2e: {  	_ =	swait.ge [sflag:s25], $0x80  }
0x2f: {  	[sflag:s25] =	ssyncset.done $0x0  }
0x30: {  	[sflag:s25] =	ssyncadd.s32 $0xFFFFFF80  }
0x31: {  	_ =	swait.ge [sflag:s25], $0x80  }
0x32: {  	p1 =	seq.s32 s18, $0x0;
	[sflag:s25] =	ssyncset.done $0x0  }
0x33: {  	s0 =	simm.s32 @!p1 $0x5;
	[sflag:s25] =	ssyncadd.s32 $0xFFFFFF80  }
0x34: {  	[tilespmem:s26], [sflag:$0x4] =	stream.indirect.gather [hbm4b:s7+s22], $0x20, s20, s22, $0xb8;
	[tilespmem:$0xDF00] =	vst v63  }
0x35: {  	_ =	swait.ge @!p1 [sflag:s0], $0x2000  }
0x36: {  	[sflag:s0] =	ssyncset.done @!p1 $0x0  }
0x37: {  	[sflag:s0] =	ssyncadd.s32 @!p1 $0xFFFFE000  }
0x38: {  	v15 =	vld [tilespmem:$0x7D00]  }
0x39: {  	s30 =	simm.s32 $0x3  }
0x3a: {  	v16 =	vmov s30;
	s2 =	simm.s32 $0x1  }
0x3b: {  	v17 =	vmul.u32 $0x3E8, v16;
	s6 =	simm.s32 $0x2;
	v18 =	vmov s2  }
0x3c: {  	v24 =	vmov s6;
	v19 =	vmul.u32 $0x3E8, v18  }
0x3d: {  	v20 =	vmul.u32 $0x3E8, v24;
	v8 =	vadd.s32 v15, v17  }
0x3e: {  	v14 =	vld [tilespmem:$0x7D10];
	v21 =	vadd.s32 v15, v19  }
0x3f: {  	v13 =	vld [tilespmem:$0x7D20];
	v22 =	vadd.s32 v15, v20  }
0x40: {  	v12 =	vld [tilespmem:$0x7D30]  }
0x41: {  	v11 =	vld [tilespmem:$0x7D40]  }
0x42: {  	v23 =	vld.idx.msk [tilespmem:v8+s3+$0x0], $0xffff  }
0x43: {  	s10 =	simm.s32 $0x0;
	v25 =	vadd.s32 v14, v17;
	v21 =	vld.idx.msk [tilespmem:v21+s3+$0x0], $0xffff  }
0x44: {  	s11 =	simm.s32 $0x180;
	s0 =	sand.u32 $0xC00, s10;
	v26 =	vadd.s32 v14, v19;
	v22 =	vld.idx.msk [tilespmem:v22+s3+$0x0], $0xffff  }
0x45: {  	s12 =	simm.s32 $0x80;
	s2 =	sand.u32 $0x380, s11;
	v10 =	vld [tilespmem:$0x7D50];
	s0 =	sadd.s32 $0x9F00, s0;
	v27 =	vadd.s32 v14, v20  }
0x46: {  	s15 =	simm.s32 $0x100;
	v9 =	vld [tilespmem:$0x7D60];
	s10 =	sadd.s32 s2, s0;
	s2 =	sand.u32 $0x280, s12  }
0x47: {  	s11 =	sand.u32 $0x300, s15;
	s16 =	sadd.s32 s2, s0;
	v8 =	vld [tilespmem:$0x7D70];
	[tilespmem:s10+$0x0] =	vst v23  }
0x48: {  	s19 =	sadd.s32 s11, s0;
	[tilespmem:s16+$0x0] =	vst v21;
	v23 =	vld.idx.msk [tilespmem:v25+s3+$0x0], $0xffff  }
0x49: {  	[tilespmem:s19+$0x0] =	vst v22;
	v25 =	vadd.s32 v13, v17;
	v21 =	vld.idx.msk [tilespmem:v26+s3+$0x0], $0xffff  }
0x4a: {  	v22 =	vld.idx.msk [tilespmem:v27+s3+$0x0], $0xffff;
	v26 =	vadd.s32 v13, v19  }
0x4b: {  	v27 =	vadd.s32 v13, v20;
	_ =	sdelay $0x1  }
0x4c: {  	[tilespmem:s10+$0x10] =	vst v23  }
0x4d: {  	[tilespmem:s16+$0x10] =	vst v21;
	v23 =	vld.idx.msk [tilespmem:v25+s3+$0x0], $0xffff  }
0x4e: {  	[tilespmem:s19+$0x10] =	vst v22;
	v25 =	vadd.s32 v12, v17;
	v21 =	vld.idx.msk [tilespmem:v26+s3+$0x0], $0xffff  }
0x4f: {  	v22 =	vld.idx.msk [tilespmem:v27+s3+$0x0], $0xffff;
	v26 =	vadd.s32 v12, v19  }
0x50: {  	v27 =	vadd.s32 v12, v20;
	_ =	sdelay $0x1  }
0x51: {  	[tilespmem:s10+$0x20] =	vst v23  }
0x52: {  	[tilespmem:s16+$0x20] =	vst v21;
	v23 =	vld.idx.msk [tilespmem:v25+s3+$0x0], $0xffff  }
0x53: {  	[tilespmem:s19+$0x20] =	vst v22;
	v25 =	vadd.s32 v11, v17;
	v21 =	vld.idx.msk [tilespmem:v26+s3+$0x0], $0xffff  }
0x54: {  	v22 =	vld.idx.msk [tilespmem:v27+s3+$0x0], $0xffff;
	v26 =	vadd.s32 v11, v19  }
0x55: {  	v27 =	vadd.s32 v11, v20;
	_ =	sdelay $0x1  }
0x56: {  	[tilespmem:s10+$0x30] =	vst v23  }
0x57: {  	[tilespmem:s16+$0x30] =	vst v21;
	v23 =	vld.idx.msk [tilespmem:v25+s3+$0x0], $0xffff  }
0x58: {  	[tilespmem:s19+$0x30] =	vst v22;
	v25 =	vadd.s32 v10, v17;
	v21 =	vld.idx.msk [tilespmem:v26+s3+$0x0], $0xffff  }
0x59: {  	v22 =	vld.idx.msk [tilespmem:v27+s3+$0x0], $0xffff;
	v26 =	vadd.s32 v10, v19  }
0x5a: {  	v27 =	vadd.s32 v10, v20;
	_ =	sdelay $0x1  }
0x5b: {  	[tilespmem:s10+$0x40] =	vst v23  }
0x5c: {  	[tilespmem:s16+$0x40] =	vst v21;
	v23 =	vld.idx.msk [tilespmem:v25+s3+$0x0], $0xffff  }
0x5d: {  	[tilespmem:s19+$0x40] =	vst v22;
	v25 =	vadd.s32 v9, v17;
	v21 =	vld.idx.msk [tilespmem:v26+s3+$0x0], $0xffff  }
0x5e: {  	v22 =	vld.idx.msk [tilespmem:v27+s3+$0x0], $0xffff;
	v26 =	vadd.s32 v9, v19  }
0x5f: {  	v27 =	vadd.s32 v9, v20;
	_ =	sdelay $0x1  }
0x60: {  	[tilespmem:s10+$0x50] =	vst v23  }
0x61: {  	s21 =	simm.s32 $0x0;
	[tilespmem:s16+$0x50] =	vst v21;
	v23 =	vld.idx.msk [tilespmem:v25+s3+$0x0], $0xffff  }
0x62: {  	v28 =	vadd.s32 v8, v17;
	[tilespmem:s19+$0x50] =	vst v22;
	v21 =	vmov s21;
	v29 =	vld.idx.msk [tilespmem:v26+s3+$0x0], $0xffff  }
0x63: {  	s30 =	simm.s32 $0x5;
	v19 =	vadd.s32 v8, v19;
	v22 =	vld.idx.msk [tilespmem:v27+s3+$0x0], $0xffff;
	v25 =	vmul.u32 $0x3E8, v21  }
0x64: {  	v17 =	vmov s30;
	v27 =	vadd.s32 v8, v20  }
0x65: {  	v26 =	vmul.u32 $0x3E8, v17;
	v32 =	vadd.s32 v15, v25  }
0x66: {  	[tilespmem:s10+$0x60] =	vst v23  }
0x67: {  	v33 =	vadd.s32 v15, v26;
	v23 =	vand.u32 $0x1F, v16;
	[tilespmem:s16+$0x60] =	vst v29;
	v30 =	vld.idx.msk [tilespmem:v28+s3+$0x0], $0xffff  }
0x68: {  	s12 =	simm.s32 $0x7;
	[tilespmem:s19+$0x60] =	vst v22;
	v22 =	vand.u32 $0x1D, v18;
	v31 =	vor.u32 v0, v23;
	v19 =	vld.idx.msk [tilespmem:v19+s3+$0x0], $0xffff  }
0x69: {  	v16 =	vand.u32 $0x1E, v24;
	v18 =	vld.idx.msk [tilespmem:v27+s3+$0x0], $0xffff;
	v34 =	vor.u32 v0, v22;
	v27 =	vmov s12  }
0x6a: {  	s11 =	simm.s32 $0x6;
	v24 =	vor.u32 v0, v16;
	v29 =	vmul.u32 $0x3E8, v27;
	v32 =	vld.idx.msk [tilespmem:v32+s3+$0x0], $0xffff  }
0x6b: {  	v20 =	vmov s11;
	v37 =	vadd.s32 v14, v25  }
0x6c: {  	v28 =	vmul.u32 $0x3E8, v20;
	v33 =	vld.idx.msk [tilespmem:v33+s3+$0x0], $0xffff;
	v36 =	vadd.s32 v15, v29;
	[tilespmem:s10+$0x70] =	vst v30  }
0x6d: {  	s15 =	simm.s32 $0x4;
	v40 =	vadd.s32 v14, v26;
	[tilespmem:s16+$0x70] =	vst v19;
	s16 =	simm.s32 $0x200;
	v30 =	vld.idx.msk [tilespmem:v31+s23+$0x0], $0xffff  }
0x6e: {  	s21 =	simm.s32 $0x280;
	[tilespmem:s19+$0x70] =	vst v18;
	s10 =	simm.s32 $0xAF00;
	v31 =	vadd.s32 v15, v28;
	v34 =	vld.idx.msk [tilespmem:v34+s23+$0x0], $0xffff;
	s0 =	sand.u32 $0xC00, s16  }
0x6f: {  	s6 =	sand.u32 $0x280, s21;
	v35 =	vor.u32 v1, v23;
	v18 =	vmov s15;
	v24 =	vld.idx.msk [tilespmem:v24+s23+$0x0], $0xffff;
	[tilespmem:s10+$0xFFFFF000] =	vst v32;
	s0 =	sadd.s32 $0x9F00, s0  }
0x70: {  	v38 =	vor.u32 v1, v22;
	v19 =	vmul.u32 $0x3E8, v18;
	v49 =	vld.idx.msk [tilespmem:v37+s3+$0x0], $0xffff;
	s6 =	sadd.s32 s6, s0  }
0x71: {  	v39 =	vor.u32 v1, v16;
	v47 =	vld.idx.msk [tilespmem:v36+s3+$0x0], $0xffff;
	[tilespmem:s6+$0x0] =	vst v33  }
0x72: {  	v46 =	vadd.s32 v15, v19;
	v55 =	vld.idx.msk [tilespmem:v40+s3+$0x0], $0xffff  }
0x73: {  	v51 =	vadd.s32 v13, v25;
	v31 =	vld.idx.msk [tilespmem:v31+s3+$0x0], $0xffff;
	[tilespmem:s10+$0x180] =	vst v30  }
0x74: {  	v50 =	vadd.s32 v14, v29;
	s19 =	simm.s32 $0x380;
	[tilespmem:s10+$0x80] =	vst v34;
	v30 =	vld.idx.msk [tilespmem:v35+s23+$0x0], $0xffff  }
0x75: {  	v58 =	vadd.s32 v13, v26;
	s2 =	sand.u32 $0x380, s19;
	[tilespmem:s10+$0x100] =	vst v24;
	v38 =	vld.idx.msk [tilespmem:v38+s23+$0x0], $0xffff  }
0x76: {  	v48 =	vor.u32 v2, v23;
	s12 =	simm.s32 $0x300;
	s30 =	sadd.s32 s2, s0;
	v39 =	vld.idx.msk [tilespmem:v39+s23+$0x0], $0xffff;
	[tilespmem:s10+$0xFFFFF010] =	vst v49  }
0x77: {  	v41 =	vadd.s32 v14, v28;
	s15 =	sand.u32 $0x300, s12;
	v24 =	vld.idx.msk [tilespmem:v46+s3+$0x0], $0xffff;
	[tilespmem:s30+$0x0] =	vst v47  }
0x78: {  	v54 =	vor.u32 v2, v16;
	s2 =	sadd.s32 s15, s0;
	v35 =	vld.idx.msk [tilespmem:v51+s3+$0x0], $0xffff;
	[tilespmem:s6+$0x10] =	vst v55  }
0x79: {  	v60 =	vadd.s32 v12, v25;
	v53 =	vld.idx.msk [tilespmem:v50+s3+$0x0], $0xffff;
	[tilespmem:s2+$0x0] =	vst v31  }
0x7a: {  	v34 =	vld.idx.msk [tilespmem:v58+s3+$0x0], $0xffff;
	[tilespmem:s10+$0x190] =	vst v30;
	v30 =	vor.u32 v2, v22  }
0x7b: {  	v45 =	vadd.s32 v12, v26;
	[tilespmem:s10+$0x90] =	vst v38;
	v52 =	vld.idx.msk [tilespmem:v48+s23+$0x0], $0xffff  }
0x7c: {  	v31 =	vor.u32 v3, v23;
	v56 =	vld.idx.msk [tilespmem:v41+s3+$0x0], $0xffff;
	[tilespmem:s10+$0x110] =	vst v39  }
0x7d: {  	v57 =	vadd.s32 v13, v29;
	v36 =	vld.idx.msk [tilespmem:v54+s23+$0x0], $0xffff;
	[tilespmem:s10+$0xFFFFF020] =	vst v35  }
0x7e: {  	v59 =	vadd.s32 v13, v28;
	[tilespmem:s30+$0x10] =	vst v53;
	v39 =	vld.idx.msk [tilespmem:v60+s3+$0x0], $0xffff  }
0x7f: {  	v46 =	vadd.s32 v11, v25;
	[tilespmem:s6+$0x20] =	vst v34;
	v30 =	vld.idx.msk [tilespmem:v30+s23+$0x0], $0xffff  }
0x80: {  	v61 =	vor.u32 v3, v22;
	v35 =	vld.idx.msk [tilespmem:v45+s3+$0x0], $0xffff;
	[tilespmem:s10+$0x1A0] =	vst v52  }
0x81: {  	v51 =	vadd.s32 v11, v26;
	[tilespmem:s2+$0x10] =	vst v56;
	v31 =	vld.idx.msk [tilespmem:v31+s23+$0x0], $0xffff  }
0x82: {  	v63 =	vor.u32 v4, v23;
	v33 =	vld.idx.msk [tilespmem:v57+s3+$0x0], $0xffff;
	[tilespmem:s10+$0x120] =	vst v36  }
0x83: {  	v44 =	vadd.s32 v12, v29;
	v38 =	vld.idx.msk [tilespmem:v59+s3+$0x0], $0xffff;
	[tilespmem:s10+$0xFFFFF030] =	vst v39  }
0x84: {  	v62 =	vor.u32 v3, v16;
	v36 =	vld.idx.msk [tilespmem:v46+s3+$0x0], $0xffff;
	[tilespmem:s10+$0xA0] =	vst v30  }
0x85: {  	v30 =	vadd.s32 v12, v28;
	[tilespmem:s6+$0x30] =	vst v35;
	v32 =	vld.idx.msk [tilespmem:v61+s23+$0x0], $0xffff  }
0x86: {  	v53 =	vadd.s32 v10, v25;
	v39 =	vld.idx.msk [tilespmem:v51+s3+$0x0], $0xffff;
	[tilespmem:s10+$0x1B0] =	vst v31  }
0x87: {  	v58 =	vadd.s32 v10, v26;
	[tilespmem:s30+$0x20] =	vst v33;
	v31 =	vld.idx.msk [tilespmem:v63+s23+$0x0], $0xffff  }
0x88: {  	v49 =	vor.u32 v5, v23;
	v48 =	vld.idx.msk [tilespmem:v44+s3+$0x0], $0xffff;
	[tilespmem:s2+$0x20] =	vst v38  }
0x89: {  	v50 =	vadd.s32 v11, v29;
	v37 =	vld.idx.msk [tilespmem:v62+s23+$0x0], $0xffff;
	[tilespmem:s10+$0xFFFFF040] =	vst v36  }
0x8a: {  	v47 =	vor.u32 v4, v22;
	v30 =	vld.idx.msk [tilespmem:v30+s3+$0x0], $0xffff;
	[tilespmem:s10+$0xB0] =	vst v32  }
0x8b: {  	v52 =	vadd.s32 v11, v28;
	v32 =	vld.idx.msk [tilespmem:v53+s3+$0x0], $0xffff;
	[tilespmem:s6+$0x40] =	vst v39  }
0x8c: {  	v36 =	vld.idx.msk [tilespmem:v58+s3+$0x0], $0xffff;
	[tilespmem:s10+$0x1C0] =	vst v31;
	v31 =	vor.u32 v4, v16  }
0x8d: {  	v46 =	vadd.s32 v9, v26;
	[tilespmem:s30+$0x30] =	vst v48;
	v54 =	vld.idx.msk [tilespmem:v49+s23+$0x0], $0xffff  }
0x8e: {  	v56 =	vor.u32 v6, v23;
	[tilespmem:s10+$0x130] =	vst v37;
	v55 =	vld.idx.msk [tilespmem:v50+s3+$0x0], $0xffff  }
0x8f: {  	v33 =	vld.idx.msk [tilespmem:v47+s23+$0x0], $0xffff;
	[tilespmem:s2+$0x30] =	vst v30;
	v30 =	vadd.s32 v10, v29  }
0x90: {  	v60 =	vadd.s32 v9, v25;
	v57 =	vld.idx.msk [tilespmem:v52+s3+$0x0], $0xffff;
	[tilespmem:s10+$0xFFFFF050] =	vst v32  }
0x91: {  	v59 =	vadd.s32 v10, v28;
	[tilespmem:s6+$0x50] =	vst v36;
	v31 =	vld.idx.msk [tilespmem:v31+s23+$0x0], $0xffff  }
0x92: {  	v61 =	vor.u32 v5, v22;
	v32 =	vld.idx.msk [tilespmem:v46+s3+$0x0], $0xffff;
	[tilespmem:s10+$0x1D0] =	vst v54  }
0x93: {  	v63 =	vor.u32 v5, v16;
	[tilespmem:s30+$0x40] =	vst v55;
	v62 =	vld.idx.msk [tilespmem:v56+s23+$0x0], $0xffff  }
0x94: {  	v26 =	vadd.s32 v8, v26;
	[tilespmem:s10+$0xC0] =	vst v33;
	v30 =	vld.idx.msk [tilespmem:v30+s3+$0x0], $0xffff  }
0x95: {  	v44 =	vor.u32 v7, v23;
	v41 =	vld.idx.msk [tilespmem:v60+s3+$0x0], $0xffff;
	[tilespmem:s2+$0x40] =	vst v57  }
0x96: {  	s16 =	simm.s32 $0x9;
	v45 =	vadd.s32 v9, v29;
	v37 =	vld.idx.msk [tilespmem:v59+s3+$0x0], $0xffff;
	[tilespmem:s10+$0x140] =	vst v31  }
0x97: {  	v23 =	vmov s16;
	v47 =	vadd.s32 v9, v28;
	v34 =	vld.idx.msk [tilespmem:v61+s23+$0x0], $0xffff;
	[tilespmem:s6+$0x60] =	vst v32  }
0x98: {  	v31 =	vadd.s32 v8, v25;
	v25 =	vmul.u32 $0x3E8, v23;
	v38 =	vld.idx.msk [tilespmem:v63+s23+$0x0], $0xffff;
	[tilespmem:s10+$0x1E0] =	vst v62  }
0x99: {  	v54 =	vld.idx.msk [tilespmem:v26+s3+$0x0], $0xffff;
	[tilespmem:s30+$0x50] =	vst v30;
	v30 =	vor.u32 v6, v22  }
0x9a: {  	v49 =	vadd.s32 v15, v25;
	v35 =	vld.idx.msk [tilespmem:v44+s23+$0x0], $0xffff  }
0x9b: {  	v52 =	vor.u32 v6, v16;
	v48 =	vld.idx.msk [tilespmem:v45+s3+$0x0], $0xffff;
	[tilespmem:s2+$0x50] =	vst v37  }
0x9c: {  	v29 =	vadd.s32 v8, v29;
	[tilespmem:s10+$0xFFFFF060] =	vst v41;
	v26 =	vand.u32 $0x1D, v17;
	v33 =	vld.idx.msk [tilespmem:v47+s3+$0x0], $0xffff  }
0x9d: {  	s12 =	simm.s32 $0xB100;
	[tilespmem:s10+$0xD0] =	vst v34;
	v55 =	vor.u32 v0, v26;
	v31 =	vld.idx.msk [tilespmem:v31+s3+$0x0], $0xffff  }
0x9e: {  	v21 =	vand.u32 $0x1C, v21;
	[tilespmem:s12+$0xFFFFF000] =	vst v24;
	v28 =	vadd.s32 v8, v28;
	v51 =	vld.idx.msk [tilespmem:v30+s23+$0x0], $0xffff  }
0x9f: {  	v50 =	vor.u32 v0, v21;
	[tilespmem:s10+$0x150] =	vst v38;
	v39 =	vld.idx.msk [tilespmem:v49+s3+$0x0], $0xffff  }
0xa0: {  	v61 =	vadd.s32 v14, v19;
	v36 =	vld.idx.msk [tilespmem:v52+s23+$0x0], $0xffff;
	[tilespmem:s30+$0x60] =	vst v48  }
0xa1: {  	v22 =	vor.u32 v7, v22;
	[tilespmem:s6+$0x70] =	vst v54;
	v30 =	vand.u32 $0x1F, v27;
	v53 =	vld.idx.msk [tilespmem:v29+s3+$0x0], $0xffff  }
0xa2: {  	v41 =	vld.idx.msk [tilespmem:v55+s23+$0x0], $0xffff;
	v17 =	vor.u32 v0, v30;
	[tilespmem:s2+$0x60] =	vst v33  }
0xa3: {  	s19 =	simm.s32 $0xA;
	v16 =	vor.u32 v7, v16;
	[tilespmem:s10+$0xFFFFF070] =	vst v31;
	v33 =	vld.idx.msk [tilespmem:v28+s3+$0x0], $0xffff;
	v28 =	vand.u32 $0x1E, v20  }
0xa4: {  	v29 =	vmov s19;
	v20 =	vld.idx.msk [tilespmem:v50+s23+$0x0], $0xffff;
	v56 =	vor.u32 v0, v28;
	[tilespmem:s10+$0xE0] =	vst v51  }
0xa5: {  	s21 =	simm.s32 $0xB;
	v57 =	vor.u32 v1, v21;
	v27 =	vmul.u32 $0x3E8, v29;
	[tilespmem:s10+$0x160] =	vst v36;
	v36 =	vld.idx.msk [tilespmem:v61+s3+$0x0], $0xffff  }
0xa6: {  	v42 =	vor.u32 v1, v26;
	v31 =	vmov s21;
	v22 =	vld.idx.msk [tilespmem:v22+s23+$0x0], $0xffff;
	[tilespmem:s30+$0x70] =	vst v53  }
0xa7: {  	[tilespmem:s10+$0x1F0] =	vst v35;
	v32 =	vmul.u32 $0x3E8, v31;
	v59 =	vadd.s32 v15, v27;
	v58 =	vld.idx.msk [tilespmem:v17+s23+$0x0], $0xffff  }
0xa8: {  	v60 =	vor.u32 v1, v30;
	v62 =	vld.idx.msk [tilespmem:v16+s23+$0x0], $0xffff;
	[tilespmem:s2+$0x70] =	vst v33  }
0xa9: {  	s30 =	simm.s32 $0x8;
	[tilespmem:s10+$0x0] =	vst v20;
	v20 =	vadd.s32 v15, v32;
	s2 =	simm.s32 $0x400;
	v34 =	vld.idx.msk [tilespmem:v56+s23+$0x0], $0xffff  }
0xaa: {  	v47 =	vadd.s32 v14, v25;
	s6 =	simm.s32 $0x480;
	[tilespmem:s12+$0x80] =	vst v41;
	v16 =	vmov s30;
	v38 =	vld.idx.msk [tilespmem:v57+s23+$0x0], $0xffff;
	s0 =	sand.u32 $0xC00, s2  }
0xab: {  	v43 =	vor.u32 v1, v28;
	v41 =	vld.idx.msk [tilespmem:v42+s23+$0x0], $0xffff;
	v17 =	vmul.u32 $0x3E8, v16;
	s2 =	sand.u32 $0x280, s6;
	[tilespmem:s10+$0xF0] =	vst v22;
	s0 =	sadd.s32 $0x9F00, s0  }
0xac: {  	v63 =	vor.u32 v2, v21;
	v40 =	vld.idx.msk [tilespmem:v59+s3+$0x0], $0xffff;
	s2 =	sadd.s32 s2, s0;
	[tilespmem:s12+$0x180] =	vst v58  }
0xad: {  	v24 =	vadd.s32 v15, v17;
	[tilespmem:s2+$0x0] =	vst v39;
	v22 =	vld.idx.msk [tilespmem:v60+s23+$0x0], $0xffff  }
0xae: {  	v49 =	vadd.s32 v14, v27;
	v20 =	vld.idx.msk [tilespmem:v20+s3+$0x0], $0xffff;
	[tilespmem:s12+$0x100] =	vst v34  }
0xaf: {  	s16 =	simm.s32 $0x500;
	v50 =	vadd.s32 v13, v19;
	[tilespmem:s10+$0x10] =	vst v38;
	v38 =	vld.idx.msk [tilespmem:v47+s3+$0x0], $0xffff  }
0xb0: {  	v45 =	vor.u32 v2, v30;
	s19 =	sand.u32 $0x300, s16;
	[tilespmem:s12+$0xFFFFF010] =	vst v36;
	v48 =	vld.idx.msk [tilespmem:v43+s23+$0x0], $0xffff  }
0xb1: {  	v46 =	vadd.s32 v14, v32;
	[tilespmem:s10+$0x170] =	vst v62;
	s16 =	sadd.s32 s19, s0;
	v33 =	vld.idx.msk [tilespmem:v63+s23+$0x0], $0xffff  }
0xb2: {  	s15 =	simm.s32 $0x580;
	v54 =	vadd.s32 v13, v25;
	[tilespmem:s16+$0x0] =	vst v40;
	v24 =	vld.idx.msk [tilespmem:v24+s3+$0x0], $0xffff  }
0xb3: {  	s11 =	sand.u32 $0x380, s15;
	v51 =	vor.u32 v2, v28;
	[tilespmem:s12+$0x90] =	vst v41;
	v35 =	vld.idx.msk [tilespmem:v49+s3+$0x0], $0xffff  }
0xb4: {  	v55 =	vadd.s32 v13, v27;
	s11 =	sadd.s32 s11, s0;
	v43 =	vld.idx.msk [tilespmem:v50+s3+$0x0], $0xffff;
	[tilespmem:s12+$0x190] =	vst v22  }
0xb5: {  	v56 =	vadd.s32 v12, v19;
	[tilespmem:s11+$0x0] =	vst v20;
	v22 =	vld.idx.msk [tilespmem:v45+s23+$0x0], $0xffff  }
0xb6: {  	v20 =	vor.u32 v2, v26;
	v34 =	vld.idx.msk [tilespmem:v46+s3+$0x0], $0xffff;
	[tilespmem:s2+$0x10] =	vst v38  }
0xb7: {  	v52 =	vor.u32 v3, v30;
	[tilespmem:s12+$0x110] =	vst v48;
	v36 =	vld.idx.msk [tilespmem:v54+s3+$0x0], $0xffff  }
0xb8: {  	v53 =	vadd.s32 v13, v32;
	[tilespmem:s16+$0x10] =	vst v35;
	v37 =	vld.idx.msk [tilespmem:v51+s23+$0x0], $0xffff  }
0xb9: {  	v63 =	vadd.s32 v12, v25;
	[tilespmem:s12+$0xFFFFF020] =	vst v43;
	v61 =	vld.idx.msk [tilespmem:v55+s3+$0x0], $0xffff  }
0xba: {  	v59 =	vor.u32 v3, v28;
	[tilespmem:s10+$0x20] =	vst v33;
	v42 =	vld.idx.msk [tilespmem:v56+s3+$0x0], $0xffff  }
0xbb: {  	v45 =	vadd.s32 v11, v19;
	v20 =	vld.idx.msk [tilespmem:v20+s23+$0x0], $0xffff;
	[tilespmem:s12+$0x1A0] =	vst v22  }
0xbc: {  	[tilespmem:s11+$0x10] =	vst v34;
	v22 =	vor.u32 v3, v26;
	v57 =	vld.idx.msk [tilespmem:v52+s23+$0x0], $0xffff  }
0xbd: {  	v60 =	vor.u32 v4, v30;
	v58 =	vld.idx.msk [tilespmem:v53+s3+$0x0], $0xffff;
	[tilespmem:s2+$0x20] =	vst v36  }
0xbe: {  	v62 =	vadd.s32 v12, v32;
	[tilespmem:s12+$0x120] =	vst v37;
	v49 =	vld.idx.msk [tilespmem:v63+s3+$0x0], $0xffff  }
0xbf: {  	v52 =	vadd.s32 v11, v25;
	[tilespmem:s12+$0xFFFFF030] =	vst v42;
	v39 =	vld.idx.msk [tilespmem:v59+s23+$0x0], $0xffff  }
0xc0: {  	v37 =	vld.idx.msk [tilespmem:v45+s3+$0x0], $0xffff;
	[tilespmem:s12+$0xA0] =	vst v20;
	v20 =	vadd.s32 v12, v27  }
0xc1: {  	v54 =	vadd.s32 v10, v19;
	v22 =	vld.idx.msk [tilespmem:v22+s23+$0x0], $0xffff;
	[tilespmem:s12+$0x1B0] =	vst v57  }
0xc2: {  	v46 =	vor.u32 v3, v21;
	[tilespmem:s11+$0x20] =	vst v58;
	v34 =	vld.idx.msk [tilespmem:v60+s23+$0x0], $0xffff  }
0xc3: {  	v48 =	vor.u32 v4, v26;
	v47 =	vld.idx.msk [tilespmem:v62+s3+$0x0], $0xffff;
	[tilespmem:s2+$0x30] =	vst v49  }
0xc4: {  	v55 =	vor.u32 v4, v28;
	[tilespmem:s16+$0x20] =	vst v61;
	v42 =	vld.idx.msk [tilespmem:v52+s3+$0x0], $0xffff  }
0xc5: {  	v50 =	vor.u32 v5, v30;
	[tilespmem:s12+$0xFFFFF040] =	vst v37;
	v20 =	vld.idx.msk [tilespmem:v20+s3+$0x0], $0xffff  }
0xc6: {  	v51 =	vadd.s32 v11, v32;
	[tilespmem:s12+$0x130] =	vst v39;
	v35 =	vld.idx.msk [tilespmem:v54+s3+$0x0], $0xffff  }
0xc7: {  	v60 =	vadd.s32 v10, v25;
	[tilespmem:s12+$0xB0] =	vst v22;
	v22 =	vld.idx.msk [tilespmem:v46+s23+$0x0], $0xffff  }
0xc8: {  	v53 =	vadd.s32 v11, v27;
	v38 =	vld.idx.msk [tilespmem:v48+s23+$0x0], $0xffff;
	[tilespmem:s12+$0x1C0] =	vst v34  }
0xc9: {  	v58 =	vor.u32 v4, v21;
	[tilespmem:s11+$0x30] =	vst v47;
	v34 =	vld.idx.msk [tilespmem:v55+s23+$0x0], $0xffff  }
0xca: {  	v63 =	vor.u32 v5, v26;
	v56 =	vld.idx.msk [tilespmem:v50+s23+$0x0], $0xffff;
	[tilespmem:s2+$0x40] =	vst v42  }
0xcb: {  	v57 =	vld.idx.msk [tilespmem:v51+s3+$0x0], $0xffff;
	v50 =	vor.u32 v5, v28;
	[tilespmem:s16+$0x30] =	vst v20  }
0xcc: {  	v20 =	vor.u32 v6, v30;
	v37 =	vld.idx.msk [tilespmem:v60+s3+$0x0], $0xffff;
	[tilespmem:s12+$0xFFFFF050] =	vst v35  }
0xcd: {  	v59 =	vadd.s32 v10, v32;
	v33 =	vld.idx.msk [tilespmem:v53+s3+$0x0], $0xffff;
	[tilespmem:s10+$0x30] =	vst v22  }
0xce: {  	v22 =	vadd.s32 v9, v19;
	v62 =	vld.idx.msk [tilespmem:v58+s23+$0x0], $0xffff;
	[tilespmem:s12+$0xC0] =	vst v38  }
0xcf: {  	v61 =	vadd.s32 v10, v27;
	v40 =	vld.idx.msk [tilespmem:v63+s23+$0x0], $0xffff;
	[tilespmem:s12+$0x140] =	vst v34  }
0xd0: {  	v52 =	vadd.s32 v9, v25;
	[tilespmem:s12+$0x1D0] =	vst v56;
	v34 =	vld.idx.msk [tilespmem:v50+s23+$0x0], $0xffff  }
0xd1: {  	v54 =	vor.u32 v5, v21;
	[tilespmem:s11+$0x40] =	vst v57;
	v48 =	vld.idx.msk [tilespmem:v20+s23+$0x0], $0xffff  }
0xd2: {  	v56 =	vor.u32 v6, v26;
	v49 =	vld.idx.msk [tilespmem:v59+s3+$0x0], $0xffff;
	[tilespmem:s2+$0x50] =	vst v37  }
0xd3: {  	v51 =	vadd.s32 v9, v32;
	[tilespmem:s16+$0x40] =	vst v33;
	v44 =	vld.idx.msk [tilespmem:v22+s3+$0x0], $0xffff  }
0xd4: {  	v19 =	vadd.s32 v8, v19;
	v33 =	vld.idx.msk [tilespmem:v61+s3+$0x0], $0xffff;
	[tilespmem:s10+$0x40] =	vst v62  }
0xd5: {  	v53 =	vadd.s32 v9, v27;
	v35 =	vld.idx.msk [tilespmem:v52+s3+$0x0], $0xffff;
	[tilespmem:s12+$0xD0] =	vst v40  }
0xd6: {  	v30 =	vor.u32 v7, v30;
	v59 =	vld.idx.msk [tilespmem:v54+s23+$0x0], $0xffff;
	[tilespmem:s12+$0x150] =	vst v34  }
0xd7: {  	v25 =	vadd.s32 v8, v25;
	v39 =	vld.idx.msk [tilespmem:v56+s23+$0x0], $0xffff;
	[tilespmem:s11+$0x50] =	vst v49  }
0xd8: {  	v62 =	vor.u32 v6, v21;
	v55 =	vld.idx.msk [tilespmem:v51+s3+$0x0], $0xffff;
	[tilespmem:s12+$0xFFFFF060] =	vst v44  }
0xd9: {  	v32 =	vadd.s32 v8, v32;
	v58 =	vadd.s32 v8, v27;
	v27 =	vand.u32 $0x1C, v18;
	[tilespmem:s16+$0x50] =	vst v33;
	v19 =	vld.idx.msk [tilespmem:v19+s3+$0x0], $0xffff  }
0xda: {  	s21 =	simm.s32 $0xD;
	v18 =	vor.u32 v0, v27;
	[tilespmem:s12+$0x1E0] =	vst v48;
	v38 =	vld.idx.msk [tilespmem:v53+s3+$0x0], $0xffff  }
0xdb: {  	v20 =	vmov s21;
	v30 =	vld.idx.msk [tilespmem:v30+s23+$0x0], $0xffff;
	[tilespmem:s2+$0x60] =	vst v35  }
0xdc: {  	v63 =	vor.u32 v7, v26;
	v22 =	vmul.u32 $0x3E8, v20;
	v33 =	vld.idx.msk [tilespmem:v25+s3+$0x0], $0xffff;
	[tilespmem:s10+$0x50] =	vst v59  }
0xdd: {  	v60 =	vor.u32 v6, v28;
	v34 =	vld.idx.msk [tilespmem:v62+s23+$0x0], $0xffff;
	[tilespmem:s11+$0x60] =	vst v55  }
0xde: {  	v26 =	vand.u32 $0x1F, v31;
	v57 =	vadd.s32 v15, v22;
	v61 =	vld.idx.msk [tilespmem:v32+s3+$0x0], $0xffff;
	[tilespmem:s12+$0xFFFFF070] =	vst v19  }
0xdf: {  	v35 =	vor.u32 v0, v26;
	v19 =	vand.u32 $0x1D, v23;
	[tilespmem:s16+$0x60] =	vst v38;
	v31 =	vld.idx.msk [tilespmem:v18+s23+$0x0], $0xffff  }
0xe0: {  	[tilespmem:s12+$0xE0] =	vst v39;
	v18 =	vand.u32 $0x1E, v29;
	v36 =	vor.u32 v0, v19;
	v32 =	vld.idx.msk [tilespmem:v58+s3+$0x0], $0xffff  }
0xe1: {  	s30 =	simm.s32 $0xE;
	v39 =	vld.idx.msk [tilespmem:v63+s23+$0x0], $0xffff;
	v37 =	vor.u32 v0, v18  }
0xe2: {  	s6 =	sor.u32 $0x1, s9;
	s0 =	simm.s32 $0xF;
	[tilespmem:s12+$0x1F0] =	vst v30;
	v23 =	vmov s30;
	v29 =	vld.idx.msk [tilespmem:v60+s23+$0x0], $0xffff;
	v38 =	vor.u32 v1, v27  }
0xe3: {  	s19 =	simm.s32 $0x10;
	s21 =	simm.s32 $0xC;
	v40 =	vor.u32 v7, v28;
	v30 =	vld.idx.msk [tilespmem:v57+s3+$0x0], $0xffff;
	v25 =	vmul.u32 $0x3E8, v23;
	[tilespmem:s11+$0x70] =	vst v61;
	s11 =	simm.s32 $0xB100  }
.LBB2_3:
0xe4: {  	p1 =	slt.u32 s19, $0x1C;
	v28 =	vmov s0;
	[tilespmem:s2+$0x70] =	vst v33;
	v33 =	vld.idx.msk [tilespmem:v35+s23+$0x0], $0xffff;
	v35 =	vor.u32 v7, v21;
	v21 =	vmov v27  }
0xe5: {  	v41 =	vadd.s32 v15, v25;
	v27 =	vmul.u32 $0x3E8, v28;
	v36 =	vld.idx.msk [tilespmem:v36+s23+$0x0], $0xffff;
	[tilespmem:s16+$0x70] =	vst v32  }
0xe6: {  	v32 =	vld.idx.msk [tilespmem:v37+s23+$0x0], $0xffff;
	v37 =	vor.u32 v1, v26;
	[tilespmem:s12+$0x0] =	vst v31  }
0xe7: {  	v42 =	vadd.s32 v15, v27;
	v38 =	vld.idx.msk [tilespmem:v38+s23+$0x0], $0xffff;
	[tilespmem:s12+$0x160] =	vst v29  }
0xe8: {  	v43 =	vadd.s32 v14, v17;
	v40 =	vld.idx.msk [tilespmem:v40+s23+$0x0], $0xffff;
	[tilespmem:s10+$0x60] =	vst v34  }
0xe9: {  	v29 =	vmov s21;
	s12 =	sadd.s32 $0x200, s12;
	s21 =	smov.u32 s19;
	v34 =	vor.u32 v1, v19;
	[tilespmem:s11+$0xF0] =	vst v39;
	v35 =	vld.idx.msk [tilespmem:v35+s23+$0x0], $0xffff  }
0xea: {  	v31 =	vmul.u32 $0x3E8, v29;
	v39 =	vld.idx.msk [tilespmem:v41+s3+$0x0], $0xffff;
	v41 =	vor.u32 v1, v18;
	[tilespmem:s12+$0x180] =	vst v33  }
0xeb: {  	[tilespmem:s12+$0xFFFFF000] =	vst v24;
	v33 =	vld.idx.msk [tilespmem:v37+s23+$0x0], $0xffff;
	v24 =	vor.u32 v2, v21  }
0xec: {  	v37 =	vadd.s32 v15, v31;
	v42 =	vld.idx.msk [tilespmem:v42+s3+$0x0], $0xffff;
	[tilespmem:s12+$0x80] =	vst v36  }
0xed: {  	s15 =	sadd.s32 $0x200, s15;
	v36 =	vld.idx.msk [tilespmem:v43+s3+$0x0], $0xffff;
	[tilespmem:s12+$0x100] =	vst v32;
	v32 =	vor.u32 v2, v26  }
0xee: {  	s0 =	sadd.s32 $0xFFFFFE80, s15;
	s2 =	sadd.s32 $0xFFFFFF00, s15;
	s16 =	sadd.s32 $0xFFFFFF80, s15;
	v43 =	vadd.s32 v14, v27;
	v34 =	vld.idx.msk [tilespmem:v34+s23+$0x0], $0xffff;
	[tilespmem:s11+$0x10] =	vst v38  }
0xef: {  	s0 =	sand.u32 $0xC00, s0;
	s2 =	sand.u32 $0x280, s2;
	s16 =	sand.u32 $0x300, s16;
	v38 =	vadd.s32 v14, v22;
	v41 =	vld.idx.msk [tilespmem:v41+s23+$0x0], $0xffff;
	[tilespmem:s11+$0x170] =	vst v40  }
0xf0: {  	s30 =	sand.u32 $0x380, s15;
	s0 =	sadd.s32 $0x9F00, s0;
	v40 =	vadd.s32 v14, v25;
	v44 =	vld.idx.msk [tilespmem:v24+s23+$0x0], $0xffff;
	[tilespmem:s10+$0x70] =	vst v35;
	s10 =	smov.u32 s11  }
0xf1: {  	s2 =	sadd.s32 s2, s0;
	s16 =	sadd.s32 s16, s0;
	s30 =	sadd.s32 s30, s0;
	v35 =	vadd.s32 v13, v17;
	v24 =	vld.idx.msk [tilespmem:v37+s3+$0x0], $0xffff;
	[tilespmem:s12+$0x190] =	vst v33  }
0xf2: {  	s11 =	smov.u32 s12;
	v33 =	vor.u32 v2, v19;
	[tilespmem:s30+$0x0] =	vst v42;
	v32 =	vld.idx.msk [tilespmem:v32+s23+$0x0], $0xffff  }
0xf3: {  	v37 =	vor.u32 v2, v18;
	[tilespmem:s2+$0x0] =	vst v30;
	v30 =	vld.idx.msk [tilespmem:v43+s3+$0x0], $0xffff  }
0xf4: {  	v38 =	vld.idx.msk [tilespmem:v38+s3+$0x0], $0xffff;
	[tilespmem:s16+$0x0] =	vst v39;
	v39 =	vor.u32 v3, v26  }
0xf5: {  	v42 =	vadd.s32 v13, v27;
	v40 =	vld.idx.msk [tilespmem:v40+s3+$0x0], $0xffff;
	[tilespmem:s12+$0xFFFFF010] =	vst v36  }
0xf6: {  	v36 =	vadd.s32 v13, v22;
	v35 =	vld.idx.msk [tilespmem:v35+s3+$0x0], $0xffff;
	[tilespmem:s12+$0x90] =	vst v34  }
0xf7: {  	v34 =	vadd.s32 v13, v25;
	v33 =	vld.idx.msk [tilespmem:v33+s23+$0x0], $0xffff;
	[tilespmem:s12+$0x110] =	vst v41  }
0xf8: {  	v41 =	vadd.s32 v12, v17;
	v37 =	vld.idx.msk [tilespmem:v37+s23+$0x0], $0xffff;
	[tilespmem:s12+$0x1A0] =	vst v32  }
0xf9: {  	[tilespmem:s30+$0x10] =	vst v30;
	v30 =	vor.u32 v3, v19;
	v32 =	vld.idx.msk [tilespmem:v39+s23+$0x0], $0xffff  }
0xfa: {  	v39 =	vor.u32 v3, v18;
	[tilespmem:s2+$0x10] =	vst v38;
	v38 =	vld.idx.msk [tilespmem:v42+s3+$0x0], $0xffff  }
0xfb: {  	v36 =	vld.idx.msk [tilespmem:v36+s3+$0x0], $0xffff;
	[tilespmem:s16+$0x10] =	vst v40;
	v40 =	vor.u32 v4, v26  }
0xfc: {  	v42 =	vadd.s32 v12, v27;
	v34 =	vld.idx.msk [tilespmem:v34+s3+$0x0], $0xffff;
	[tilespmem:s12+$0xFFFFF020] =	vst v35  }
0xfd: {  	v35 =	vadd.s32 v12, v22;
	v41 =	vld.idx.msk [tilespmem:v41+s3+$0x0], $0xffff;
	[tilespmem:s12+$0xA0] =	vst v33  }
0xfe: {  	v33 =	vadd.s32 v12, v25;
	v30 =	vld.idx.msk [tilespmem:v30+s23+$0x0], $0xffff;
	[tilespmem:s12+$0x120] =	vst v37  }
0xff: {  	v37 =	vadd.s32 v11, v17;
	v39 =	vld.idx.msk [tilespmem:v39+s23+$0x0], $0xffff;
	[tilespmem:s12+$0x1B0] =	vst v32  }
0x100: {  	[tilespmem:s30+$0x20] =	vst v38;
	v32 =	vld.idx.msk [tilespmem:v40+s23+$0x0], $0xffff;
	v38 =	vor.u32 v3, v21  }
0x101: {  	v40 =	vor.u32 v4, v19;
	[tilespmem:s2+$0x20] =	vst v36;
	v36 =	vld.idx.msk [tilespmem:v42+s3+$0x0], $0xffff  }
0x102: {  	v35 =	vld.idx.msk [tilespmem:v35+s3+$0x0], $0xffff;
	[tilespmem:s16+$0x20] =	vst v34;
	v34 =	vor.u32 v5, v26  }
0x103: {  	v42 =	vadd.s32 v11, v27;
	v33 =	vld.idx.msk [tilespmem:v33+s3+$0x0], $0xffff;
	[tilespmem:s12+$0xFFFFF030] =	vst v41  }
0x104: {  	v41 =	vadd.s32 v11, v22;
	v37 =	vld.idx.msk [tilespmem:v37+s3+$0x0], $0xffff;
	[tilespmem:s10+$0x20] =	vst v44  }
0x105: {  	v43 =	vadd.s32 v11, v25;
	[tilespmem:s12+$0xB0] =	vst v30;
	v30 =	vld.idx.msk [tilespmem:v38+s23+$0x0], $0xffff  }
0x106: {  	v38 =	vadd.s32 v10, v17;
	v40 =	vld.idx.msk [tilespmem:v40+s23+$0x0], $0xffff;
	[tilespmem:s12+$0x1C0] =	vst v32  }
0x107: {  	v32 =	vor.u32 v4, v18;
	[tilespmem:s30+$0x30] =	vst v36;
	v34 =	vld.idx.msk [tilespmem:v34+s23+$0x0], $0xffff  }
0x108: {  	v36 =	vor.u32 v4, v21;
	[tilespmem:s2+$0x30] =	vst v35;
	v35 =	vld.idx.msk [tilespmem:v42+s3+$0x0], $0xffff  }
0x109: {  	v41 =	vld.idx.msk [tilespmem:v41+s3+$0x0], $0xffff;
	[tilespmem:s16+$0x30] =	vst v33;
	v33 =	vor.u32 v6, v26  }
0x10a: {  	v42 =	vld.idx.msk [tilespmem:v43+s3+$0x0], $0xffff;
	v43 =	vadd.s32 v10, v27;
	[tilespmem:s12+$0xFFFFF040] =	vst v37  }
0x10b: {  	v37 =	vadd.s32 v10, v22;
	v38 =	vld.idx.msk [tilespmem:v38+s3+$0x0], $0xffff;
	[tilespmem:s12+$0x130] =	vst v39  }
0x10c: {  	v39 =	vadd.s32 v10, v25;
	v32 =	vld.idx.msk [tilespmem:v32+s23+$0x0], $0xffff;
	[tilespmem:s10+$0x30] =	vst v30  }
0x10d: {  	v30 =	vadd.s32 v9, v17;
	[tilespmem:s12+$0x1D0] =	vst v34;
	v34 =	vld.idx.msk [tilespmem:v36+s23+$0x0], $0xffff  }
0x10e: {  	[tilespmem:s30+$0x40] =	vst v35;
	v35 =	vor.u32 v5, v19;
	v33 =	vld.idx.msk [tilespmem:v33+s23+$0x0], $0xffff  }
0x10f: {  	[tilespmem:s2+$0x40] =	vst v41;
	v36 =	vld.idx.msk [tilespmem:v43+s3+$0x0], $0xffff;
	v41 =	vor.u32 v5, v18  }
0x110: {  	v26 =	vor.u32 v7, v26;
	v37 =	vld.idx.msk [tilespmem:v37+s3+$0x0], $0xffff;
	[tilespmem:s16+$0x40] =	vst v42  }
0x111: {  	v42 =	vadd.s32 v9, v27;
	v39 =	vld.idx.msk [tilespmem:v39+s3+$0x0], $0xffff;
	[tilespmem:s12+$0xFFFFF050] =	vst v38  }
0x112: {  	v38 =	vadd.s32 v9, v22;
	v30 =	vld.idx.msk [tilespmem:v30+s3+$0x0], $0xffff;
	[tilespmem:s12+$0xC0] =	vst v40  }
0x113: {  	s0 =	sadd.s32 $0x1, s19;
	v40 =	vadd.s32 v9, v25;
	v35 =	vld.idx.msk [tilespmem:v35+s23+$0x0], $0xffff;
	[tilespmem:s12+$0x140] =	vst v32  }
0x114: {  	v43 =	vmov s0;
	v32 =	vadd.s32 v8, v17;
	v17 =	vmov v31;
	v41 =	vld.idx.msk [tilespmem:v41+s23+$0x0], $0xffff;
	[tilespmem:s12+$0x1E0] =	vst v33  }
0x115: {  	v31 =	vmul.u32 $0x3E8, v43;
	v33 =	vor.u32 v5, v21;
	[tilespmem:s30+$0x50] =	vst v36;
	v26 =	vld.idx.msk [tilespmem:v26+s23+$0x0], $0xffff  }
0x116: {  	[tilespmem:s2+$0x50] =	vst v37;
	v36 =	vld.idx.msk [tilespmem:v42+s3+$0x0], $0xffff;
	v37 =	vor.u32 v6, v19  }
0x117: {  	v42 =	vadd.s32 v15, v31;
	v38 =	vld.idx.msk [tilespmem:v38+s3+$0x0], $0xffff;
	[tilespmem:s16+$0x50] =	vst v39  }
0x118: {  	v39 =	vld.idx.msk [tilespmem:v40+s3+$0x0], $0xffff;
	v40 =	vadd.s32 v8, v27;
	[tilespmem:s12+$0xFFFFF060] =	vst v30  }
0x119: {  	v44 =	vadd.s32 v8, v22;
	v22 =	vmov v31;
	v45 =	vld.idx.msk [tilespmem:v32+s3+$0x0], $0xffff;
	[tilespmem:s10+$0x40] =	vst v34  }
0x11a: {  	v25 =	vadd.s32 v8, v25;
	v27 =	vand.u32 $0x1C, v16;
	v16 =	vmov v29;
	[tilespmem:s12+$0xD0] =	vst v35;
	v34 =	vld.idx.msk [tilespmem:v33+s23+$0x0], $0xffff  }
0x11b: {  	v29 =	vor.u32 v0, v27;
	v46 =	vld.idx.msk [tilespmem:v37+s23+$0x0], $0xffff;
	[tilespmem:s12+$0x1F0] =	vst v26  }
0x11c: {  	v30 =	vld.idx.msk [tilespmem:v42+s3+$0x0], $0xffff;
	[tilespmem:s30+$0x60] =	vst v36;
	v42 =	vor.u32 v6, v18  }
0x11d: {  	v47 =	vor.u32 v6, v21;
	[tilespmem:s2+$0x60] =	vst v38;
	v40 =	vld.idx.msk [tilespmem:v40+s3+$0x0], $0xffff  }
0x11e: {  	v26 =	vand.u32 $0x1F, v28;
	v28 =	vor.u32 v7, v19;
	v33 =	vld.idx.msk [tilespmem:v44+s3+$0x0], $0xffff;
	[tilespmem:s16+$0x60] =	vst v39  }
.Ltmp0:
0x11f: {  	v19 =	vand.u32 $0x1D, v20;
	v20 =	vmov v43;
	v35 =	vor.u32 v0, v26;
	v32 =	vld.idx.msk [tilespmem:v25+s3+$0x0], $0xffff;
	[tilespmem:s12+$0xFFFFF070] =	vst v45;
	(pc) =	sbr.rel @p1 .LBB2_3-.Ltmp0, $4  }
0x120: {  	v43 =	vand.u32 $0x1E, v23;
	v36 =	vor.u32 v0, v19;
	v31 =	vld.idx.msk [tilespmem:v29+s23+$0x0], $0xffff;
	[tilespmem:s12+$0x150] =	vst v41  }
0x121: {  	s0 =	sadd.s32 $0x2, s19;
	v37 =	vor.u32 v0, v43;
	v29 =	vld.idx.msk [tilespmem:v42+s23+$0x0], $0xffff;
	[tilespmem:s10+$0x50] =	vst v34  }
0x122: {  	v23 =	vmov s0;
	v38 =	vor.u32 v1, v27;
	[tilespmem:s12+$0xE0] =	vst v46;
	v34 =	vld.idx.msk [tilespmem:v47+s23+$0x0], $0xffff  }
0x123: {  	s19 =	sadd.s32 $0x4, s19;
	s0 =	sadd.s32 $0x3, s21;
	v25 =	vmul.u32 $0x3E8, v23;
	[tilespmem:s30+$0x70] =	vst v40;
	v39 =	vld.idx.msk [tilespmem:v28+s23+$0x0], $0xffff;
	v40 =	vor.u32 v7, v18;
	v18 =	vmov v43  }
0x124: {  	_ =	sdelay $0x1  }
0x125: {  	[tilespmem:s2+$0x70] =	vst v33  }
0x126: {  	[tilespmem:s16+$0x70] =	vst v32  }
0x127: {  	v62 =	vld.idx.msk [tilespmem:v35+s23+$0x0], $0xffff;
	s2 =	sadd.s32 $0x200, s12;
	[tilespmem:s12+$0x0] =	vst v31  }
0x128: {  	v28 =	vmov s0;
	v63 =	vor.u32 v7, v21;
	s0 =	sadd.s32 $0x200, s15;
	[tilespmem:s2+$0xFFFFF000] =	vst v24  }
0x129: {  	v41 =	vor.u32 v1, v26;
	v21 =	vmul.u32 $0x3E8, v28;
	v31 =	vld.idx.msk [tilespmem:v36+s23+$0x0], $0xffff;
	s19 =	sadd.s32 $0xFFFFFE80, s0;
	[tilespmem:s12+$0x160] =	vst v29  }
0x12a: {  	v44 =	vadd.s32 v15, v25;
	s15 =	sadd.s32 $0xFFFFFF00, s0;
	v29 =	vld.idx.msk [tilespmem:v37+s23+$0x0], $0xffff;
	s12 =	sand.u32 $0xC00, s19;
	[tilespmem:s10+$0x60] =	vst v34  }
0x12b: {  	v43 =	vld.idx.msk [tilespmem:v38+s23+$0x0], $0xffff;
	s19 =	sand.u32 $0x280, s15;
	v42 =	vadd.s32 v15, v21;
	s16 =	sadd.s32 $0x9F00, s12;
	[tilespmem:s11+$0xF0] =	vst v39  }
0x12c: {  	v46 =	vadd.s32 v14, v17;
	v45 =	vld.idx.msk [tilespmem:v40+s23+$0x0], $0xffff;
	s15 =	sadd.s32 s19, s16;
	[tilespmem:s2+$0x180] =	vst v62  }
0x12d: {  	v24 =	vor.u32 v1, v19;
	v32 =	vld.idx.msk [tilespmem:v63+s23+$0x0], $0xffff;
	[tilespmem:s15+$0x0] =	vst v30  }
0x12e: {  	v49 =	vadd.s32 v14, v22;
	v35 =	vld.idx.msk [tilespmem:v41+s23+$0x0], $0xffff;
	[tilespmem:s2+$0x80] =	vst v31  }
0x12f: {  	v31 =	vor.u32 v1, v18;
	v47 =	vld.idx.msk [tilespmem:v44+s3+$0x0], $0xffff;
	[tilespmem:s2+$0x100] =	vst v29  }
0x130: {  	v29 =	vor.u32 v2, v26;
	[tilespmem:s11+$0x10] =	vst v43;
	v36 =	vld.idx.msk [tilespmem:v42+s3+$0x0], $0xffff  }
0x131: {  	s30 =	sand.u32 $0x380, s0;
	s0 =	sadd.s32 $0xFFFFFF80, s0;
	v48 =	vadd.s32 v14, v21;
	v33 =	vld.idx.msk [tilespmem:v46+s3+$0x0], $0xffff;
	[tilespmem:s11+$0x170] =	vst v45  }
0x132: {  	v51 =	vadd.s32 v14, v25;
	s0 =	sand.u32 $0x300, s0;
	v50 =	vld.idx.msk [tilespmem:v24+s23+$0x0], $0xffff;
	[tilespmem:s10+$0x70] =	vst v32  }
0x133: {  	v52 =	vadd.s32 v13, v17;
	s12 =	sadd.s32 s30, s16;
	s16 =	sadd.s32 s0, s16;
	v56 =	vld.idx.msk [tilespmem:v49+s3+$0x0], $0xffff;
	[tilespmem:s2+$0x190] =	vst v35  }
0x134: {  	v53 =	vor.u32 v2, v19;
	v24 =	vmov s21;
	v31 =	vld.idx.msk [tilespmem:v31+s23+$0x0], $0xffff;
	[tilespmem:s16+$0x0] =	vst v47  }
0x135: {  	v60 =	vor.u32 v2, v27;
	v54 =	vld.idx.msk [tilespmem:v29+s23+$0x0], $0xffff;
	v29 =	vmul.u32 $0x3E8, v24;
	[tilespmem:s12+$0x0] =	vst v36  }
0x136: {  	v55 =	vor.u32 v2, v18;
	v30 =	vld.idx.msk [tilespmem:v48+s3+$0x0], $0xffff;
	[tilespmem:s2+$0xFFFFF010] =	vst v33  }
0x137: {  	v15 =	vadd.s32 v15, v29;
	[tilespmem:s2+$0x90] =	vst v50;
	v33 =	vld.idx.msk [tilespmem:v51+s3+$0x0], $0xffff  }
0x138: {  	v57 =	vor.u32 v3, v26;
	[tilespmem:s15+$0x10] =	vst v56;
	v35 =	vld.idx.msk [tilespmem:v52+s3+$0x0], $0xffff  }
0x139: {  	v58 =	vadd.s32 v13, v21;
	v36 =	vld.idx.msk [tilespmem:v53+s23+$0x0], $0xffff;
	[tilespmem:s2+$0x110] =	vst v31  }
0x13a: {  	v34 =	vld.idx.msk [tilespmem:v60+s23+$0x0], $0xffff;
	v31 =	vadd.s32 v13, v22;
	[tilespmem:s2+$0x1A0] =	vst v54  }
0x13b: {  	v59 =	vadd.s32 v13, v25;
	v37 =	vld.idx.msk [tilespmem:v55+s23+$0x0], $0xffff;
	[tilespmem:s12+$0x10] =	vst v30  }
0x13c: {  	v30 =	vadd.s32 v12, v17;
	v15 =	vld.idx.msk [tilespmem:v15+s3+$0x0], $0xffff;
	[tilespmem:s16+$0x10] =	vst v33  }
0x13d: {  	v14 =	vadd.s32 v14, v29;
	v38 =	vld.idx.msk [tilespmem:v57+s23+$0x0], $0xffff;
	[tilespmem:s2+$0xFFFFF020] =	vst v35  }
0x13e: {  	v61 =	vor.u32 v3, v19;
	v32 =	vld.idx.msk [tilespmem:v58+s3+$0x0], $0xffff;
	[tilespmem:s2+$0xA0] =	vst v36  }
0x13f: {  	v62 =	vor.u32 v4, v26;
	[tilespmem:s11+$0x20] =	vst v34;
	v31 =	vld.idx.msk [tilespmem:v31+s3+$0x0], $0xffff  }
0x140: {  	s30 =	sadd.s32 $0x200, s2;
	v44 =	vor.u32 v3, v18;
	v63 =	vld.idx.msk [tilespmem:v59+s3+$0x0], $0xffff;
	[tilespmem:s2+$0x120] =	vst v37  }
0x141: {  	v40 =	vadd.s32 v12, v21;
	v30 =	vld.idx.msk [tilespmem:v30+s3+$0x0], $0xffff;
	[tilespmem:s30+$0xFFFFF000] =	vst v15  }
0x142: {  	[tilespmem:s2+$0x1B0] =	vst v38;
	v15 =	vadd.s32 v12, v25;
	v14 =	vld.idx.msk [tilespmem:v14+s3+$0x0], $0xffff  }
0x143: {  	v13 =	vadd.s32 v13, v29;
	v42 =	vld.idx.msk [tilespmem:v61+s23+$0x0], $0xffff;
	[tilespmem:s12+$0x20] =	vst v32  }
0x144: {  	v41 =	vadd.s32 v12, v22;
	v43 =	vld.idx.msk [tilespmem:v62+s23+$0x0], $0xffff;
	[tilespmem:s15+$0x20] =	vst v31  }
0x145: {  	v47 =	vor.u32 v5, v26;
	v48 =	vld.idx.msk [tilespmem:v44+s23+$0x0], $0xffff;
	[tilespmem:s16+$0x20] =	vst v63  }
0x146: {  	v31 =	vadd.s32 v11, v17;
	v45 =	vld.idx.msk [tilespmem:v40+s3+$0x0], $0xffff;
	[tilespmem:s2+$0xFFFFF030] =	vst v30  }
0x147: {  	v30 =	vor.u32 v3, v27;
	v15 =	vld.idx.msk [tilespmem:v15+s3+$0x0], $0xffff;
	[tilespmem:s30+$0xFFFFF010] =	vst v14  }
0x148: {  	[tilespmem:s2+$0xB0] =	vst v42;
	v14 =	vadd.s32 v11, v21;
	v13 =	vld.idx.msk [tilespmem:v13+s3+$0x0], $0xffff  }
0x149: {  	v12 =	vadd.s32 v12, v29;
	v46 =	vld.idx.msk [tilespmem:v41+s3+$0x0], $0xffff;
	[tilespmem:s2+$0x1C0] =	vst v43  }
0x14a: {  	v50 =	vadd.s32 v11, v25;
	[tilespmem:s2+$0x130] =	vst v48;
	v34 =	vld.idx.msk [tilespmem:v47+s23+$0x0], $0xffff  }
0x14b: {  	v49 =	vadd.s32 v11, v22;
	v31 =	vld.idx.msk [tilespmem:v31+s3+$0x0], $0xffff;
	[tilespmem:s12+$0x30] =	vst v45  }
0x14c: {  	v51 =	vadd.s32 v10, v17;
	v30 =	vld.idx.msk [tilespmem:v30+s23+$0x0], $0xffff;
	[tilespmem:s16+$0x30] =	vst v15  }
0x14d: {  	v15 =	vor.u32 v4, v19;
	v14 =	vld.idx.msk [tilespmem:v14+s3+$0x0], $0xffff;
	[tilespmem:s30+$0xFFFFF020] =	vst v13  }
0x14e: {  	[tilespmem:s15+$0x30] =	vst v46;
	v13 =	vor.u32 v4, v18;
	v12 =	vld.idx.msk [tilespmem:v12+s3+$0x0], $0xffff  }
0x14f: {  	v11 =	vadd.s32 v11, v29;
	v53 =	vld.idx.msk [tilespmem:v50+s3+$0x0], $0xffff;
	[tilespmem:s2+$0x1D0] =	vst v34  }
0x150: {  	v52 =	vor.u32 v6, v26;
	[tilespmem:s2+$0xFFFFF040] =	vst v31;
	v31 =	vld.idx.msk [tilespmem:v49+s3+$0x0], $0xffff  }
0x151: {  	v54 =	vld.idx.msk [tilespmem:v51+s3+$0x0], $0xffff;
	[tilespmem:s11+$0x30] =	vst v30;
	v30 =	vadd.s32 v10, v21  }
0x152: {  	v55 =	vadd.s32 v10, v22;
	v15 =	vld.idx.msk [tilespmem:v15+s23+$0x0], $0xffff;
	[tilespmem:s12+$0x40] =	vst v14  }
0x153: {  	v14 =	vadd.s32 v10, v25;
	v13 =	vld.idx.msk [tilespmem:v13+s23+$0x0], $0xffff;
	[tilespmem:s30+$0xFFFFF030] =	vst v12  }
0x154: {  	[tilespmem:s16+$0x40] =	vst v53;
	v12 =	vadd.s32 v9, v17;
	v11 =	vld.idx.msk [tilespmem:v11+s3+$0x0], $0xffff  }
0x155: {  	v10 =	vadd.s32 v10, v29;
	[tilespmem:s15+$0x40] =	vst v31;
	v31 =	vld.idx.msk [tilespmem:v52+s23+$0x0], $0xffff  }
0x156: {  	v56 =	vor.u32 v4, v27;
	[tilespmem:s2+$0xFFFFF050] =	vst v54;
	v30 =	vld.idx.msk [tilespmem:v30+s3+$0x0], $0xffff  }
0x157: {  	v58 =	vadd.s32 v9, v21;
	v57 =	vld.idx.msk [tilespmem:v55+s3+$0x0], $0xffff;
	[tilespmem:s2+$0xC0] =	vst v15  }
0x158: {  	v15 =	vadd.s32 v9, v22;
	v14 =	vld.idx.msk [tilespmem:v14+s3+$0x0], $0xffff;
	[tilespmem:s2+$0x140] =	vst v13  }
0x159: {  	v13 =	vadd.s32 v9, v25;
	v12 =	vld.idx.msk [tilespmem:v12+s3+$0x0], $0xffff;
	[tilespmem:s30+$0xFFFFF040] =	vst v11  }
0x15a: {  	[tilespmem:s2+$0x1E0] =	vst v31;
	v11 =	vor.u32 v5, v19;
	v10 =	vld.idx.msk [tilespmem:v10+s3+$0x0], $0xffff  }
0x15b: {  	v31 =	vld.idx.msk [tilespmem:v56+s23+$0x0], $0xffff;
	v9 =	vadd.s32 v9, v29;
	[tilespmem:s12+$0x50] =	vst v30  }
0x15c: {  	v26 =	vor.u32 v7, v26;
	[tilespmem:s15+$0x50] =	vst v57;
	v30 =	vld.idx.msk [tilespmem:v58+s3+$0x0], $0xffff  }
0x15d: {  	v15 =	vld.idx.msk [tilespmem:v15+s3+$0x0], $0xffff;
	[tilespmem:s16+$0x50] =	vst v14;
	v14 =	vadd.s32 v8, v21  }
0x15e: {  	v13 =	vld.idx.msk [tilespmem:v13+s3+$0x0], $0xffff;
	[tilespmem:s2+$0xFFFFF060] =	vst v12;
	v12 =	vadd.s32 v8, v22  }
0x15f: {  	v21 =	vadd.s32 v8, v25;
	v11 =	vld.idx.msk [tilespmem:v11+s23+$0x0], $0xffff;
	[tilespmem:s30+$0xFFFFF050] =	vst v10  }
0x160: {  	v17 =	vadd.s32 v8, v17;
	[tilespmem:s11+$0x40] =	vst v31;
	v22 =	vld.idx.msk [tilespmem:v9+s3+$0x0], $0xffff  }
0x161: {  	v25 =	vld.idx.msk [tilespmem:v26+s23+$0x0], $0xffff;
	v26 =	vadd.s32 v8, v29;
	[tilespmem:s12+$0x60] =	vst v30  }
0x162: {  	v29 =	vor.u32 v5, v18;
	[tilespmem:s15+$0x60] =	vst v15;
	v9 =	vand.u32 $0x1F, v28;
	v14 =	vld.idx.msk [tilespmem:v14+s3+$0x0], $0xffff  }
0x163: {  	v10 =	vand.u32 $0x1D, v20;
	[tilespmem:s16+$0x60] =	vst v13;
	v13 =	vor.u32 v0, v9;
	v15 =	vld.idx.msk [tilespmem:v12+s3+$0x0], $0xffff  }
0x164: {  	v20 =	vld.idx.msk [tilespmem:v21+s3+$0x0], $0xffff;
	v21 =	vor.u32 v0, v10;
	[tilespmem:s2+$0xD0] =	vst v11;
	v11 =	vand.u32 $0x1E, v23  }
0x165: {  	v8 =	vand.u32 $0x1C, v16;
	v17 =	vld.idx.msk [tilespmem:v17+s3+$0x0], $0xffff;
	v16 =	vor.u32 v0, v11;
	[tilespmem:s30+$0xFFFFF060] =	vst v22  }
0x166: {  	[tilespmem:s2+$0x1F0] =	vst v25;
	v12 =	vand.u32 $0x1C, v24;
	v22 =	vor.u32 v0, v8;
	v23 =	vld.idx.msk [tilespmem:v26+s3+$0x0], $0xffff  }
0x167: {  	v24 =	vld.idx.msk [tilespmem:v29+s23+$0x0], $0xffff;
	[tilespmem:s12+$0x70] =	vst v14;
	v14 =	vor.u32 v0, v12  }
0x168: {  	v25 =	vor.u32 v5, v27;
	[tilespmem:s15+$0x70] =	vst v15;
	v13 =	vld.idx.msk [tilespmem:v13+s23+$0x0], $0xffff  }
0x169: {  	[tilespmem:s16+$0x70] =	vst v20;
	v20 =	vor.u32 v1, v9;
	v15 =	vld.idx.msk [tilespmem:v21+s23+$0x0], $0xffff  }
0x16a: {  	[tilespmem:s2+$0xFFFFF070] =	vst v17;
	v17 =	vor.u32 v1, v10;
	v16 =	vld.idx.msk [tilespmem:v16+s23+$0x0], $0xffff  }
0x16b: {  	v21 =	vld.idx.msk [tilespmem:v22+s23+$0x0], $0xffff;
	v22 =	vor.u32 v1, v11;
	[tilespmem:s30+$0xFFFFF070] =	vst v23  }
0x16c: {  	[tilespmem:s2+$0x150] =	vst v24;
	v23 =	vor.u32 v1, v8;
	v14 =	vld.idx.msk [tilespmem:v14+s23+$0x0], $0xffff  }
0x16d: {  	v24 =	vld.idx.msk [tilespmem:v25+s23+$0x0], $0xffff;
	[tilespmem:s30+$0x180] =	vst v13;
	v13 =	vor.u32 v1, v12  }
0x16e: {  	v25 =	vor.u32 v6, v19;
	v20 =	vld.idx.msk [tilespmem:v20+s23+$0x0], $0xffff;
	[tilespmem:s30+$0x80] =	vst v15  }
0x16f: {  	v15 =	vor.u32 v2, v9;
	[tilespmem:s30+$0x100] =	vst v16;
	v16 =	vld.idx.msk [tilespmem:v17+s23+$0x0], $0xffff  }
0x170: {  	[tilespmem:s2+$0x0] =	vst v21;
	v17 =	vld.idx.msk [tilespmem:v22+s23+$0x0], $0xffff;
	v21 =	vor.u32 v2, v10  }
0x171: {  	v22 =	vld.idx.msk [tilespmem:v23+s23+$0x0], $0xffff;
	v23 =	vor.u32 v2, v11;
	[tilespmem:s30+$0x0] =	vst v14  }
0x172: {  	[tilespmem:s11+$0x50] =	vst v24;
	v14 =	vor.u32 v2, v8;
	v13 =	vld.idx.msk [tilespmem:v13+s23+$0x0], $0xffff  }
0x173: {  	v24 =	vld.idx.msk [tilespmem:v25+s23+$0x0], $0xffff;
	[tilespmem:s30+$0x190] =	vst v20;
	v20 =	vor.u32 v2, v12  }
0x174: {  	v25 =	vor.u32 v6, v18;
	v15 =	vld.idx.msk [tilespmem:v15+s23+$0x0], $0xffff;
	[tilespmem:s30+$0x90] =	vst v16  }
0x175: {  	v16 =	vor.u32 v3, v9;
	v21 =	vld.idx.msk [tilespmem:v21+s23+$0x0], $0xffff;
	[tilespmem:s30+$0x110] =	vst v17  }
0x176: {  	[tilespmem:s2+$0x10] =	vst v22;
	v17 =	vld.idx.msk [tilespmem:v23+s23+$0x0], $0xffff;
	v22 =	vor.u32 v3, v10  }
0x177: {  	v23 =	vor.u32 v3, v11;
	v14 =	vld.idx.msk [tilespmem:v14+s23+$0x0], $0xffff;
	[tilespmem:s30+$0x10] =	vst v13  }
0x178: {  	[tilespmem:s2+$0xE0] =	vst v24;
	v13 =	vor.u32 v3, v8;
	v20 =	vld.idx.msk [tilespmem:v20+s23+$0x0], $0xffff  }
0x179: {  	v24 =	vld.idx.msk [tilespmem:v25+s23+$0x0], $0xffff;
	[tilespmem:s30+$0x1A0] =	vst v15;
	v15 =	vor.u32 v3, v12  }
0x17a: {  	v19 =	vor.u32 v7, v19;
	v16 =	vld.idx.msk [tilespmem:v16+s23+$0x0], $0xffff;
	[tilespmem:s30+$0xA0] =	vst v21  }
0x17b: {  	v21 =	vor.u32 v4, v9;
	v22 =	vld.idx.msk [tilespmem:v22+s23+$0x0], $0xffff;
	[tilespmem:s30+$0x120] =	vst v17  }
0x17c: {  	v17 =	vld.idx.msk [tilespmem:v23+s23+$0x0], $0xffff;
	v23 =	vor.u32 v4, v10;
	[tilespmem:s2+$0x20] =	vst v14  }
0x17d: {  	v14 =	vor.u32 v4, v11;
	v13 =	vld.idx.msk [tilespmem:v13+s23+$0x0], $0xffff;
	[tilespmem:s30+$0x20] =	vst v20  }
0x17e: {  	[tilespmem:s2+$0x160] =	vst v24;
	v20 =	vor.u32 v4, v8;
	v15 =	vld.idx.msk [tilespmem:v15+s23+$0x0], $0xffff  }
0x17f: {  	v19 =	vld.idx.msk [tilespmem:v19+s23+$0x0], $0xffff;
	[tilespmem:s30+$0x1B0] =	vst v16;
	v16 =	vor.u32 v4, v12  }
0x180: {  	v25 =	vor.u32 v6, v27;
	v21 =	vld.idx.msk [tilespmem:v21+s23+$0x0], $0xffff;
	[tilespmem:s30+$0xB0] =	vst v22  }
0x181: {  	v22 =	vor.u32 v5, v9;
	v23 =	vld.idx.msk [tilespmem:v23+s23+$0x0], $0xffff;
	[tilespmem:s30+$0x130] =	vst v17  }
0x182: {  	v14 =	vld.idx.msk [tilespmem:v14+s23+$0x0], $0xffff;
	[tilespmem:s2+$0x30] =	vst v13;
	v13 =	vor.u32 v5, v10  }
0x183: {  	v17 =	vld.idx.msk [tilespmem:v20+s23+$0x0], $0xffff;
	v20 =	vor.u32 v5, v11;
	[tilespmem:s30+$0x30] =	vst v15  }
0x184: {  	[tilespmem:s2+$0xF0] =	vst v19;
	v15 =	vor.u32 v5, v8;
	v16 =	vld.idx.msk [tilespmem:v16+s23+$0x0], $0xffff  }
0x185: {  	v24 =	vld.idx.msk [tilespmem:v25+s23+$0x0], $0xffff;
	[tilespmem:s30+$0x1C0] =	vst v21;
	v21 =	vor.u32 v5, v12  }
0x186: {  	v18 =	vor.u32 v7, v18;
	v22 =	vld.idx.msk [tilespmem:v22+s23+$0x0], $0xffff;
	[tilespmem:s30+$0xC0] =	vst v23  }
0x187: {  	v23 =	vor.u32 v6, v9;
	v13 =	vld.idx.msk [tilespmem:v13+s23+$0x0], $0xffff;
	[tilespmem:s30+$0x140] =	vst v14  }
0x188: {  	v14 =	vld.idx.msk [tilespmem:v20+s23+$0x0], $0xffff;
	v20 =	vor.u32 v6, v10;
	[tilespmem:s2+$0x40] =	vst v17  }
0x189: {  	v17 =	vor.u32 v6, v11;
	v15 =	vld.idx.msk [tilespmem:v15+s23+$0x0], $0xffff;
	[tilespmem:s30+$0x40] =	vst v16  }
0x18a: {  	[tilespmem:s11+$0x60] =	vst v24;
	v16 =	vor.u32 v6, v8;
	v19 =	vld.idx.msk [tilespmem:v21+s23+$0x0], $0xffff  }
0x18b: {  	v18 =	vld.idx.msk [tilespmem:v18+s23+$0x0], $0xffff;
	[tilespmem:s30+$0x1D0] =	vst v22;
	v21 =	vor.u32 v6, v12  }
0x18c: {  	v22 =	vor.u32 v7, v27;
	v23 =	vld.idx.msk [tilespmem:v23+s23+$0x0], $0xffff;
	[tilespmem:s30+$0xD0] =	vst v13  }
0x18d: {  	v9 =	vor.u32 v7, v9;
	v13 =	vld.idx.msk [tilespmem:v20+s23+$0x0], $0xffff;
	[tilespmem:s30+$0x150] =	vst v14  }
0x18e: {  	v10 =	vor.u32 v7, v10;
	v14 =	vld.idx.msk [tilespmem:v17+s23+$0x0], $0xffff;
	[tilespmem:s2+$0x50] =	vst v15  }
0x18f: {  	v11 =	vor.u32 v7, v11;
	v15 =	vld.idx.msk [tilespmem:v16+s23+$0x0], $0xffff;
	[tilespmem:s30+$0x50] =	vst v19  }
0x190: {  	[tilespmem:s2+$0x170] =	vst v18;
	v8 =	vor.u32 v7, v8;
	v16 =	vld.idx.msk [tilespmem:v21+s23+$0x0], $0xffff  }
0x191: {  	v12 =	vor.u32 v7, v12;
	v17 =	vld.idx.msk [tilespmem:v22+s23+$0x0], $0xffff;
	[tilespmem:s30+$0x1E0] =	vst v23  }
0x192: {  	v9 =	vld.idx.msk [tilespmem:v9+s23+$0x0], $0xffff;
	[tilespmem:s30+$0xE0] =	vst v13  }
0x193: {  	v10 =	vld.idx.msk [tilespmem:v10+s23+$0x0], $0xffff;
	[tilespmem:s30+$0x160] =	vst v14  }
0x194: {  	v11 =	vld.idx.msk [tilespmem:v11+s23+$0x0], $0xffff;
	[tilespmem:s2+$0x60] =	vst v15  }
0x195: {  	v8 =	vld.idx.msk [tilespmem:v8+s23+$0x0], $0xffff;
	[tilespmem:s30+$0x60] =	vst v16  }
0x196: {  	[tilespmem:s11+$0x70] =	vst v17;
	v12 =	vld.idx.msk [tilespmem:v12+s23+$0x0], $0xffff  }
0x197: {  	s15 =	sadd.s32 s8, s9;
	[tilespmem:s30+$0x1F0] =	vst v9  }
0x198: {  	s16 =	sshll.u32 s15, $0x7;
	[tilespmem:s30+$0xF0] =	vst v10  }
0x199: {  	s0 =	sshll.u32 s15, $0xA;
	s11 =	sand.u32 $0xF00, s16;
	[tilespmem:s30+$0x170] =	vst v11  }
0x19a: {  	s0 =	sand.u32 $0xFFF8000, s0;
	s19 =	sadd.s32 s1, s11;
	[tilespmem:s2+$0x70] =	vst v8  }
0x19b: {  	s21 =	simm.s32 $0x9F00;
	s0 =	sadd.s32 s0, s19;
	[tilespmem:s30+$0x70] =	vst v12  }
0x19c: {  	[hbm4b:s0+s28] =	stream.strided.scatter [tilespmem:s21], [sflag:$0x5], $0x2000, s29, s28, $0x38;
	[tilespmem:$0xDF00] =	vst v63  }
0x19d: {  	s0 =	sadd.s32 @!p0 s9, s14  }
0x19e: {  	_ =	swait.ge [sflag:s31], $0x1000;
	s0 =	sshll.u32 @!p0 s0, $0x4  }
0x19f: {  	s10 =	simm.s32 @!p0 $0x7D80;
	[sflag:s31] =	ssyncset.done $0x0;
	s0 =	sand.u32 @!p0 $0x1FFFFFF0, s0  }
0x1a0: {  	s9 =	simm.s32 @!p0 $0x0;
	[sflag:s31] =	ssyncadd.s32 $0xFFFFF000;
	s2 =	sadd.s32 @!p0 s4, s0  }
0x1a1: {  	[tilespmem:s10], [sflag:$0x2] =	stream.linear.gather @!p0 [hbm4b:s2+s9], $0x80, $0x38;
	[tilespmem:$0xDF00] =	vst v63  }
0x1a2: {  	s0 =	sadd.s32 @!p0 s5, s0;
	s2 =	simm.s32 @!p0 $0x7E80  }
0x1a3: {  	[tilespmem:s2], [sflag:$0x2] =	stream.linear.gather @!p0 [hbm4b:s0+s9], $0x80, $0x38;
	[tilespmem:$0xDF00] =	vst v63  }
0x1a4: {  	s0 =	simm.s32 @!p0 $0x1  }
0x1a5: {  	_ =	swait.ge @!p0 [sflag:s0], $0x80  }
0x1a6: {  	[sflag:s0] =	ssyncset.done @!p0 $0x0  }
0x1a7: {  	[sflag:s0] =	ssyncadd.s32 @!p0 $0xFFFFFF80  }
0x1a8: {  	_ =	swait.ge @!p0 [sflag:s0], $0x80  }
0x1a9: {  	p1 =	seq.s32 @!p0 s18, $0x0;
	s2 =	simm.s32 @!p0 $0x7E00;
	[sflag:s0] =	ssyncset.done @!p0 $0x0  }
0x1aa: {  	s9 =	simm.s32 @!p0 $0x7F00;
	[sflag:s0] =	ssyncadd.s32 @!p0 $0xFFFFFF80;
	s0 =	simm.s32 @!p0 $0x80  }
0x1ab: {  	[tilespmem:s9], [sflag:$0x3] =	stream.indirect.gather @!p0 [hbm4b:s7+s0], $0x20, s2, s0, $0xb8;
	[tilespmem:$0xDF00] =	vst v63  }
0x1ac: {  	p0 =	por p0, !p1  }
0x1ad: {  	_ =	swait.ge @p0 [sflag:s17], $0x2000  }
0x1ae: {  	[sflag:s17] =	ssyncset.done @p0 $0x0  }
0x1af: {  	[sflag:s17] =	ssyncadd.s32 @p0 $0xFFFFE000  }
0x1b0: {  	v15 =	vld [tilespmem:$0x7D80]  }
0x1b1: {  	s30 =	simm.s32 $0x3  }
0x1b2: {  	v16 =	vmov s30;
	s2 =	simm.s32 $0x1  }
0x1b3: {  	v17 =	vmul.u32 $0x3E8, v16;
	s9 =	simm.s32 $0x2;
	v18 =	vmov s2  }
0x1b4: {  	v24 =	vmov s9;
	v19 =	vmul.u32 $0x3E8, v18  }
0x1b5: {  	v20 =	vmul.u32 $0x3E8, v24;
	v8 =	vadd.s32 v15, v17  }
0x1b6: {  	v14 =	vld [tilespmem:$0x7D90];
	v21 =	vadd.s32 v15, v19  }
0x1b7: {  	v13 =	vld [tilespmem:$0x7DA0];
	v22 =	vadd.s32 v15, v20  }
0x1b8: {  	v12 =	vld [tilespmem:$0x7DB0]  }
0x1b9: {  	v11 =	vld [tilespmem:$0x7DC0]  }
0x1ba: {  	v23 =	vld.idx.msk [tilespmem:v8+s3+$0x0], $0xffff  }
0x1bb: {  	s10 =	simm.s32 $0x0;
	v25 =	vadd.s32 v14, v17;
	v21 =	vld.idx.msk [tilespmem:v21+s3+$0x0], $0xffff  }
0x1bc: {  	s11 =	simm.s32 $0x180;
	s0 =	sand.u32 $0xC00, s10;
	v26 =	vadd.s32 v14, v19;
	v22 =	vld.idx.msk [tilespmem:v22+s3+$0x0], $0xffff  }
0x1bd: {  	s12 =	simm.s32 $0x80;
	s0 =	sadd.s32 $0xBF00, s0;
	s2 =	sand.u32 $0x380, s11;
	v10 =	vld [tilespmem:$0x7DD0];
	v27 =	vadd.s32 v14, v20  }
0x1be: {  	s15 =	simm.s32 $0x100;
	s10 =	sadd.s32 s2, s0;
	s2 =	sand.u32 $0x280, s12;
	v9 =	vld [tilespmem:$0x7DE0]  }
0x1bf: {  	s16 =	sand.u32 $0x300, s15;
	s19 =	sadd.s32 s2, s0;
	v8 =	vld [tilespmem:$0x7DF0];
	[tilespmem:s10+$0x0] =	vst v23  }
0x1c0: {  	s21 =	sadd.s32 s16, s0;
	[tilespmem:s19+$0x0] =	vst v21;
	v23 =	vld.idx.msk [tilespmem:v25+s3+$0x0], $0xffff  }
0x1c1: {  	[tilespmem:s21+$0x0] =	vst v22;
	v25 =	vadd.s32 v13, v17;
	v21 =	vld.idx.msk [tilespmem:v26+s3+$0x0], $0xffff  }
0x1c2: {  	v22 =	vld.idx.msk [tilespmem:v27+s3+$0x0], $0xffff;
	v26 =	vadd.s32 v13, v19  }
0x1c3: {  	v27 =	vadd.s32 v13, v20;
	_ =	sdelay $0x1  }
0x1c4: {  	[tilespmem:s10+$0x10] =	vst v23  }
0x1c5: {  	[tilespmem:s19+$0x10] =	vst v21;
	v23 =	vld.idx.msk [tilespmem:v25+s3+$0x0], $0xffff  }
0x1c6: {  	[tilespmem:s21+$0x10] =	vst v22;
	v25 =	vadd.s32 v12, v17;
	v21 =	vld.idx.msk [tilespmem:v26+s3+$0x0], $0xffff  }
0x1c7: {  	v22 =	vld.idx.msk [tilespmem:v27+s3+$0x0], $0xffff;
	v26 =	vadd.s32 v12, v19  }
0x1c8: {  	v27 =	vadd.s32 v12, v20;
	_ =	sdelay $0x1  }
0x1c9: {  	[tilespmem:s10+$0x20] =	vst v23  }
0x1ca: {  	[tilespmem:s19+$0x20] =	vst v21;
	v23 =	vld.idx.msk [tilespmem:v25+s3+$0x0], $0xffff  }
0x1cb: {  	[tilespmem:s21+$0x20] =	vst v22;
	v25 =	vadd.s32 v11, v17;
	v21 =	vld.idx.msk [tilespmem:v26+s3+$0x0], $0xffff  }
0x1cc: {  	v22 =	vld.idx.msk [tilespmem:v27+s3+$0x0], $0xffff;
	v26 =	vadd.s32 v11, v19  }
0x1cd: {  	v27 =	vadd.s32 v11, v20;
	_ =	sdelay $0x1  }
0x1ce: {  	[tilespmem:s10+$0x30] =	vst v23  }
0x1cf: {  	[tilespmem:s19+$0x30] =	vst v21;
	v23 =	vld.idx.msk [tilespmem:v25+s3+$0x0], $0xffff  }
0x1d0: {  	[tilespmem:s21+$0x30] =	vst v22;
	v25 =	vadd.s32 v10, v17;
	v21 =	vld.idx.msk [tilespmem:v26+s3+$0x0], $0xffff  }
0x1d1: {  	v22 =	vld.idx.msk [tilespmem:v27+s3+$0x0], $0xffff;
	v26 =	vadd.s32 v10, v19  }
0x1d2: {  	v27 =	vadd.s32 v10, v20;
	_ =	sdelay $0x1  }
0x1d3: {  	[tilespmem:s10+$0x40] =	vst v23  }
0x1d4: {  	[tilespmem:s19+$0x40] =	vst v21;
	v23 =	vld.idx.msk [tilespmem:v25+s3+$0x0], $0xffff  }
0x1d5: {  	[tilespmem:s21+$0x40] =	vst v22;
	v25 =	vadd.s32 v9, v17;
	v21 =	vld.idx.msk [tilespmem:v26+s3+$0x0], $0xffff  }
0x1d6: {  	v22 =	vld.idx.msk [tilespmem:v27+s3+$0x0], $0xffff;
	v26 =	vadd.s32 v9, v19  }
0x1d7: {  	v27 =	vadd.s32 v9, v20;
	_ =	sdelay $0x1  }
0x1d8: {  	[tilespmem:s10+$0x50] =	vst v23  }
0x1d9: {  	s30 =	simm.s32 $0x0;
	[tilespmem:s19+$0x50] =	vst v21;
	v23 =	vld.idx.msk [tilespmem:v25+s3+$0x0], $0xffff  }
0x1da: {  	v28 =	vadd.s32 v8, v17;
	[tilespmem:s21+$0x50] =	vst v22;
	v21 =	vmov s30;
	v29 =	vld.idx.msk [tilespmem:v26+s3+$0x0], $0xffff  }
0x1db: {  	s11 =	simm.s32 $0x5;
	v19 =	vadd.s32 v8, v19;
	v22 =	vld.idx.msk [tilespmem:v27+s3+$0x0], $0xffff;
	v25 =	vmul.u32 $0x3E8, v21  }
0x1dc: {  	v17 =	vmov s11;
	v27 =	vadd.s32 v8, v20  }
0x1dd: {  	v26 =	vmul.u32 $0x3E8, v17;
	v59 =	vadd.s32 v15, v25  }
0x1de: {  	[tilespmem:s10+$0x60] =	vst v23  }
0x1df: {  	v60 =	vadd.s32 v15, v26;
	v23 =	vand.u32 $0x1F, v16;
	[tilespmem:s19+$0x60] =	vst v29;
	v30 =	vld.idx.msk [tilespmem:v28+s3+$0x0], $0xffff  }
0x1e0: {  	s15 =	simm.s32 $0x7;
	[tilespmem:s21+$0x60] =	vst v22;
	v22 =	vand.u32 $0x1D, v18;
	v31 =	vor.u32 v0, v23;
	v19 =	vld.idx.msk [tilespmem:v19+s3+$0x0], $0xffff  }
0x1e1: {  	v16 =	vand.u32 $0x1E, v24;
	v18 =	vld.idx.msk [tilespmem:v27+s3+$0x0], $0xffff;
	v61 =	vor.u32 v0, v22;
	v27 =	vmov s15  }
0x1e2: {  	s12 =	simm.s32 $0x6;
	v24 =	vor.u32 v0, v16;
	v29 =	vmul.u32 $0x3E8, v27;
	v32 =	vld.idx.msk [tilespmem:v59+s3+$0x0], $0xffff  }
0x1e3: {  	v20 =	vmov s12;
	v42 =	vadd.s32 v14, v25  }
0x1e4: {  	v28 =	vmul.u32 $0x3E8, v20;
	v33 =	vld.idx.msk [tilespmem:v60+s3+$0x0], $0xffff;
	v63 =	vadd.s32 v15, v29;
	[tilespmem:s10+$0x70] =	vst v30  }
0x1e5: {  	s9 =	simm.s32 $0xCF00;
	v50 =	vadd.s32 v14, v26;
	[tilespmem:s19+$0x70] =	vst v19;
	s19 =	simm.s32 $0x200;
	v30 =	vld.idx.msk [tilespmem:v31+s26+$0x0], $0xffff  }
0x1e6: {  	s16 =	simm.s32 $0x4;
	s30 =	simm.s32 $0x280;
	[tilespmem:s21+$0x70] =	vst v18;
	v31 =	vadd.s32 v15, v28;
	v34 =	vld.idx.msk [tilespmem:v61+s26+$0x0], $0xffff;
	s0 =	sand.u32 $0xC00, s19  }
0x1e7: {  	v62 =	vor.u32 v1, v23;
	v18 =	vmov s16;
	s10 =	sand.u32 $0x280, s30;
	v24 =	vld.idx.msk [tilespmem:v24+s26+$0x0], $0xffff;
	[tilespmem:s9+$0xFFFFF000] =	vst v32;
	s0 =	sadd.s32 $0xBF00, s0  }
0x1e8: {  	v43 =	vor.u32 v1, v22;
	v19 =	vmul.u32 $0x3E8, v18;
	v48 =	vld.idx.msk [tilespmem:v42+s3+$0x0], $0xffff;
	s10 =	sadd.s32 s10, s0  }
0x1e9: {  	v44 =	vor.u32 v1, v16;
	v46 =	vld.idx.msk [tilespmem:v63+s3+$0x0], $0xffff;
	[tilespmem:s10+$0x0] =	vst v33  }
0x1ea: {  	v45 =	vadd.s32 v15, v19;
	v55 =	vld.idx.msk [tilespmem:v50+s3+$0x0], $0xffff  }
0x1eb: {  	v51 =	vadd.s32 v13, v25;
	v31 =	vld.idx.msk [tilespmem:v31+s3+$0x0], $0xffff;
	[tilespmem:s9+$0x180] =	vst v30  }
0x1ec: {  	v49 =	vadd.s32 v14, v29;
	s21 =	simm.s32 $0x380;
	[tilespmem:s9+$0x80] =	vst v34;
	v30 =	vld.idx.msk [tilespmem:v62+s26+$0x0], $0xffff  }
0x1ed: {  	v58 =	vadd.s32 v13, v26;
	s2 =	sand.u32 $0x380, s21;
	[tilespmem:s9+$0x100] =	vst v24;
	v38 =	vld.idx.msk [tilespmem:v43+s26+$0x0], $0xffff  }
0x1ee: {  	s11 =	simm.s32 $0x300;
	v47 =	vor.u32 v2, v23;
	s15 =	sadd.s32 s2, s0;
	v39 =	vld.idx.msk [tilespmem:v44+s26+$0x0], $0xffff;
	[tilespmem:s9+$0xFFFFF010] =	vst v48  }
0x1ef: {  	v41 =	vadd.s32 v14, v28;
	s16 =	sand.u32 $0x300, s11;
	v24 =	vld.idx.msk [tilespmem:v45+s3+$0x0], $0xffff;
	[tilespmem:s15+$0x0] =	vst v46  }
0x1f0: {  	v54 =	vor.u32 v2, v16;
	s2 =	sadd.s32 s16, s0;
	v35 =	vld.idx.msk [tilespmem:v51+s3+$0x0], $0xffff;
	[tilespmem:s10+$0x10] =	vst v55  }
0x1f1: {  	v60 =	vadd.s32 v12, v25;
	v53 =	vld.idx.msk [tilespmem:v49+s3+$0x0], $0xffff;
	[tilespmem:s2+$0x0] =	vst v31  }
0x1f2: {  	v34 =	vld.idx.msk [tilespmem:v58+s3+$0x0], $0xffff;
	[tilespmem:s9+$0x190] =	vst v30;
	v30 =	vor.u32 v2, v22  }
0x1f3: {  	v45 =	vadd.s32 v12, v26;
	[tilespmem:s9+$0x90] =	vst v38;
	v52 =	vld.idx.msk [tilespmem:v47+s26+$0x0], $0xffff  }
0x1f4: {  	v31 =	vor.u32 v3, v23;
	v56 =	vld.idx.msk [tilespmem:v41+s3+$0x0], $0xffff;
	[tilespmem:s9+$0x110] =	vst v39  }
0x1f5: {  	v57 =	vadd.s32 v13, v29;
	v36 =	vld.idx.msk [tilespmem:v54+s26+$0x0], $0xffff;
	[tilespmem:s9+$0xFFFFF020] =	vst v35  }
0x1f6: {  	v59 =	vadd.s32 v13, v28;
	[tilespmem:s15+$0x10] =	vst v53;
	v39 =	vld.idx.msk [tilespmem:v60+s3+$0x0], $0xffff  }
0x1f7: {  	v46 =	vadd.s32 v11, v25;
	[tilespmem:s10+$0x20] =	vst v34;
	v30 =	vld.idx.msk [tilespmem:v30+s26+$0x0], $0xffff  }
0x1f8: {  	v61 =	vor.u32 v3, v22;
	v35 =	vld.idx.msk [tilespmem:v45+s3+$0x0], $0xffff;
	[tilespmem:s9+$0x1A0] =	vst v52  }
0x1f9: {  	v51 =	vadd.s32 v11, v26;
	[tilespmem:s2+$0x10] =	vst v56;
	v31 =	vld.idx.msk [tilespmem:v31+s26+$0x0], $0xffff  }
0x1fa: {  	v63 =	vor.u32 v4, v23;
	v33 =	vld.idx.msk [tilespmem:v57+s3+$0x0], $0xffff;
	[tilespmem:s9+$0x120] =	vst v36  }
0x1fb: {  	v44 =	vadd.s32 v12, v29;
	v38 =	vld.idx.msk [tilespmem:v59+s3+$0x0], $0xffff;
	[tilespmem:s9+$0xFFFFF030] =	vst v39  }
0x1fc: {  	v62 =	vor.u32 v3, v16;
	v36 =	vld.idx.msk [tilespmem:v46+s3+$0x0], $0xffff;
	[tilespmem:s9+$0xA0] =	vst v30  }
0x1fd: {  	v30 =	vadd.s32 v12, v28;
	[tilespmem:s10+$0x30] =	vst v35;
	v32 =	vld.idx.msk [tilespmem:v61+s26+$0x0], $0xffff  }
0x1fe: {  	v53 =	vadd.s32 v10, v25;
	v39 =	vld.idx.msk [tilespmem:v51+s3+$0x0], $0xffff;
	[tilespmem:s9+$0x1B0] =	vst v31  }
0x1ff: {  	v58 =	vadd.s32 v10, v26;
	[tilespmem:s15+$0x20] =	vst v33;
	v31 =	vld.idx.msk [tilespmem:v63+s26+$0x0], $0xffff  }
0x200: {  	v49 =	vor.u32 v5, v23;
	v48 =	vld.idx.msk [tilespmem:v44+s3+$0x0], $0xffff;
	[tilespmem:s2+$0x20] =	vst v38  }
0x201: {  	v50 =	vadd.s32 v11, v29;
	v37 =	vld.idx.msk [tilespmem:v62+s26+$0x0], $0xffff;
	[tilespmem:s9+$0xFFFFF040] =	vst v36  }
0x202: {  	v47 =	vor.u32 v4, v22;
	v30 =	vld.idx.msk [tilespmem:v30+s3+$0x0], $0xffff;
	[tilespmem:s9+$0xB0] =	vst v32  }
0x203: {  	v52 =	vadd.s32 v11, v28;
	v32 =	vld.idx.msk [tilespmem:v53+s3+$0x0], $0xffff;
	[tilespmem:s10+$0x40] =	vst v39  }
0x204: {  	v36 =	vld.idx.msk [tilespmem:v58+s3+$0x0], $0xffff;
	[tilespmem:s9+$0x1C0] =	vst v31;
	v31 =	vor.u32 v4, v16  }
0x205: {  	v46 =	vadd.s32 v9, v26;
	[tilespmem:s15+$0x30] =	vst v48;
	v54 =	vld.idx.msk [tilespmem:v49+s26+$0x0], $0xffff  }
0x206: {  	v56 =	vor.u32 v6, v23;
	[tilespmem:s9+$0x130] =	vst v37;
	v55 =	vld.idx.msk [tilespmem:v50+s3+$0x0], $0xffff  }
0x207: {  	v33 =	vld.idx.msk [tilespmem:v47+s26+$0x0], $0xffff;
	[tilespmem:s2+$0x30] =	vst v30;
	v30 =	vadd.s32 v10, v29  }
0x208: {  	v60 =	vadd.s32 v9, v25;
	v57 =	vld.idx.msk [tilespmem:v52+s3+$0x0], $0xffff;
	[tilespmem:s9+$0xFFFFF050] =	vst v32  }
0x209: {  	v59 =	vadd.s32 v10, v28;
	[tilespmem:s10+$0x50] =	vst v36;
	v31 =	vld.idx.msk [tilespmem:v31+s26+$0x0], $0xffff  }
0x20a: {  	v61 =	vor.u32 v5, v22;
	v32 =	vld.idx.msk [tilespmem:v46+s3+$0x0], $0xffff;
	[tilespmem:s9+$0x1D0] =	vst v54  }
0x20b: {  	v63 =	vor.u32 v5, v16;
	[tilespmem:s15+$0x40] =	vst v55;
	v62 =	vld.idx.msk [tilespmem:v56+s26+$0x0], $0xffff  }
0x20c: {  	v26 =	vadd.s32 v8, v26;
	[tilespmem:s9+$0xC0] =	vst v33;
	v30 =	vld.idx.msk [tilespmem:v30+s3+$0x0], $0xffff  }
0x20d: {  	v44 =	vor.u32 v7, v23;
	v41 =	vld.idx.msk [tilespmem:v60+s3+$0x0], $0xffff;
	[tilespmem:s2+$0x40] =	vst v57  }
0x20e: {  	s19 =	simm.s32 $0x9;
	v45 =	vadd.s32 v9, v29;
	v37 =	vld.idx.msk [tilespmem:v59+s3+$0x0], $0xffff;
	[tilespmem:s9+$0x140] =	vst v31  }
0x20f: {  	v23 =	vmov s19;
	v47 =	vadd.s32 v9, v28;
	v34 =	vld.idx.msk [tilespmem:v61+s26+$0x0], $0xffff;
	[tilespmem:s10+$0x60] =	vst v32  }
0x210: {  	v31 =	vadd.s32 v8, v25;
	v25 =	vmul.u32 $0x3E8, v23;
	v38 =	vld.idx.msk [tilespmem:v63+s26+$0x0], $0xffff;
	[tilespmem:s9+$0x1E0] =	vst v62  }
0x211: {  	v54 =	vld.idx.msk [tilespmem:v26+s3+$0x0], $0xffff;
	[tilespmem:s15+$0x50] =	vst v30;
	v30 =	vor.u32 v6, v22  }
0x212: {  	v49 =	vadd.s32 v15, v25;
	v35 =	vld.idx.msk [tilespmem:v44+s26+$0x0], $0xffff  }
0x213: {  	v52 =	vor.u32 v6, v16;
	v48 =	vld.idx.msk [tilespmem:v45+s3+$0x0], $0xffff;
	[tilespmem:s2+$0x50] =	vst v37  }
0x214: {  	v29 =	vadd.s32 v8, v29;
	[tilespmem:s9+$0xFFFFF060] =	vst v41;
	v26 =	vand.u32 $0x1D, v17;
	v33 =	vld.idx.msk [tilespmem:v47+s3+$0x0], $0xffff  }
0x215: {  	s11 =	simm.s32 $0xD100;
	[tilespmem:s9+$0xD0] =	vst v34;
	v55 =	vor.u32 v0, v26;
	v31 =	vld.idx.msk [tilespmem:v31+s3+$0x0], $0xffff  }
0x216: {  	v21 =	vand.u32 $0x1C, v21;
	[tilespmem:s11+$0xFFFFF000] =	vst v24;
	v28 =	vadd.s32 v8, v28;
	v51 =	vld.idx.msk [tilespmem:v30+s26+$0x0], $0xffff  }
0x217: {  	v50 =	vor.u32 v0, v21;
	[tilespmem:s9+$0x150] =	vst v38;
	v39 =	vld.idx.msk [tilespmem:v49+s3+$0x0], $0xffff  }
0x218: {  	v61 =	vadd.s32 v14, v19;
	v36 =	vld.idx.msk [tilespmem:v52+s26+$0x0], $0xffff;
	[tilespmem:s15+$0x60] =	vst v48  }
0x219: {  	v22 =	vor.u32 v7, v22;
	[tilespmem:s10+$0x70] =	vst v54;
	v30 =	vand.u32 $0x1F, v27;
	v53 =	vld.idx.msk [tilespmem:v29+s3+$0x0], $0xffff  }
0x21a: {  	v41 =	vld.idx.msk [tilespmem:v55+s26+$0x0], $0xffff;
	v17 =	vor.u32 v0, v30;
	[tilespmem:s2+$0x60] =	vst v33  }
0x21b: {  	s21 =	simm.s32 $0xA;
	v16 =	vor.u32 v7, v16;
	[tilespmem:s9+$0xFFFFF070] =	vst v31;
	v33 =	vld.idx.msk [tilespmem:v28+s3+$0x0], $0xffff;
	v28 =	vand.u32 $0x1E, v20  }
0x21c: {  	v29 =	vmov s21;
	v20 =	vld.idx.msk [tilespmem:v50+s26+$0x0], $0xffff;
	v56 =	vor.u32 v0, v28;
	[tilespmem:s9+$0xE0] =	vst v51  }
0x21d: {  	s30 =	simm.s32 $0xB;
	v57 =	vor.u32 v1, v21;
	v27 =	vmul.u32 $0x3E8, v29;
	[tilespmem:s9+$0x160] =	vst v36;
	v36 =	vld.idx.msk [tilespmem:v61+s3+$0x0], $0xffff  }
0x21e: {  	v42 =	vor.u32 v1, v26;
	v31 =	vmov s30;
	v22 =	vld.idx.msk [tilespmem:v22+s26+$0x0], $0xffff;
	[tilespmem:s15+$0x70] =	vst v53  }
0x21f: {  	[tilespmem:s9+$0x1F0] =	vst v35;
	v32 =	vmul.u32 $0x3E8, v31;
	v59 =	vadd.s32 v15, v27;
	v58 =	vld.idx.msk [tilespmem:v17+s26+$0x0], $0xffff  }
0x220: {  	v60 =	vor.u32 v1, v30;
	v62 =	vld.idx.msk [tilespmem:v16+s26+$0x0], $0xffff;
	[tilespmem:s2+$0x70] =	vst v33  }
0x221: {  	s10 =	simm.s32 $0x400;
	[tilespmem:s9+$0x0] =	vst v20;
	v20 =	vadd.s32 v15, v32;
	v34 =	vld.idx.msk [tilespmem:v56+s26+$0x0], $0xffff  }
0x222: {  	v47 =	vadd.s32 v14, v25;
	s0 =	sand.u32 $0xC00, s10;
	[tilespmem:s11+$0x80] =	vst v41;
	s15 =	simm.s32 $0x480;
	s2 =	simm.s32 $0x8;
	v38 =	vld.idx.msk [tilespmem:v57+s26+$0x0], $0xffff  }
0x223: {  	s0 =	sadd.s32 $0xBF00, s0;
	v43 =	vor.u32 v1, v28;
	v41 =	vld.idx.msk [tilespmem:v42+s26+$0x0], $0xffff;
	v16 =	vmov s2;
	s2 =	sand.u32 $0x280, s15;
	[tilespmem:s9+$0xF0] =	vst v22  }
0x224: {  	v63 =	vor.u32 v2, v21;
	v40 =	vld.idx.msk [tilespmem:v59+s3+$0x0], $0xffff;
	s2 =	sadd.s32 s2, s0;
	[tilespmem:s11+$0x180] =	vst v58  }
0x225: {  	v49 =	vadd.s32 v14, v27;
	v17 =	vmul.u32 $0x3E8, v16;
	[tilespmem:s2+$0x0] =	vst v39;
	v22 =	vld.idx.msk [tilespmem:v60+s26+$0x0], $0xffff  }
0x226: {  	s19 =	simm.s32 $0x500;
	v50 =	vadd.s32 v13, v19;
	v20 =	vld.idx.msk [tilespmem:v20+s3+$0x0], $0xffff;
	[tilespmem:s11+$0x100] =	vst v34  }
0x227: {  	s15 =	sand.u32 $0x300, s19;
	v24 =	vadd.s32 v15, v17;
	[tilespmem:s9+$0x10] =	vst v38;
	v38 =	vld.idx.msk [tilespmem:v47+s3+$0x0], $0xffff  }
0x228: {  	v45 =	vor.u32 v2, v30;
	[tilespmem:s11+$0xFFFFF010] =	vst v36;
	s15 =	sadd.s32 s15, s0;
	v48 =	vld.idx.msk [tilespmem:v43+s26+$0x0], $0xffff  }
0x229: {  	v46 =	vadd.s32 v14, v32;
	[tilespmem:s15+$0x0] =	vst v40;
	v33 =	vld.idx.msk [tilespmem:v63+s26+$0x0], $0xffff  }
0x22a: {  	s12 =	simm.s32 $0x580;
	v54 =	vadd.s32 v13, v25;
	[tilespmem:s9+$0x170] =	vst v62;
	v35 =	vld.idx.msk [tilespmem:v49+s3+$0x0], $0xffff  }
0x22b: {  	s16 =	sand.u32 $0x380, s12;
	v51 =	vor.u32 v2, v28;
	[tilespmem:s11+$0x90] =	vst v41;
	v43 =	vld.idx.msk [tilespmem:v50+s3+$0x0], $0xffff  }
0x22c: {  	s10 =	sadd.s32 s16, s0;
	v55 =	vadd.s32 v13, v27;
	v24 =	vld.idx.msk [tilespmem:v24+s3+$0x0], $0xffff;
	[tilespmem:s11+$0x190] =	vst v22  }
0x22d: {  	v56 =	vadd.s32 v12, v19;
	[tilespmem:s10+$0x0] =	vst v20;
	v22 =	vld.idx.msk [tilespmem:v45+s26+$0x0], $0xffff  }
0x22e: {  	v20 =	vor.u32 v2, v26;
	v34 =	vld.idx.msk [tilespmem:v46+s3+$0x0], $0xffff;
	[tilespmem:s2+$0x10] =	vst v38  }
0x22f: {  	v52 =	vor.u32 v3, v30;
	[tilespmem:s11+$0x110] =	vst v48;
	v36 =	vld.idx.msk [tilespmem:v54+s3+$0x0], $0xffff  }
0x230: {  	v53 =	vadd.s32 v13, v32;
	[tilespmem:s15+$0x10] =	vst v35;
	v37 =	vld.idx.msk [tilespmem:v51+s26+$0x0], $0xffff  }
0x231: {  	v63 =	vadd.s32 v12, v25;
	[tilespmem:s11+$0xFFFFF020] =	vst v43;
	v61 =	vld.idx.msk [tilespmem:v55+s3+$0x0], $0xffff  }
0x232: {  	v59 =	vor.u32 v3, v28;
	[tilespmem:s9+$0x20] =	vst v33;
	v42 =	vld.idx.msk [tilespmem:v56+s3+$0x0], $0xffff  }
0x233: {  	v45 =	vadd.s32 v11, v19;
	v20 =	vld.idx.msk [tilespmem:v20+s26+$0x0], $0xffff;
	[tilespmem:s11+$0x1A0] =	vst v22  }
0x234: {  	[tilespmem:s10+$0x10] =	vst v34;
	v22 =	vor.u32 v3, v26;
	v57 =	vld.idx.msk [tilespmem:v52+s26+$0x0], $0xffff  }
0x235: {  	v60 =	vor.u32 v4, v30;
	v58 =	vld.idx.msk [tilespmem:v53+s3+$0x0], $0xffff;
	[tilespmem:s2+$0x20] =	vst v36  }
0x236: {  	v62 =	vadd.s32 v12, v32;
	[tilespmem:s11+$0x120] =	vst v37;
	v49 =	vld.idx.msk [tilespmem:v63+s3+$0x0], $0xffff  }
0x237: {  	v52 =	vadd.s32 v11, v25;
	[tilespmem:s11+$0xFFFFF030] =	vst v42;
	v39 =	vld.idx.msk [tilespmem:v59+s26+$0x0], $0xffff  }
0x238: {  	v37 =	vld.idx.msk [tilespmem:v45+s3+$0x0], $0xffff;
	[tilespmem:s11+$0xA0] =	vst v20;
	v20 =	vadd.s32 v12, v27  }
0x239: {  	v54 =	vadd.s32 v10, v19;
	v22 =	vld.idx.msk [tilespmem:v22+s26+$0x0], $0xffff;
	[tilespmem:s11+$0x1B0] =	vst v57  }
0x23a: {  	v46 =	vor.u32 v3, v21;
	[tilespmem:s10+$0x20] =	vst v58;
	v34 =	vld.idx.msk [tilespmem:v60+s26+$0x0], $0xffff  }
0x23b: {  	v48 =	vor.u32 v4, v26;
	v47 =	vld.idx.msk [tilespmem:v62+s3+$0x0], $0xffff;
	[tilespmem:s2+$0x30] =	vst v49  }
0x23c: {  	v55 =	vor.u32 v4, v28;
	[tilespmem:s15+$0x20] =	vst v61;
	v42 =	vld.idx.msk [tilespmem:v52+s3+$0x0], $0xffff  }
0x23d: {  	v50 =	vor.u32 v5, v30;
	[tilespmem:s11+$0xFFFFF040] =	vst v37;
	v20 =	vld.idx.msk [tilespmem:v20+s3+$0x0], $0xffff  }
0x23e: {  	v51 =	vadd.s32 v11, v32;
	[tilespmem:s11+$0x130] =	vst v39;
	v35 =	vld.idx.msk [tilespmem:v54+s3+$0x0], $0xffff  }
0x23f: {  	v60 =	vadd.s32 v10, v25;
	[tilespmem:s11+$0xB0] =	vst v22;
	v22 =	vld.idx.msk [tilespmem:v46+s26+$0x0], $0xffff  }
0x240: {  	v53 =	vadd.s32 v11, v27;
	v38 =	vld.idx.msk [tilespmem:v48+s26+$0x0], $0xffff;
	[tilespmem:s11+$0x1C0] =	vst v34  }
0x241: {  	v58 =	vor.u32 v4, v21;
	[tilespmem:s10+$0x30] =	vst v47;
	v34 =	vld.idx.msk [tilespmem:v55+s26+$0x0], $0xffff  }
0x242: {  	v63 =	vor.u32 v5, v26;
	v56 =	vld.idx.msk [tilespmem:v50+s26+$0x0], $0xffff;
	[tilespmem:s2+$0x40] =	vst v42  }
0x243: {  	v57 =	vld.idx.msk [tilespmem:v51+s3+$0x0], $0xffff;
	v50 =	vor.u32 v5, v28;
	[tilespmem:s15+$0x30] =	vst v20  }
0x244: {  	v20 =	vor.u32 v6, v30;
	v37 =	vld.idx.msk [tilespmem:v60+s3+$0x0], $0xffff;
	[tilespmem:s11+$0xFFFFF050] =	vst v35  }
0x245: {  	v59 =	vadd.s32 v10, v32;
	v33 =	vld.idx.msk [tilespmem:v53+s3+$0x0], $0xffff;
	[tilespmem:s9+$0x30] =	vst v22  }
0x246: {  	v22 =	vadd.s32 v9, v19;
	v62 =	vld.idx.msk [tilespmem:v58+s26+$0x0], $0xffff;
	[tilespmem:s11+$0xC0] =	vst v38  }
0x247: {  	v61 =	vadd.s32 v10, v27;
	v40 =	vld.idx.msk [tilespmem:v63+s26+$0x0], $0xffff;
	[tilespmem:s11+$0x140] =	vst v34  }
0x248: {  	v52 =	vadd.s32 v9, v25;
	[tilespmem:s11+$0x1D0] =	vst v56;
	v34 =	vld.idx.msk [tilespmem:v50+s26+$0x0], $0xffff  }
0x249: {  	v54 =	vor.u32 v5, v21;
	[tilespmem:s10+$0x40] =	vst v57;
	v48 =	vld.idx.msk [tilespmem:v20+s26+$0x0], $0xffff  }
0x24a: {  	v56 =	vor.u32 v6, v26;
	v49 =	vld.idx.msk [tilespmem:v59+s3+$0x0], $0xffff;
	[tilespmem:s2+$0x50] =	vst v37  }
0x24b: {  	v51 =	vadd.s32 v9, v32;
	[tilespmem:s15+$0x40] =	vst v33;
	v44 =	vld.idx.msk [tilespmem:v22+s3+$0x0], $0xffff  }
0x24c: {  	v19 =	vadd.s32 v8, v19;
	v33 =	vld.idx.msk [tilespmem:v61+s3+$0x0], $0xffff;
	[tilespmem:s9+$0x40] =	vst v62  }
0x24d: {  	v53 =	vadd.s32 v9, v27;
	v35 =	vld.idx.msk [tilespmem:v52+s3+$0x0], $0xffff;
	[tilespmem:s11+$0xD0] =	vst v40  }
0x24e: {  	v30 =	vor.u32 v7, v30;
	v59 =	vld.idx.msk [tilespmem:v54+s26+$0x0], $0xffff;
	[tilespmem:s11+$0x150] =	vst v34  }
0x24f: {  	v25 =	vadd.s32 v8, v25;
	v39 =	vld.idx.msk [tilespmem:v56+s26+$0x0], $0xffff;
	[tilespmem:s10+$0x50] =	vst v49  }
0x250: {  	v62 =	vor.u32 v6, v21;
	v55 =	vld.idx.msk [tilespmem:v51+s3+$0x0], $0xffff;
	[tilespmem:s11+$0xFFFFF060] =	vst v44  }
0x251: {  	v32 =	vadd.s32 v8, v32;
	v58 =	vadd.s32 v8, v27;
	v27 =	vand.u32 $0x1C, v18;
	[tilespmem:s15+$0x50] =	vst v33;
	v19 =	vld.idx.msk [tilespmem:v19+s3+$0x0], $0xffff  }
0x252: {  	s21 =	simm.s32 $0xD;
	v18 =	vor.u32 v0, v27;
	[tilespmem:s11+$0x1E0] =	vst v48;
	v38 =	vld.idx.msk [tilespmem:v53+s3+$0x0], $0xffff  }
0x253: {  	v20 =	vmov s21;
	v30 =	vld.idx.msk [tilespmem:v30+s26+$0x0], $0xffff;
	[tilespmem:s2+$0x60] =	vst v35  }
0x254: {  	v63 =	vor.u32 v7, v26;
	v22 =	vmul.u32 $0x3E8, v20;
	v33 =	vld.idx.msk [tilespmem:v25+s3+$0x0], $0xffff;
	[tilespmem:s9+$0x50] =	vst v59  }
0x255: {  	v60 =	vor.u32 v6, v28;
	v34 =	vld.idx.msk [tilespmem:v62+s26+$0x0], $0xffff;
	[tilespmem:s10+$0x60] =	vst v55  }
0x256: {  	v26 =	vand.u32 $0x1F, v31;
	v57 =	vadd.s32 v15, v22;
	v61 =	vld.idx.msk [tilespmem:v32+s3+$0x0], $0xffff;
	[tilespmem:s11+$0xFFFFF070] =	vst v19  }
0x257: {  	v36 =	vor.u32 v0, v26;
	v19 =	vand.u32 $0x1D, v23;
	[tilespmem:s15+$0x60] =	vst v38;
	v31 =	vld.idx.msk [tilespmem:v18+s26+$0x0], $0xffff  }
0x258: {  	[tilespmem:s11+$0xE0] =	vst v39;
	v18 =	vand.u32 $0x1E, v29;
	v35 =	vor.u32 v0, v19;
	v32 =	vld.idx.msk [tilespmem:v58+s3+$0x0], $0xffff  }
0x259: {  	s30 =	simm.s32 $0xE;
	v39 =	vld.idx.msk [tilespmem:v63+s26+$0x0], $0xffff;
	v37 =	vor.u32 v0, v18  }
0x25a: {  	s16 =	simm.s32 $0xC;
	[tilespmem:s11+$0x1F0] =	vst v30;
	v23 =	vmov s30;
	v29 =	vld.idx.msk [tilespmem:v60+s26+$0x0], $0xffff;
	v38 =	vor.u32 v1, v27  }
0x25b: {  	s19 =	simm.s32 $0x10;
	s0 =	simm.s32 $0xF;
	v40 =	vor.u32 v7, v28;
	v30 =	vld.idx.msk [tilespmem:v57+s3+$0x0], $0xffff;
	v25 =	vmul.u32 $0x3E8, v23;
	[tilespmem:s10+$0x70] =	vst v61;
	s10 =	simm.s32 $0xD100  }
.LBB2_5:
0x25c: {  	p0 =	slt.u32 s19, $0x1C;
	v28 =	vmov s0;
	[tilespmem:s2+$0x70] =	vst v33;
	v33 =	vld.idx.msk [tilespmem:v36+s26+$0x0], $0xffff;
	v36 =	vor.u32 v7, v21;
	v21 =	vmov v27  }
0x25d: {  	v41 =	vadd.s32 v15, v25;
	v27 =	vmul.u32 $0x3E8, v28;
	v35 =	vld.idx.msk [tilespmem:v35+s26+$0x0], $0xffff;
	[tilespmem:s15+$0x70] =	vst v32  }
0x25e: {  	v32 =	vld.idx.msk [tilespmem:v37+s26+$0x0], $0xffff;
	v37 =	vor.u32 v1, v26;
	[tilespmem:s11+$0x0] =	vst v31  }
0x25f: {  	v42 =	vadd.s32 v15, v27;
	v38 =	vld.idx.msk [tilespmem:v38+s26+$0x0], $0xffff;
	[tilespmem:s11+$0x160] =	vst v29  }
0x260: {  	v43 =	vadd.s32 v14, v17;
	v40 =	vld.idx.msk [tilespmem:v40+s26+$0x0], $0xffff;
	[tilespmem:s9+$0x60] =	vst v34  }
0x261: {  	v29 =	vmov s16;
	s11 =	sadd.s32 $0x200, s11;
	s16 =	smov.u32 s19;
	v34 =	vor.u32 v1, v19;
	[tilespmem:s10+$0xF0] =	vst v39;
	v36 =	vld.idx.msk [tilespmem:v36+s26+$0x0], $0xffff  }
0x262: {  	v31 =	vmul.u32 $0x3E8, v29;
	v39 =	vld.idx.msk [tilespmem:v41+s3+$0x0], $0xffff;
	v41 =	vor.u32 v1, v18;
	[tilespmem:s11+$0x180] =	vst v33  }
0x263: {  	[tilespmem:s11+$0xFFFFF000] =	vst v24;
	v33 =	vld.idx.msk [tilespmem:v37+s26+$0x0], $0xffff;
	v24 =	vor.u32 v2, v21  }
0x264: {  	v37 =	vadd.s32 v15, v31;
	v42 =	vld.idx.msk [tilespmem:v42+s3+$0x0], $0xffff;
	[tilespmem:s11+$0x80] =	vst v35  }
0x265: {  	s12 =	sadd.s32 $0x200, s12;
	v35 =	vld.idx.msk [tilespmem:v43+s3+$0x0], $0xffff;
	[tilespmem:s11+$0x100] =	vst v32;
	v32 =	vor.u32 v2, v26  }
0x266: {  	s0 =	sadd.s32 $0xFFFFFE80, s12;
	s2 =	sadd.s32 $0xFFFFFF00, s12;
	s15 =	sadd.s32 $0xFFFFFF80, s12;
	v43 =	vadd.s32 v14, v27;
	v34 =	vld.idx.msk [tilespmem:v34+s26+$0x0], $0xffff;
	[tilespmem:s10+$0x10] =	vst v38  }
0x267: {  	s0 =	sand.u32 $0xC00, s0;
	s2 =	sand.u32 $0x280, s2;
	s15 =	sand.u32 $0x300, s15;
	v38 =	vadd.s32 v14, v22;
	v41 =	vld.idx.msk [tilespmem:v41+s26+$0x0], $0xffff;
	[tilespmem:s10+$0x170] =	vst v40  }
0x268: {  	s21 =	sand.u32 $0x380, s12;
	s0 =	sadd.s32 $0xBF00, s0;
	v40 =	vadd.s32 v14, v25;
	v44 =	vld.idx.msk [tilespmem:v24+s26+$0x0], $0xffff;
	[tilespmem:s9+$0x70] =	vst v36;
	s9 =	smov.u32 s10  }
0x269: {  	s2 =	sadd.s32 s2, s0;
	s15 =	sadd.s32 s15, s0;
	s21 =	sadd.s32 s21, s0;
	v36 =	vadd.s32 v13, v17;
	v24 =	vld.idx.msk [tilespmem:v37+s3+$0x0], $0xffff;
	[tilespmem:s11+$0x190] =	vst v33  }
0x26a: {  	s10 =	smov.u32 s11;
	v33 =	vor.u32 v2, v19;
	[tilespmem:s21+$0x0] =	vst v42;
	v32 =	vld.idx.msk [tilespmem:v32+s26+$0x0], $0xffff  }
0x26b: {  	v37 =	vor.u32 v2, v18;
	[tilespmem:s2+$0x0] =	vst v30;
	v30 =	vld.idx.msk [tilespmem:v43+s3+$0x0], $0xffff  }
0x26c: {  	v38 =	vld.idx.msk [tilespmem:v38+s3+$0x0], $0xffff;
	[tilespmem:s15+$0x0] =	vst v39;
	v39 =	vor.u32 v3, v26  }
0x26d: {  	v42 =	vadd.s32 v13, v27;
	v40 =	vld.idx.msk [tilespmem:v40+s3+$0x0], $0xffff;
	[tilespmem:s11+$0xFFFFF010] =	vst v35  }
0x26e: {  	v35 =	vadd.s32 v13, v22;
	v36 =	vld.idx.msk [tilespmem:v36+s3+$0x0], $0xffff;
	[tilespmem:s11+$0x90] =	vst v34  }
0x26f: {  	v34 =	vadd.s32 v13, v25;
	v33 =	vld.idx.msk [tilespmem:v33+s26+$0x0], $0xffff;
	[tilespmem:s11+$0x110] =	vst v41  }
0x270: {  	v41 =	vadd.s32 v12, v17;
	v37 =	vld.idx.msk [tilespmem:v37+s26+$0x0], $0xffff;
	[tilespmem:s11+$0x1A0] =	vst v32  }
0x271: {  	[tilespmem:s21+$0x10] =	vst v30;
	v30 =	vor.u32 v3, v19;
	v32 =	vld.idx.msk [tilespmem:v39+s26+$0x0], $0xffff  }
0x272: {  	v39 =	vor.u32 v3, v18;
	[tilespmem:s2+$0x10] =	vst v38;
	v38 =	vld.idx.msk [tilespmem:v42+s3+$0x0], $0xffff  }
0x273: {  	v35 =	vld.idx.msk [tilespmem:v35+s3+$0x0], $0xffff;
	[tilespmem:s15+$0x10] =	vst v40;
	v40 =	vor.u32 v4, v26  }
0x274: {  	v42 =	vadd.s32 v12, v27;
	v34 =	vld.idx.msk [tilespmem:v34+s3+$0x0], $0xffff;
	[tilespmem:s11+$0xFFFFF020] =	vst v36  }
0x275: {  	v36 =	vadd.s32 v12, v22;
	v41 =	vld.idx.msk [tilespmem:v41+s3+$0x0], $0xffff;
	[tilespmem:s11+$0xA0] =	vst v33  }
0x276: {  	v33 =	vadd.s32 v12, v25;
	v30 =	vld.idx.msk [tilespmem:v30+s26+$0x0], $0xffff;
	[tilespmem:s11+$0x120] =	vst v37  }
0x277: {  	v37 =	vadd.s32 v11, v17;
	v39 =	vld.idx.msk [tilespmem:v39+s26+$0x0], $0xffff;
	[tilespmem:s11+$0x1B0] =	vst v32  }
0x278: {  	[tilespmem:s21+$0x20] =	vst v38;
	v32 =	vld.idx.msk [tilespmem:v40+s26+$0x0], $0xffff;
	v38 =	vor.u32 v3, v21  }
0x279: {  	v40 =	vor.u32 v4, v19;
	[tilespmem:s2+$0x20] =	vst v35;
	v35 =	vld.idx.msk [tilespmem:v42+s3+$0x0], $0xffff  }
0x27a: {  	v36 =	vld.idx.msk [tilespmem:v36+s3+$0x0], $0xffff;
	[tilespmem:s15+$0x20] =	vst v34;
	v34 =	vor.u32 v5, v26  }
0x27b: {  	v42 =	vadd.s32 v11, v27;
	v33 =	vld.idx.msk [tilespmem:v33+s3+$0x0], $0xffff;
	[tilespmem:s11+$0xFFFFF030] =	vst v41  }
0x27c: {  	v41 =	vadd.s32 v11, v22;
	v37 =	vld.idx.msk [tilespmem:v37+s3+$0x0], $0xffff;
	[tilespmem:s9+$0x20] =	vst v44  }
0x27d: {  	v43 =	vadd.s32 v11, v25;
	[tilespmem:s11+$0xB0] =	vst v30;
	v30 =	vld.idx.msk [tilespmem:v38+s26+$0x0], $0xffff  }
0x27e: {  	v38 =	vadd.s32 v10, v17;
	v40 =	vld.idx.msk [tilespmem:v40+s26+$0x0], $0xffff;
	[tilespmem:s11+$0x1C0] =	vst v32  }
0x27f: {  	v32 =	vor.u32 v4, v18;
	[tilespmem:s21+$0x30] =	vst v35;
	v34 =	vld.idx.msk [tilespmem:v34+s26+$0x0], $0xffff  }
0x280: {  	[tilespmem:s2+$0x30] =	vst v36;
	v35 =	vld.idx.msk [tilespmem:v42+s3+$0x0], $0xffff;
	v36 =	vor.u32 v4, v21  }
0x281: {  	v41 =	vld.idx.msk [tilespmem:v41+s3+$0x0], $0xffff;
	[tilespmem:s15+$0x30] =	vst v33;
	v33 =	vor.u32 v6, v26  }
0x282: {  	v42 =	vld.idx.msk [tilespmem:v43+s3+$0x0], $0xffff;
	v43 =	vadd.s32 v10, v27;
	[tilespmem:s11+$0xFFFFF040] =	vst v37  }
0x283: {  	v37 =	vadd.s32 v10, v22;
	v38 =	vld.idx.msk [tilespmem:v38+s3+$0x0], $0xffff;
	[tilespmem:s11+$0x130] =	vst v39  }
0x284: {  	v39 =	vadd.s32 v10, v25;
	v32 =	vld.idx.msk [tilespmem:v32+s26+$0x0], $0xffff;
	[tilespmem:s9+$0x30] =	vst v30  }
0x285: {  	v30 =	vadd.s32 v9, v17;
	[tilespmem:s11+$0x1D0] =	vst v34;
	v34 =	vld.idx.msk [tilespmem:v36+s26+$0x0], $0xffff  }
0x286: {  	[tilespmem:s21+$0x40] =	vst v35;
	v35 =	vor.u32 v5, v19;
	v33 =	vld.idx.msk [tilespmem:v33+s26+$0x0], $0xffff  }
0x287: {  	[tilespmem:s2+$0x40] =	vst v41;
	v36 =	vld.idx.msk [tilespmem:v43+s3+$0x0], $0xffff;
	v41 =	vor.u32 v5, v18  }
0x288: {  	v26 =	vor.u32 v7, v26;
	v37 =	vld.idx.msk [tilespmem:v37+s3+$0x0], $0xffff;
	[tilespmem:s15+$0x40] =	vst v42  }
0x289: {  	v42 =	vadd.s32 v9, v27;
	v39 =	vld.idx.msk [tilespmem:v39+s3+$0x0], $0xffff;
	[tilespmem:s11+$0xFFFFF050] =	vst v38  }
0x28a: {  	v38 =	vadd.s32 v9, v22;
	v30 =	vld.idx.msk [tilespmem:v30+s3+$0x0], $0xffff;
	[tilespmem:s11+$0xC0] =	vst v40  }
0x28b: {  	s0 =	sadd.s32 $0x1, s19;
	v40 =	vadd.s32 v9, v25;
	v35 =	vld.idx.msk [tilespmem:v35+s26+$0x0], $0xffff;
	[tilespmem:s11+$0x140] =	vst v32  }
0x28c: {  	v43 =	vmov s0;
	v32 =	vadd.s32 v8, v17;
	v17 =	vmov v31;
	v41 =	vld.idx.msk [tilespmem:v41+s26+$0x0], $0xffff;
	[tilespmem:s11+$0x1E0] =	vst v33  }
0x28d: {  	v31 =	vmul.u32 $0x3E8, v43;
	v33 =	vor.u32 v5, v21;
	[tilespmem:s21+$0x50] =	vst v36;
	v26 =	vld.idx.msk [tilespmem:v26+s26+$0x0], $0xffff  }
0x28e: {  	[tilespmem:s2+$0x50] =	vst v37;
	v36 =	vld.idx.msk [tilespmem:v42+s3+$0x0], $0xffff;
	v37 =	vor.u32 v6, v19  }
0x28f: {  	v42 =	vadd.s32 v15, v31;
	v38 =	vld.idx.msk [tilespmem:v38+s3+$0x0], $0xffff;
	[tilespmem:s15+$0x50] =	vst v39  }
0x290: {  	v39 =	vld.idx.msk [tilespmem:v40+s3+$0x0], $0xffff;
	v40 =	vadd.s32 v8, v27;
	[tilespmem:s11+$0xFFFFF060] =	vst v30  }
0x291: {  	v44 =	vadd.s32 v8, v22;
	v22 =	vmov v31;
	v45 =	vld.idx.msk [tilespmem:v32+s3+$0x0], $0xffff;
	[tilespmem:s9+$0x40] =	vst v34  }
0x292: {  	v25 =	vadd.s32 v8, v25;
	v27 =	vand.u32 $0x1C, v16;
	v16 =	vmov v29;
	[tilespmem:s11+$0xD0] =	vst v35;
	v34 =	vld.idx.msk [tilespmem:v33+s26+$0x0], $0xffff  }
0x293: {  	v29 =	vor.u32 v0, v27;
	v46 =	vld.idx.msk [tilespmem:v37+s26+$0x0], $0xffff;
	[tilespmem:s11+$0x1F0] =	vst v26  }
0x294: {  	v30 =	vld.idx.msk [tilespmem:v42+s3+$0x0], $0xffff;
	[tilespmem:s21+$0x60] =	vst v36;
	v42 =	vor.u32 v6, v18  }
0x295: {  	v47 =	vor.u32 v6, v21;
	[tilespmem:s2+$0x60] =	vst v38;
	v40 =	vld.idx.msk [tilespmem:v40+s3+$0x0], $0xffff  }
0x296: {  	v26 =	vand.u32 $0x1F, v28;
	v28 =	vor.u32 v7, v19;
	v33 =	vld.idx.msk [tilespmem:v44+s3+$0x0], $0xffff;
	[tilespmem:s15+$0x60] =	vst v39  }
.Ltmp1:
0x297: {  	v19 =	vand.u32 $0x1D, v20;
	v20 =	vmov v43;
	v36 =	vor.u32 v0, v26;
	v32 =	vld.idx.msk [tilespmem:v25+s3+$0x0], $0xffff;
	[tilespmem:s11+$0xFFFFF070] =	vst v45;
	(pc) =	sbr.rel @p0 .LBB2_5-.Ltmp1, $4  }
0x298: {  	v43 =	vand.u32 $0x1E, v23;
	v35 =	vor.u32 v0, v19;
	v31 =	vld.idx.msk [tilespmem:v29+s26+$0x0], $0xffff;
	[tilespmem:s11+$0x150] =	vst v41  }
0x299: {  	s0 =	sadd.s32 $0x2, s19;
	v37 =	vor.u32 v0, v43;
	v29 =	vld.idx.msk [tilespmem:v42+s26+$0x0], $0xffff;
	[tilespmem:s9+$0x50] =	vst v34  }
0x29a: {  	v23 =	vmov s0;
	v38 =	vor.u32 v1, v27;
	[tilespmem:s11+$0xE0] =	vst v46;
	v34 =	vld.idx.msk [tilespmem:v47+s26+$0x0], $0xffff  }
0x29b: {  	s19 =	sadd.s32 $0x4, s19;
	s0 =	sadd.s32 $0x3, s16;
	v25 =	vmul.u32 $0x3E8, v23;
	[tilespmem:s21+$0x70] =	vst v40;
	v39 =	vld.idx.msk [tilespmem:v28+s26+$0x0], $0xffff;
	v40 =	vor.u32 v7, v18;
	v18 =	vmov v43  }
0x29c: {  	_ =	sdelay $0x1  }
0x29d: {  	[tilespmem:s2+$0x70] =	vst v33  }
0x29e: {  	[tilespmem:s15+$0x70] =	vst v32  }
0x29f: {  	v57 =	vld.idx.msk [tilespmem:v36+s26+$0x0], $0xffff;
	s2 =	sadd.s32 $0x200, s11;
	[tilespmem:s11+$0x0] =	vst v31  }
0x2a0: {  	v58 =	vor.u32 v7, v21;
	s15 =	sadd.s32 $0x200, s12;
	[tilespmem:s2+$0xFFFFF000] =	vst v24  }
0x2a1: {  	v43 =	vadd.s32 v14, v17;
	v59 =	vld.idx.msk [tilespmem:v35+s26+$0x0], $0xffff;
	s19 =	sadd.s32 $0xFFFFFE80, s15;
	[tilespmem:s11+$0x160] =	vst v29  }
0x2a2: {  	v60 =	vor.u32 v1, v26;
	v61 =	vld.idx.msk [tilespmem:v37+s26+$0x0], $0xffff;
	s12 =	sadd.s32 $0xFFFFFF00, s15;
	s11 =	sand.u32 $0xC00, s19;
	[tilespmem:s9+$0x60] =	vst v34  }
0x2a3: {  	v41 =	vadd.s32 v15, v25;
	v63 =	vld.idx.msk [tilespmem:v38+s26+$0x0], $0xffff;
	s12 =	sand.u32 $0x280, s12;
	s21 =	sadd.s32 $0xBF00, s11;
	[tilespmem:s10+$0xF0] =	vst v39  }
0x2a4: {  	v28 =	vmov s0;
	v49 =	vadd.s32 v14, v22;
	v42 =	vld.idx.msk [tilespmem:v40+s26+$0x0], $0xffff;
	s12 =	sadd.s32 s12, s21;
	[tilespmem:s2+$0x180] =	vst v57  }
0x2a5: {  	v44 =	vor.u32 v1, v19;
	v21 =	vmul.u32 $0x3E8, v28;
	v32 =	vld.idx.msk [tilespmem:v58+s26+$0x0], $0xffff;
	[tilespmem:s12+$0x0] =	vst v30  }
0x2a6: {  	v45 =	vor.u32 v1, v18;
	v33 =	vld.idx.msk [tilespmem:v43+s3+$0x0], $0xffff;
	[tilespmem:s2+$0x80] =	vst v59  }
0x2a7: {  	v24 =	vmov s16;
	v62 =	vadd.s32 v15, v21;
	v35 =	vld.idx.msk [tilespmem:v60+s26+$0x0], $0xffff;
	[tilespmem:s2+$0x100] =	vst v61  }
0x2a8: {  	v29 =	vmul.u32 $0x3E8, v24;
	v43 =	vor.u32 v2, v27;
	v47 =	vld.idx.msk [tilespmem:v41+s3+$0x0], $0xffff;
	[tilespmem:s10+$0x10] =	vst v63  }
0x2a9: {  	v52 =	vadd.s32 v13, v17;
	v57 =	vld.idx.msk [tilespmem:v49+s3+$0x0], $0xffff;
	[tilespmem:s10+$0x170] =	vst v42  }
0x2aa: {  	s0 =	sadd.s32 $0xFFFFFF80, s15;
	v59 =	vadd.s32 v15, v29;
	v50 =	vld.idx.msk [tilespmem:v44+s26+$0x0], $0xffff;
	[tilespmem:s9+$0x70] =	vst v32  }
0x2ab: {  	v46 =	vor.u32 v2, v26;
	s0 =	sand.u32 $0x300, s0;
	v31 =	vld.idx.msk [tilespmem:v45+s26+$0x0], $0xffff;
	[tilespmem:s2+$0xFFFFF010] =	vst v33  }
0x2ac: {  	s30 =	sand.u32 $0x380, s15;
	v51 =	vadd.s32 v14, v25;
	s15 =	sadd.s32 s0, s21;
	v36 =	vld.idx.msk [tilespmem:v62+s3+$0x0], $0xffff;
	[tilespmem:s2+$0x190] =	vst v35  }
0x2ad: {  	v53 =	vor.u32 v2, v19;
	v34 =	vld.idx.msk [tilespmem:v43+s26+$0x0], $0xffff;
	[tilespmem:s15+$0x0] =	vst v47  }
0x2ae: {  	v56 =	vor.u32 v2, v18;
	v35 =	vld.idx.msk [tilespmem:v52+s3+$0x0], $0xffff;
	[tilespmem:s12+$0x10] =	vst v57  }
0x2af: {  	v62 =	vadd.s32 v13, v22;
	v15 =	vld.idx.msk [tilespmem:v59+s3+$0x0], $0xffff;
	[tilespmem:s2+$0x90] =	vst v50  }
0x2b0: {  	v48 =	vadd.s32 v14, v21;
	s11 =	sadd.s32 s30, s21;
	v54 =	vld.idx.msk [tilespmem:v46+s26+$0x0], $0xffff;
	[tilespmem:s2+$0x110] =	vst v31  }
0x2b1: {  	v42 =	vadd.s32 v12, v17;
	v60 =	vld.idx.msk [tilespmem:v51+s3+$0x0], $0xffff;
	[tilespmem:s11+$0x0] =	vst v36  }
0x2b2: {  	v44 =	vadd.s32 v14, v29;
	v36 =	vld.idx.msk [tilespmem:v53+s26+$0x0], $0xffff;
	[tilespmem:s10+$0x20] =	vst v34  }
0x2b3: {  	s16 =	sadd.s32 $0x200, s2;
	v58 =	vor.u32 v3, v26;
	v37 =	vld.idx.msk [tilespmem:v56+s26+$0x0], $0xffff;
	[tilespmem:s2+$0xFFFFF020] =	vst v35  }
0x2b4: {  	v63 =	vadd.s32 v13, v25;
	v31 =	vld.idx.msk [tilespmem:v62+s3+$0x0], $0xffff;
	[tilespmem:s16+$0xFFFFF000] =	vst v15  }
0x2b5: {  	v45 =	vor.u32 v3, v19;
	v55 =	vld.idx.msk [tilespmem:v48+s3+$0x0], $0xffff;
	[tilespmem:s2+$0x1A0] =	vst v54  }
0x2b6: {  	v49 =	vadd.s32 v12, v22;
	[tilespmem:s15+$0x10] =	vst v60;
	v30 =	vld.idx.msk [tilespmem:v42+s3+$0x0], $0xffff  }
0x2b7: {  	v61 =	vadd.s32 v13, v21;
	v14 =	vld.idx.msk [tilespmem:v44+s3+$0x0], $0xffff;
	[tilespmem:s2+$0xA0] =	vst v36  }
0x2b8: {  	v57 =	vor.u32 v3, v27;
	v38 =	vld.idx.msk [tilespmem:v58+s26+$0x0], $0xffff;
	[tilespmem:s2+$0x120] =	vst v37  }
0x2b9: {  	v52 =	vadd.s32 v13, v29;
	v47 =	vld.idx.msk [tilespmem:v63+s3+$0x0], $0xffff;
	[tilespmem:s12+$0x20] =	vst v31  }
0x2ba: {  	v53 =	vadd.s32 v11, v17;
	[tilespmem:s11+$0x10] =	vst v55;
	v51 =	vld.idx.msk [tilespmem:v45+s26+$0x0], $0xffff  }
0x2bb: {  	v46 =	vor.u32 v4, v26;
	v58 =	vld.idx.msk [tilespmem:v49+s3+$0x0], $0xffff;
	[tilespmem:s2+$0xFFFFF030] =	vst v30  }
0x2bc: {  	v50 =	vadd.s32 v12, v25;
	v32 =	vld.idx.msk [tilespmem:v61+s3+$0x0], $0xffff;
	[tilespmem:s16+$0xFFFFF010] =	vst v14  }
0x2bd: {  	v55 =	vor.u32 v3, v18;
	v30 =	vld.idx.msk [tilespmem:v57+s26+$0x0], $0xffff;
	[tilespmem:s2+$0x1B0] =	vst v38  }
0x2be: {  	v63 =	vadd.s32 v11, v22;
	[tilespmem:s15+$0x20] =	vst v47;
	v13 =	vld.idx.msk [tilespmem:v52+s3+$0x0], $0xffff  }
0x2bf: {  	v48 =	vadd.s32 v12, v21;
	v31 =	vld.idx.msk [tilespmem:v53+s3+$0x0], $0xffff;
	[tilespmem:s2+$0xB0] =	vst v51  }
0x2c0: {  	v61 =	vadd.s32 v12, v29;
	v54 =	vld.idx.msk [tilespmem:v46+s26+$0x0], $0xffff;
	[tilespmem:s12+$0x30] =	vst v58  }
0x2c1: {  	v41 =	vadd.s32 v10, v17;
	v15 =	vld.idx.msk [tilespmem:v50+s3+$0x0], $0xffff;
	[tilespmem:s11+$0x20] =	vst v32  }
0x2c2: {  	v42 =	vor.u32 v4, v19;
	v62 =	vld.idx.msk [tilespmem:v55+s26+$0x0], $0xffff;
	[tilespmem:s10+$0x30] =	vst v30  }
0x2c3: {  	v55 =	vor.u32 v4, v27;
	v44 =	vld.idx.msk [tilespmem:v63+s3+$0x0], $0xffff;
	[tilespmem:s16+$0xFFFFF020] =	vst v13  }
0x2c4: {  	v59 =	vor.u32 v5, v26;
	v56 =	vld.idx.msk [tilespmem:v48+s3+$0x0], $0xffff;
	[tilespmem:s2+$0xFFFFF040] =	vst v31  }
0x2c5: {  	v40 =	vadd.s32 v11, v25;
	[tilespmem:s2+$0x1C0] =	vst v54;
	v12 =	vld.idx.msk [tilespmem:v61+s3+$0x0], $0xffff  }
0x2c6: {  	v60 =	vadd.s32 v11, v21;
	[tilespmem:s15+$0x30] =	vst v15;
	v49 =	vld.idx.msk [tilespmem:v41+s3+$0x0], $0xffff  }
0x2c7: {  	v45 =	vadd.s32 v11, v29;
	[tilespmem:s2+$0x130] =	vst v62;
	v15 =	vld.idx.msk [tilespmem:v42+s26+$0x0], $0xffff  }
0x2c8: {  	v43 =	vor.u32 v4, v18;
	v61 =	vld.idx.msk [tilespmem:v55+s26+$0x0], $0xffff;
	[tilespmem:s12+$0x40] =	vst v44  }
0x2c9: {  	v50 =	vadd.s32 v10, v22;
	v34 =	vld.idx.msk [tilespmem:v59+s26+$0x0], $0xffff;
	[tilespmem:s11+$0x30] =	vst v56  }
0x2ca: {  	v52 =	vadd.s32 v9, v17;
	v47 =	vld.idx.msk [tilespmem:v40+s3+$0x0], $0xffff;
	[tilespmem:s16+$0xFFFFF030] =	vst v12  }
0x2cb: {  	v51 =	vadd.s32 v10, v25;
	v14 =	vld.idx.msk [tilespmem:v60+s3+$0x0], $0xffff;
	[tilespmem:s2+$0xFFFFF050] =	vst v49  }
0x2cc: {  	v48 =	vadd.s32 v10, v21;
	[tilespmem:s2+$0xC0] =	vst v15;
	v11 =	vld.idx.msk [tilespmem:v45+s3+$0x0], $0xffff  }
0x2cd: {  	v54 =	vadd.s32 v10, v29;
	v13 =	vld.idx.msk [tilespmem:v43+s26+$0x0], $0xffff;
	[tilespmem:s10+$0x40] =	vst v61  }
0x2ce: {  	v46 =	vor.u32 v6, v26;
	v56 =	vld.idx.msk [tilespmem:v50+s3+$0x0], $0xffff;
	[tilespmem:s2+$0x1D0] =	vst v34  }
0x2cf: {  	v58 =	vadd.s32 v9, v22;
	[tilespmem:s15+$0x40] =	vst v47;
	v12 =	vld.idx.msk [tilespmem:v52+s3+$0x0], $0xffff  }
0x2d0: {  	v60 =	vor.u32 v5, v19;
	[tilespmem:s11+$0x40] =	vst v14;
	v14 =	vld.idx.msk [tilespmem:v51+s3+$0x0], $0xffff  }
0x2d1: {  	v59 =	vadd.s32 v9, v25;
	v30 =	vld.idx.msk [tilespmem:v48+s3+$0x0], $0xffff;
	[tilespmem:s16+$0xFFFFF040] =	vst v11  }
0x2d2: {  	v57 =	vadd.s32 v9, v21;
	[tilespmem:s2+$0x140] =	vst v13;
	v10 =	vld.idx.msk [tilespmem:v54+s3+$0x0], $0xffff  }
0x2d3: {  	v62 =	vadd.s32 v9, v29;
	v53 =	vld.idx.msk [tilespmem:v46+s26+$0x0], $0xffff;
	[tilespmem:s12+$0x50] =	vst v56  }
0x2d4: {  	v42 =	vor.u32 v5, v18;
	v15 =	vld.idx.msk [tilespmem:v58+s3+$0x0], $0xffff;
	[tilespmem:s2+$0xFFFFF060] =	vst v12  }
0x2d5: {  	v36 =	vadd.s32 v8, v22;
	v11 =	vld.idx.msk [tilespmem:v60+s26+$0x0], $0xffff;
	[tilespmem:s15+$0x50] =	vst v14  }
0x2d6: {  	v38 =	vadd.s32 v8, v17;
	[tilespmem:s11+$0x50] =	vst v30;
	v13 =	vld.idx.msk [tilespmem:v59+s3+$0x0], $0xffff  }
0x2d7: {  	v37 =	vadd.s32 v8, v25;
	v30 =	vld.idx.msk [tilespmem:v57+s3+$0x0], $0xffff;
	[tilespmem:s16+$0xFFFFF050] =	vst v10  }
0x2d8: {  	v35 =	vadd.s32 v8, v21;
	[tilespmem:s2+$0x1E0] =	vst v53;
	v39 =	vld.idx.msk [tilespmem:v62+s3+$0x0], $0xffff  }
0x2d9: {  	v41 =	vadd.s32 v8, v29;
	v49 =	vld.idx.msk [tilespmem:v42+s26+$0x0], $0xffff;
	[tilespmem:s12+$0x60] =	vst v15  }
0x2da: {  	v63 =	vor.u32 v7, v26;
	v15 =	vld.idx.msk [tilespmem:v36+s3+$0x0], $0xffff;
	[tilespmem:s2+$0xD0] =	vst v11;
	v10 =	vand.u32 $0x1D, v20  }
0x2db: {  	v8 =	vand.u32 $0x1C, v16;
	v17 =	vld.idx.msk [tilespmem:v38+s3+$0x0], $0xffff;
	v45 =	vor.u32 v0, v10;
	[tilespmem:s15+$0x60] =	vst v13  }
0x2dc: {  	v47 =	vor.u32 v0, v8;
	v11 =	vand.u32 $0x1E, v23;
	[tilespmem:s11+$0x60] =	vst v30;
	v44 =	vld.idx.msk [tilespmem:v37+s3+$0x0], $0xffff  }
0x2dd: {  	v9 =	vand.u32 $0x1F, v28;
	v46 =	vor.u32 v0, v11;
	v14 =	vld.idx.msk [tilespmem:v35+s3+$0x0], $0xffff;
	[tilespmem:s16+$0xFFFFF060] =	vst v39  }
0x2de: {  	v43 =	vor.u32 v0, v9;
	v12 =	vand.u32 $0x1C, v24;
	[tilespmem:s2+$0x150] =	vst v49;
	v48 =	vld.idx.msk [tilespmem:v41+s3+$0x0], $0xffff  }
0x2df: {  	v50 =	vor.u32 v0, v12;
	v40 =	vld.idx.msk [tilespmem:v63+s26+$0x0], $0xffff;
	[tilespmem:s12+$0x70] =	vst v15  }
0x2e0: {  	v33 =	vor.u32 v6, v18;
	[tilespmem:s2+$0xFFFFF070] =	vst v17;
	v15 =	vld.idx.msk [tilespmem:v45+s26+$0x0], $0xffff  }
0x2e1: {  	v53 =	vor.u32 v1, v10;
	v54 =	vld.idx.msk [tilespmem:v47+s26+$0x0], $0xffff;
	[tilespmem:s15+$0x70] =	vst v44  }
0x2e2: {  	v56 =	vor.u32 v1, v8;
	[tilespmem:s11+$0x70] =	vst v14;
	v16 =	vld.idx.msk [tilespmem:v46+s26+$0x0], $0xffff  }
0x2e3: {  	v55 =	vor.u32 v1, v11;
	v13 =	vld.idx.msk [tilespmem:v43+s26+$0x0], $0xffff;
	[tilespmem:s16+$0xFFFFF070] =	vst v48  }
0x2e4: {  	v52 =	vor.u32 v1, v9;
	[tilespmem:s2+$0x1F0] =	vst v40;
	v14 =	vld.idx.msk [tilespmem:v50+s26+$0x0], $0xffff  }
0x2e5: {  	v58 =	vor.u32 v1, v12;
	v38 =	vld.idx.msk [tilespmem:v33+s26+$0x0], $0xffff;
	[tilespmem:s16+$0x80] =	vst v15  }
0x2e6: {  	v51 =	vor.u32 v5, v27;
	[tilespmem:s2+$0x0] =	vst v54;
	v61 =	vld.idx.msk [tilespmem:v53+s26+$0x0], $0xffff  }
0x2e7: {  	v63 =	vor.u32 v2, v10;
	v28 =	vld.idx.msk [tilespmem:v56+s26+$0x0], $0xffff;
	[tilespmem:s16+$0x100] =	vst v16  }
0x2e8: {  	v30 =	vor.u32 v2, v8;
	[tilespmem:s16+$0x180] =	vst v13;
	v62 =	vld.idx.msk [tilespmem:v55+s26+$0x0], $0xffff  }
0x2e9: {  	v29 =	vor.u32 v2, v11;
	v20 =	vld.idx.msk [tilespmem:v52+s26+$0x0], $0xffff;
	[tilespmem:s16+$0x0] =	vst v14  }
0x2ea: {  	v60 =	vor.u32 v2, v9;
	[tilespmem:s2+$0x160] =	vst v38;
	v13 =	vld.idx.msk [tilespmem:v58+s26+$0x0], $0xffff  }
0x2eb: {  	v32 =	vor.u32 v2, v12;
	v57 =	vld.idx.msk [tilespmem:v51+s26+$0x0], $0xffff;
	[tilespmem:s16+$0x90] =	vst v61  }
0x2ec: {  	v59 =	vor.u32 v6, v19;
	[tilespmem:s2+$0x10] =	vst v28;
	v21 =	vld.idx.msk [tilespmem:v63+s26+$0x0], $0xffff  }
0x2ed: {  	v35 =	vor.u32 v3, v10;
	v14 =	vld.idx.msk [tilespmem:v30+s26+$0x0], $0xffff;
	[tilespmem:s16+$0x110] =	vst v62  }
0x2ee: {  	v37 =	vor.u32 v3, v8;
	[tilespmem:s16+$0x190] =	vst v20;
	v17 =	vld.idx.msk [tilespmem:v29+s26+$0x0], $0xffff  }
0x2ef: {  	v36 =	vor.u32 v3, v11;
	v15 =	vld.idx.msk [tilespmem:v60+s26+$0x0], $0xffff;
	[tilespmem:s16+$0x10] =	vst v13  }
0x2f0: {  	v34 =	vor.u32 v3, v9;
	[tilespmem:s10+$0x50] =	vst v57;
	v20 =	vld.idx.msk [tilespmem:v32+s26+$0x0], $0xffff  }
0x2f1: {  	v31 =	vld.idx.msk [tilespmem:v59+s26+$0x0], $0xffff;
	v39 =	vor.u32 v3, v12;
	[tilespmem:s16+$0xA0] =	vst v21  }
0x2f2: {  	v40 =	vor.u32 v6, v27;
	[tilespmem:s2+$0x20] =	vst v14;
	v22 =	vld.idx.msk [tilespmem:v35+s26+$0x0], $0xffff  }
0x2f3: {  	v42 =	vor.u32 v4, v10;
	v13 =	vld.idx.msk [tilespmem:v37+s26+$0x0], $0xffff;
	[tilespmem:s16+$0x120] =	vst v17  }
0x2f4: {  	v44 =	vor.u32 v4, v8;
	[tilespmem:s16+$0x1A0] =	vst v15;
	v17 =	vld.idx.msk [tilespmem:v36+s26+$0x0], $0xffff  }
0x2f5: {  	v43 =	vor.u32 v4, v11;
	v16 =	vld.idx.msk [tilespmem:v34+s26+$0x0], $0xffff;
	[tilespmem:s16+$0x20] =	vst v20  }
0x2f6: {  	[tilespmem:s2+$0xE0] =	vst v31;
	v41 =	vor.u32 v4, v9;
	v15 =	vld.idx.msk [tilespmem:v39+s26+$0x0], $0xffff  }
0x2f7: {  	v45 =	vld.idx.msk [tilespmem:v40+s26+$0x0], $0xffff;
	v46 =	vor.u32 v4, v12;
	[tilespmem:s16+$0xB0] =	vst v22  }
0x2f8: {  	v47 =	vor.u32 v7, v19;
	[tilespmem:s2+$0x30] =	vst v13;
	v23 =	vld.idx.msk [tilespmem:v42+s26+$0x0], $0xffff  }
0x2f9: {  	v49 =	vor.u32 v5, v10;
	v50 =	vld.idx.msk [tilespmem:v44+s26+$0x0], $0xffff;
	[tilespmem:s16+$0x130] =	vst v17  }
0x2fa: {  	v52 =	vor.u32 v5, v8;
	[tilespmem:s16+$0x1B0] =	vst v16;
	v14 =	vld.idx.msk [tilespmem:v43+s26+$0x0], $0xffff  }
0x2fb: {  	v51 =	vor.u32 v5, v11;
	v21 =	vld.idx.msk [tilespmem:v41+s26+$0x0], $0xffff;
	[tilespmem:s16+$0x30] =	vst v15  }
0x2fc: {  	[tilespmem:s10+$0x60] =	vst v45;
	v48 =	vor.u32 v5, v9;
	v16 =	vld.idx.msk [tilespmem:v46+s26+$0x0], $0xffff  }
0x2fd: {  	v19 =	vld.idx.msk [tilespmem:v47+s26+$0x0], $0xffff;
	v53 =	vor.u32 v5, v12;
	[tilespmem:s16+$0xC0] =	vst v23  }
0x2fe: {  	v54 =	vor.u32 v7, v18;
	[tilespmem:s2+$0x40] =	vst v50;
	v13 =	vld.idx.msk [tilespmem:v49+s26+$0x0], $0xffff  }
0x2ff: {  	v56 =	vor.u32 v6, v10;
	v15 =	vld.idx.msk [tilespmem:v52+s26+$0x0], $0xffff;
	[tilespmem:s16+$0x140] =	vst v14  }
0x300: {  	v58 =	vor.u32 v6, v8;
	[tilespmem:s16+$0x1C0] =	vst v21;
	v14 =	vld.idx.msk [tilespmem:v51+s26+$0x0], $0xffff  }
0x301: {  	v57 =	vor.u32 v6, v11;
	v22 =	vld.idx.msk [tilespmem:v48+s26+$0x0], $0xffff;
	[tilespmem:s16+$0x40] =	vst v16  }
0x302: {  	[tilespmem:s2+$0xF0] =	vst v19;
	v55 =	vor.u32 v6, v9;
	v59 =	vld.idx.msk [tilespmem:v53+s26+$0x0], $0xffff  }
0x303: {  	v18 =	vld.idx.msk [tilespmem:v54+s26+$0x0], $0xffff;
	v60 =	vor.u32 v6, v12;
	[tilespmem:s16+$0xD0] =	vst v13  }
0x304: {  	v61 =	vor.u32 v7, v27;
	[tilespmem:s2+$0x50] =	vst v15;
	v13 =	vld.idx.msk [tilespmem:v56+s26+$0x0], $0xffff  }
0x305: {  	v10 =	vor.u32 v7, v10;
	v15 =	vld.idx.msk [tilespmem:v58+s26+$0x0], $0xffff;
	[tilespmem:s16+$0x150] =	vst v14  }
0x306: {  	v8 =	vor.u32 v7, v8;
	[tilespmem:s16+$0x1D0] =	vst v22;
	v14 =	vld.idx.msk [tilespmem:v57+s26+$0x0], $0xffff  }
0x307: {  	v11 =	vor.u32 v7, v11;
	v23 =	vld.idx.msk [tilespmem:v55+s26+$0x0], $0xffff;
	[tilespmem:s16+$0x50] =	vst v59  }
0x308: {  	v9 =	vor.u32 v7, v9;
	[tilespmem:s2+$0x170] =	vst v18;
	v62 =	vld.idx.msk [tilespmem:v60+s26+$0x0], $0xffff  }
0x309: {  	v63 =	vld.idx.msk [tilespmem:v61+s26+$0x0], $0xffff;
	v12 =	vor.u32 v7, v12;
	[tilespmem:s16+$0xE0] =	vst v13  }
0x30a: {  	[tilespmem:s2+$0x60] =	vst v15;
	v10 =	vld.idx.msk [tilespmem:v10+s26+$0x0], $0xffff  }
0x30b: {  	v8 =	vld.idx.msk [tilespmem:v8+s26+$0x0], $0xffff;
	[tilespmem:s16+$0x160] =	vst v14  }
0x30c: {  	[tilespmem:s16+$0x1E0] =	vst v23;
	v11 =	vld.idx.msk [tilespmem:v11+s26+$0x0], $0xffff  }
0x30d: {  	v9 =	vld.idx.msk [tilespmem:v9+s26+$0x0], $0xffff;
	[tilespmem:s16+$0x60] =	vst v62  }
0x30e: {  	s18 =	sadd.s32 $0x1, s18;
	[tilespmem:s10+$0x70] =	vst v63;
	v12 =	vld.idx.msk [tilespmem:v12+s26+$0x0], $0xffff  }
0x30f: {  	p0 =	sne.s32 s18, $0x64;
	s19 =	sadd.s32 s8, s6;
	[tilespmem:s16+$0xF0] =	vst v10  }
.Ltmp2:
0x310: {  	s6 =	sshll.u32 s19, $0x7;
	[tilespmem:s2+$0x70] =	vst v8;
	(pc) =	sbr.rel @p0 .LBB2_2-.Ltmp2, $4  }
0x311: {  	s0 =	sshll.u32 s19, $0xA;
	s6 =	sand.u32 $0xF80, s6;
	[tilespmem:s16+$0x170] =	vst v11  }
0x312: {  	s0 =	sand.u32 $0xFFF8000, s0;
	s21 =	sadd.s32 s1, s6;
	[tilespmem:s16+$0x1F0] =	vst v9  }
0x313: {  	s30 =	simm.s32 $0xBF00;
	s0 =	sadd.s32 s0, s21;
	[tilespmem:s16+$0x70] =	vst v12  }
0x314: {  	[hbm4b:s0+s28] =	stream.strided.scatter [tilespmem:s30], [sflag:$0x6], $0x2000, s29, s28, $0x38;
	[tilespmem:$0xDF00] =	vst v63  }
0x315: {  	s0 =	simm.s32 $0x5  }
0x316: {  	_ =	swait.ge [sflag:s0], $0x2000  }
0x317: {  	[sflag:s0] =	ssyncset.done $0x0  }
0x318: {  	[sflag:s0] =	ssyncadd.s32 $0xFFFFE000  }
0x319: {  	_ =	swait.ge [sflag:s17], $0x2000  }
0x31a: {  	s2 =	rddreg [dreg:$0x9]  }
0x31b: {  	s30 =	rddreg [dreg:$0x8];
	s2 =	sadd.s32 $0x1, s2  }
0x31c: {  	p0 =	sne.s32 s2, s30  }
.Ltmp3:
0x31d: {  	_ = 	snop;
	(pc) =	sbr.rel @p0 .LBB2_1-.Ltmp3, $3  }
0x31e: {  	_ =	sdelay $0x1  }
0x31f: {  	[sflag:s17] =	ssyncset.done $0x0  }
0x320: {  	[sflag:s17] =	ssyncadd.s32 $0xFFFFE000  }
0x321: {  	_ =	sfence.sel $0x180000  }
0x322: {  	[bflag:$0x0] =	sbarrier.arrive $0xFFFF  }
0x323: {  	_ =	strace $0x9000004A  }
0x324: {  	s0 =	stileid.u32;
	[bflag:$0x2] =	sbarrier.arrive $0xFFFF  }
0x325: {  	p0 =	sne.s32 s0, $0x0;
	s0 =	rddreg [dreg:$0x2]  }
0x326: {  	s0 =	sadd.s32 @!p0 $0x100000, s0  }
0x327: {  	[sflag:s0] =	ssyncadd.tile.s32 @!p0 $0x1;
	_ =	shalt  }
.Lfunc_end2:
_tile_overlayer_lowered:
.L_overlay_start_2:
0x328: {  	(tag) =	ssettag $0x2  }
0x329: {  	s0 =	rddreg [dreg:$0x0];
	s2 =	stileid.u32  }
0x32a: {  	s1 =	rddreg [dreg:$0x1];
	p0 =	sne.s32 s2, $0x0  }
0x32b: {  	s3 =	rddreg [dreg:$0x2];
	[bflag:$0x3] =	sbarrier.arrive $0xFFFF;
	s2 =	simm.s32 @!p0 $0x1C07  }
0x32c: {  	[timem:s3], [sflag:s2] =	dma.local @!p0 [hbm:s0], s1  }
0x32d: {  	s0 =	simm.s32 @!p0 $0x7  }
0x32e: {  	_ =	swait.ge @!p0 [sflag:s0], s1  }
0x32f: {  	s1 =	ssub.s32 @!p0 $0x0, s1;
	[sflag:s0] =	ssyncset.done @!p0 $0x0  }
0x330: {  	[sflag:s0] =	ssyncadd.s32 @!p0 s1  }
0x331: {  	[bflag:$0x3] =	sbarrier.arrive $0xFFFF  }
0x332: {  	_ =	shalt  }

// kernel: sparse-core-data-format-call.cloned.1.call-start
scs
called_computation_lowered:
.L_overlay_start_0:
0x0: {  	s2 =	sld [smem:$0x3FD9]  }
0x1: {  	s3 =	sld [smem:$0x3FFE];
	_ =	sdelay $0x1  }
0x2: {  	s1 =	srdreg.scid  }
0x3: {  	s0 =	sand.u32 $0x1, s1  }
0x4: {  	s18 =	sshll.u32 s0, $0xA;
	s2 =	sadd.s32 s3, s2  }
0x5: {  	s2 =	sadd.s32 s2, s18  }
0x6: {  	[smem:$0x3FC4] =	sst s2  }
0x7: {  	_ = 	snop  }
0x8: {  	s2 =	sld [smem:$0x3FC6];
	(tm) =	ssettm $0x1  }
0x9: {  	s19 =	sld [smem:$0x3FFB];
	_ =	sdelay $0x3  }
0xa: {  	_ =	strace s19  }
0xb: {  	s3 =	sld [smem:$0x3FFC];
	_ =	sdelay $0x3  }
0xc: {  	_ =	strace s3  }
0xd: {  	s3 =	sld [smem:$0x3FFD];
	_ =	sdelay $0x3  }
0xe: {  	_ =	strace s3  }
0xf: {  	_ =	strace $0x8FFFFFFF  }
0x10: {  	s20 =	sld [smem:$0x3FDB];
	_ =	sdelay $0x1  }
0x11: {  	s4 =	simm.s32 $_scs_section_size  }
0x12: {  	s5 =	simm.s32 $_size__tile_overlayer_lowered;
	s6 =	simm.s32 $_tile_overlayer_lowered  }
0x13: {  	s23 =	simm.s32 $0x1BFF;
	s22 =	sshll.u32 s6, $0x1;
	s3 =	sadd.s32 s4, s20  }
0x14: {  	s7 =	simm.s32 $0x0;
	s21 =	sshll.u32 s5, $0x1;
	s5 =	sadd.s32 s22, s3  }
0x15: {  	[timem:s7], [sflag:s23] =	dma.local [hbm:s5], s21  }
0x16: {  	_ =	swait.ge [sflag:s23], s21  }
0x17: {  	s4 =	ssub.s32 $0x0, s21;
	[sflag:s23] =	ssyncset.done $0x0  }
0x18: {  	[sflag:s23] =	ssyncadd.s32 s4;
	_ =	sdelay $0x1  }
0x19: {  	s24 =	simm.s32 $0x1B8B  }
0x1a: {  	_ =	swait.ge [sflag:s24], $0x1  }
0x1b: {  	[sflag:s24] =	ssyncset.done $0x0  }
0x1c: {  	s26 =	simm.s32 $0x1B8E;
	s25 =	sld [smem:$0x3FFE];
	[sflag:s24] =	ssyncadd.s32 $0xFFFFFFFF  }
0x1d: {  	s27 =	simm.s32 $execute0_lowered;
	[smem:$0x3FD2] =	sst s26  }
0x1e: {  	s5 =	sshll.u32 s27, $0x1;
	_ =	strace $0x80000046;
	[dreg:$0x1] =	wrdreg $0xFFFFFFFF  }
0x1f: {  	s28 =	simm.s32 $_size_execute0_lowered;
	s3 =	sadd.s32 s3, s5;
	[dreg:$0x0] =	wrdreg $0x0  }
0x20: {  	s5 =	sshll.u32 s28, $0x1;
	[dreg:$0x2] =	wrdreg s3  }
0x21: {  	[dreg:$0x3] =	wrdreg s5  }
0x22: {  	[dreg:$0x4] =	wrdreg $0xC0  }
0x23: {  	_ =	task [dreg:s7], $0x5FFFF  }
0x24: {  	[dreg:$0x1] =	wrdreg $0xFFFFFFFF  }
0x25: {  	[dreg:$0x0] =	wrdreg $0x60  }
0x26: {  	[dreg:$0x2] =	wrdreg s2  }
0x27: {  	[dreg:$0x3] =	wrdreg s25  }
0x28: {  	[dreg:$0x4] =	wrdreg $0x9  }
0x29: {  	_ =	task.clear_ibuf [dreg:s7], $0x5FFFF;
	_ =	strace $0x90000046  }
0x2a: {  	s29 =	simm.s32 $0x9;
	_ =	strace $0x80000048  }
0x2b: {  	_ =	swait.ge [sflag:s29], $0x1  }
0x2c: {  	[sflag:s29] =	ssyncadd.s32 $0xFFFFFFFF  }
0x2d: {  	_ =	strace $0x90000048  }
0x2e: {  	_ =	sfence  }
0x2f: {  	s30 =	sld [smem:$0x0];
	_ =	sdelay $0x2  }
0x30: {  	s31 =	sshll.u32 s1, $0xD;
	s1 =	sshrl.u32 s1, $0x2  }
0x31: {  	s3 =	sand.u32 $0x4000, s31;
	s1 =	sadd.s32 s1, s30  }
0x32: {  	s0 =	sor.u32 s3, s0;
	s1 =	sshll.u32 s1, $0x11  }
0x33: {  	s0 =	sor.u32 s1, s0  }
0x34: {  	s0 =	sadd.s32 $0x8F2B, s0  }
0x35: {  	[sflag:s0] =	ssyncadd.remote.s32 $0x1  }
0x36: {  	_ =	sfence.sel $0xFFFF  }
0x37: {  	[dreg:$0x0] =	wrdreg $0xFFFFFFFF;
	(pc) =	sbr.abs _section_cstart, $3  }
0x38: {  	[dreg:$0x1] =	wrdreg $0xFFFFFFFF  }
0x39: {  	_ =	task.clear_ibuf [dreg:s7], $0x2FFFF;
	_ =	strace $0x9FFFFFFF  }
0x3a: {  	(tm) =	ssettm $0x7FFFFFFF  }
0x3b: {  	_ =	shalt  }
tec
execute0_lowered:
.L_overlay_start_1:
0x0: {  	(tag) =	ssettag $0x1  }
0x1: {  	s0 =	srdreg.scid;
	s2 =	rddreg [dreg:$0x0]  }
0x2: {  	s5 =	rddreg [dreg:$0x1];
	s1 =	stileid.u32  }
0x3: {  	s4 =	simm.s32 $0x1;
	s6 =	simm.s32 $0x2;
	s15 =	simm.s32 $0x0  }
0x4: {  	p0 =	por $0x0, $0x0;
	s8 =	simm.s32 $0x80;
	s0 =	sshll.u32 s0, $0x4  }
0x5: {  	s14 =	simm.s32 $0x0;
	s9 =	simm.s32 $0x0;
	s3 =	sand.u32 $0x10, s0  }
.Ltmp0:
0x6: {  	s10 =	simm.s32 $0x0;
	s3 =	sor.u32 s1, s3;
	(pc) =	sbr.rel .LBB1_1-.Ltmp0, $4  }
0x7: {  	s0 =	rddreg [dreg:$0x2];
	_ =	strace $0x80000047;
	s3 =	sshll.u32 s3, $0x7  }
0x8: {  	s12 =	simm.s32 $0x0;
	[sflag:s4] =	ssyncpa.u1 $0x0;
	s7 =	ssub.s32 $0xF4200, s3  }
0x9: {  	s13 =	simm.s32 $0x0;
	[sflag:s6] =	ssyncpa.u1 $0x0;
	s6 =	sshrl.u32 s7, $0xC  }
0xa: {  	s5 =	sadd.s32 $0xE00, s5;
	s11 =	smov.u32 s3;
	s7 =	sadd.s32 $0x2, s6  }
.LBB1_5:
0xb: {  	p1 =	slt.u32 s13, $0x2  }
0xc: {  	s17 =	smov.u32 s15;
	p2 =	sgt.s32 @!p1 s15, $0xF41C0;
	s16 =	sshra.s32 @!p1 s15, $0x1F  }
0xd: {  	p3 =	sgt.s32 @!p1 s14, $0x60;
	s18 =	sshra.s32 @!p1 s14, $0x1F;
	p2 =	por !p2, p1  }
0xe: {  	s15 =	sand.u32 @!p1 s16, s15;
	p3 =	por !p3, p1;
	s16 =	smov.u32 s14  }
0xf: {  	s14 =	sand.u32 @!p1 s18, s14;
	s17 =	simm.s32 @p2 $0xF41C0;
	s16 =	simm.s32 @p3 $0x60  }
0x10: {  	s15 =	ssub.s32 @!p1 s17, s15;
	s14 =	ssub.s32 @!p1 s16, s14  }
0x11: {  	s18 =	smov.u32 s12;
	s16 =	sadd.s32 @!p1 $0xFFF0BE40, s15;
	s17 =	sadd.s32 @!p1 $0xFFFFFFA0, s14  }
0x12: {  	s15 =	ssub.s32 @!p1 $0xF4240, s15;
	p2 =	sgt.s32 @!p1 s16, $0x7F;
	p3 =	sgt.s32 @!p1 s17, $0x1F  }
0x13: {  	s14 =	ssub.s32 @!p1 $0x80, s14;
	p2 =	por !p2, p1;
	p3 =	por !p3, p1  }
0x14: {  	s16 =	sadd.s32 $0x1000, s11;
	s15 =	simm.s32 @!p2 $0x0;
	s14 =	simm.s32 @!p3 $0x0  }
0x15: {  	p2 =	sgt.s32 s16, $0xF423F;
	s14 =	smul.u32 @!p1 s14, s15;
	s15 =	sadd.s32 $0x20, s12  }
0x16: {  	s18 =	smov.u32 @p2 s15  }
0x17: {  	s16 =	smov.u32 @p2 s3;
	p2 =	sgt.s32 s18, $0x1F  }
0x18: {  	s18 =	simm.s32 @p2 $0x0;
	p2 =	sne.s32 s13, s7  }
.Ltmp1:
0x19: {  	p0 =	por !p0, !p0;
	s17 =	simm.s32 @!p1 $0x2;
	(pc) =	sbr.rel @!p2 .LBB1_6-.Ltmp1, $4  }
0x1a: {  	s15 =	smov.u32 s9;
	s9 =	smov.u32 s11;
	s14 =	sand.u32 @!p1 $0x3FFFFFFF, s14  }
0x1b: {  	s11 =	smov.u32 s16;
	_ =	swait.ge @!p1 [sflag:s17], s14;
	s19 =	ssub.s32 @!p1 $0x0, s14  }
0x1c: {  	s14 =	smov.u32 s10;
	s13 =	sadd.s32 $0x1, s13;
	[sflag:s17] =	ssyncset.done @!p1 $0x0  }
0x1d: {  	s10 =	smov.u32 s12;
	s12 =	smov.u32 s18;
	[sflag:s17] =	ssyncadd.s32 @!p1 s19  }
.LBB1_1:
0x1e: {  	p1 =	sgt.u32 s13, s6  }
0x1f: {  	s16 =	sshrl.u32 @!p1 s12, $0x3  }
0x20: {  	s17 =	sshll.u32 @!p1 s11, $0x3;
	s16 =	smul.u32 @!p1 $0x7A1400, s16  }
0x21: {  	s18 =	sshll.u32 @!p1 s12, $0x7;
	s17 =	sand.u32 @!p1 $0xFFFFFC00, s17  }
0x22: {  	s16 =	sadd.s32 @!p1 s16, s17;
	s17 =	sand.u32 @!p1 $0x380, s18  }
0x23: {  	s18 =	sand.u32 @!p1 $0x7F, s11;
	s16 =	sor.u32 @!p1 s17, s16  }
0x24: {  	s17 =	sor.u32 @!p1 s18, s16  }
0x25: {  	s18 =	smulhi.u32 @!p1 $0x218D6287, s17;
	_ =	sdelay $0x1  }
0x26: {  	s16 =	smulhi.u32 @!p1 $0x218D6287, s16;
	s18 =	sshrl.u32 @!p1 s18, $0x11  }
0x27: {  	s18 =	smul.u32 @!p1 $0xF4280, s18  }
0x28: {  	s19 =	sxor.u32 @!p1 $0xFFFFFFFF, s13;
	s16 =	sshrl.u32 @!p1 s16, $0x11  }
0x29: {  	s19 =	sshll.u32 @!p1 s19, $0xC;
	s16 =	sand.u32 @!p1 $0x1F, s16;
	s17 =	ssub.s32 @!p1 s17, s18  }
0x2a: {  	s16 =	smul.u32 @!p1 $0x1E850, s16;
	s18 =	sshrl.u32 @!p1 s17, $0x3;
	s17 =	sand.u32 @!p1 $0x7, s17  }
0x2b: {  	s19 =	sand.u32 @!p1 $0x1000, s19;
	s18 =	sadd.s32 @!p1 s2, s18;
	s17 =	sshll.u32 @!p1 s17, $0x12  }
0x2c: {  	s16 =	sadd.s32 @!p1 s16, s18;
	s17 =	sor.u32 @!p1 $0x400, s17;
	s18 =	simm.s32 @!p1 $0x7A1400  }
0x2d: {  	[tilespmem:s19], [sflag:$0x1] =	stream.strided.gather @!p1 [hbm4b:s16+s17], $0x1000, s18, s17, $0x38;
	[tilespmem:$0x4100] =	vst v63  }
0x2e: {  	p1 =	seq.s32 s13, $0x0  }
0x2f: {  	p2 =	sge.u32 @!p1 s13, s7  }
0x30: {  	p1 =	por p1, p2  }
.Ltmp2:
0x31: {  	_ = 	snop;
	(pc) =	sbr.rel @p1 .LBB1_5-.Ltmp2, $1  }
0x32: {  	_ =	sdelay $0x3  }
0x33: {  	s16 =	simm.s32 $0x1  }
0x34: {  	_ =	swait.ge [sflag:s4], $0x1000;
	s16 =	simm.s32 @!p0 $0x0  }
0x35: {  	[sflag:s4] =	ssyncset.done $0x0;
	s17 =	sshll.u32 s16, $0xC  }
0x36: {  	[sflag:s4] =	ssyncadd.s32 $0xFFFFF000;
	s17 =	sor.u32 $0x40, s17  }
0x37: {  	s16 =	smul.u32 $0x4200, s16;
	v0 =	vld [tilespmem:s17+$0x30]  }
0x38: {  	v1 =	vld [tilespmem:s17+$0xFFFFFFD0]  }
0x39: {  	s16 =	sshrl.u32 s16, $0x2;
	v5 =	vld [tilespmem:s17+$0xFFFFFFE0]  }
0x3a: {  	v6 =	vld [tilespmem:s17+$0xFFFFFFF0];
	s19 =	sor.u32 $0x2000, s16  }
0x3b: {  	s31 =	sand.u32 $0x1, s13;
	v4 =	vld [tilespmem:s17+$0x0];
	s18 =	sadd.s32 $0x0, s19  }
0x3c: {  	v3 =	vld [tilespmem:s17+$0x10];
	s16 =	smul.u32 $0x4200, s31;
	[tilespmem:s18+$0xE70 ss:$0x21] =	vst.msk $0xffff, v0  }
0x3d: {  	v2 =	vld [tilespmem:s17+$0x20];
	[tilespmem:s18+$0x210 ss:$0x21] =	vst.msk $0xffff, v1  }
0x3e: {  	s16 =	sshrl.u32 s16, $0x2;
	v1 =	vld [tilespmem:s17+$0xFFFFFFC0];
	[tilespmem:s18+$0x420 ss:$0x21] =	vst.msk $0xffff, v5;
	s17 =	sadd.s32 $0x80, s17  }
0x3f: {  	s20 =	simm.s32 $0x4;
	s21 =	simm.s32 $0x8;
	s16 =	sor.u32 $0x2000, s16;
	[tilespmem:s18+$0x630 ss:$0x21] =	vst.msk $0xffff, v6;
	v0 =	vld [tilespmem:s17+$0x30]  }
.LBB1_3:
0x40: {  	p1 =	sne.s32 s21, $0x7C;
	v5 =	vld [tilespmem:s17+$0xFFFFFFD0];
	[tilespmem:s18+$0x840 ss:$0x21] =	vst.msk $0xffff, v4  }
0x41: {  	v6 =	vld [tilespmem:s17+$0xFFFFFFE0];
	[tilespmem:s18+$0xA50 ss:$0x21] =	vst.msk $0xffff, v3  }
0x42: {  	s22 =	sshra.s32 s20, $0x2;
	s20 =	smov.u32 s21;
	v7 =	vld [tilespmem:s17+$0xFFFFFFF0];
	[tilespmem:s18+$0xC60 ss:$0x21] =	vst.msk $0xffff, v2  }
.Ltmp3:
0x43: {  	v4 =	vld [tilespmem:s17+$0x0];
	[tilespmem:s18+$0x0 ss:$0x21] =	vst.msk $0xffff, v1;
	s18 =	sadd.s32 s22, s19;
	(pc) =	sbr.rel @p1 .LBB1_3-.Ltmp3, $4  }
0x44: {  	v3 =	vld [tilespmem:s17+$0x10];
	[tilespmem:s18+$0xE70 ss:$0x21] =	vst.msk $0xffff, v0  }
0x45: {  	[tilespmem:s18+$0x210 ss:$0x21] =	vst.msk $0xffff, v5;
	v2 =	vld [tilespmem:s17+$0x20]  }
0x46: {  	v1 =	vld [tilespmem:s17+$0xFFFFFFC0];
	[tilespmem:s18+$0x420 ss:$0x21] =	vst.msk $0xffff, v6;
	s17 =	sadd.s32 $0x80, s17  }
0x47: {  	s21 =	sadd.s32 $0x4, s21;
	v0 =	vld [tilespmem:s17+$0x30];
	[tilespmem:s18+$0x630 ss:$0x21] =	vst.msk $0xffff, v7  }
0x48: {  	s21 =	sshll.u32 s9, $0x7;
	s22 =	sshll.u32 s10, $0x3;
	s20 =	sshra.s32 s20, $0x2  }
0x49: {  	p1 =	sgt.s32 s9, $0xF41C0;
	s30 =	sshra.s32 s9, $0x1F;
	s25 =	sshra.s32 s10, $0x1F  }
0x4a: {  	v5 =	vld [tilespmem:s17+$0xFFFFFFD0];
	s28 =	sshrl.u32 s10, $0x3;
	s23 =	sand.u32 $0xFFFFFC00, s21;
	s22 =	sand.u32 $0xFFFFFC00, s22  }
0x4b: {  	[tilespmem:s18+$0x840 ss:$0x21] =	vst.msk $0xffff, v4;
	v58 =	vld [tilespmem:s17+$0xFFFFFFE0];
	s21 =	sand.u32 $0x380, s21;
	s19 =	sadd.s32 s20, s19;
	s22 =	sadd.s32 s22, s23  }
0x4c: {  	v59 =	vld [tilespmem:s17+$0xFFFFFFF0];
	[tilespmem:s18+$0xA50 ss:$0x21] =	vst.msk $0xffff, v3;
	s29 =	sor.u32 s21, s22;
	s21 =	smov.u32 s9;
	s22 =	sand.u32 s30, s9  }
0x4d: {  	v60 =	vld [tilespmem:s17+$0x0];
	[tilespmem:s18+$0xC60 ss:$0x21] =	vst.msk $0xffff, v2;
	s30 =	sand.u32 $0x7, s10;
	s20 =	sshrl.u32 s29, $0x7;
	s21 =	simm.s32 @!p1 $0xF41C0  }
0x4e: {  	v61 =	vld [tilespmem:s17+$0x10];
	[tilespmem:s18+$0x0 ss:$0x21] =	vst.msk $0xffff, v1;
	p1 =	sgt.s32 s10, $0x60;
	s24 =	ssub.s32 s21, s22;
	s21 =	smov.u32 s10  }
0x4f: {  	v62 =	vld [tilespmem:s17+$0x20];
	[tilespmem:s19+$0xE70 ss:$0x21] =	vst.msk $0xffff, v0;
	s31 =	smulhi.u32 $0x218DEF5, s20;
	s22 =	sand.u32 s25, s10;
	s21 =	simm.s32 @!p1 $0x60  }
0x50: {  	v63 =	vld [tilespmem:s17+$0xFFFFFFC0];
	[tilespmem:s19+$0x210 ss:$0x21] =	vst.msk $0xffff, v5;
	s26 =	sadd.s32 $0xFFF0BE40, s24;
	s17 =	ssub.s32 $0xF4240, s24;
	s21 =	ssub.s32 s21, s22  }
0x51: {  	[tilespmem:s19+$0x420 ss:$0x21] =	vst.msk $0xffff, v58;
	s23 =	sshrl.u32 s31, $0xD;
	p1 =	sgt.s32 s26, $0x7F;
	s27 =	sadd.s32 $0xFFFFFFA0, s21  }
0x52: {  	[tilespmem:s19+$0x630 ss:$0x21] =	vst.msk $0xffff, v59;
	s23 =	smul.u32 $0xF4240, s23;
	s18 =	ssub.s32 $0x80, s21;
	p2 =	sgt.s32 s27, $0x1F  }
.Ltmp4:
0x53: {  	[tilespmem:s19+$0x840 ss:$0x21] =	vst.msk $0xffff, v60;
	s17 =	simm.s32 @p1 $0x0;
	s18 =	simm.s32 @p2 $0x0;
	(pc) =	sbr.rel .LBB1_5-.Ltmp4, $4  }
0x54: {  	s29 =	sand.u32 $0xF, s28;
	[tilespmem:s19+$0xA50 ss:$0x21] =	vst.msk $0xffff, v61;
	s20 =	ssub.s32 s20, s23;
	s17 =	smul.u32 s18, s17  }
0x55: {  	[tilespmem:s19+$0xC60 ss:$0x21] =	vst.msk $0xffff, v62;
	s21 =	sshll.u32 s30, $0x12;
	s20 =	sshll.u32 s20, $0x4;
	s18 =	sadd.s32 s5, s29  }
0x56: {  	[tilespmem:s19+$0x0 ss:$0x21] =	vst.msk $0xffff, v63;
	s31 =	sor.u32 $0x20, s21;
	s18 =	sadd.s32 s20, s18;
	s17 =	sand.u32 $0x3FFFFFFF, s17  }
0x57: {  	[hbm4b:s18+s31] =	stream.strided.scatter [tilespmem:s16], [sflag:$0x2], s17, s8, s31, $0x10;
	[tilespmem:$0x4100] =	vst v63  }
.LBB1_6:
0x58: {  	_ =	sfence.sel $0x180000  }
0x59: {  	s2 =	simm.s32 $0x1;
	[bflag:$0x0] =	sbarrier.arrive $0xFFFF  }
0x5a: {  	s31 =	simm.s32 $0x2;
	[sflag:s2] =	ssyncpa.u1 $0x1  }
0x5b: {  	[sflag:s31] =	ssyncpa.u1 $0x1  }
0x5c: {  	p0 =	sne.s32 s1, $0x0;
	_ =	strace $0x90000047  }
0x5d: {  	s0 =	sadd.s32 @!p0 $0x100000, s0;
	[bflag:$0x2] =	sbarrier.arrive $0xFFFF  }
0x5e: {  	[sflag:s0] =	ssyncadd.tile.s32 @!p0 $0x1;
	_ =	shalt  }
.Lfunc_end1:
_tile_overlayer_lowered:
.L_overlay_start_2:
0x5f: {  	(tag) =	ssettag $0x2  }
0x60: {  	s0 =	rddreg [dreg:$0x0];
	s2 =	stileid.u32  }
0x61: {  	s1 =	rddreg [dreg:$0x1];
	p0 =	sne.s32 s2, $0x0  }
0x62: {  	s3 =	rddreg [dreg:$0x2];
	[bflag:$0x3] =	sbarrier.arrive $0xFFFF;
	s2 =	simm.s32 @!p0 $0x1C01  }
0x63: {  	[timem:s3], [sflag:s2] =	dma.local @!p0 [hbm:s0], s1  }
0x64: {  	s0 =	simm.s32 @!p0 $0x1  }
0x65: {  	_ =	swait.ge @!p0 [sflag:s0], s1  }
0x66: {  	s1 =	ssub.s32 @!p0 $0x0, s1;
	[sflag:s0] =	ssyncset.done @!p0 $0x0  }
0x67: {  	[sflag:s0] =	ssyncadd.s32 @!p0 s1  }
0x68: {  	[bflag:$0x3] =	sbarrier.arrive $0xFFFF  }
0x69: {  	_ =	shalt  }

</sc_bundles>
